<compile_context>
chip_gen: v7x
topology: tpu7x:2x2x1
jax: 0.10.2.dev20260603
libtpu: 0.0.44.dev20260713+nightly
codegen_flags: <defaults>
</compile_context>

<pallas_src>
import functools

import jax
import jax.numpy as jnp
from jax import lax
from jax.experimental import pallas as pl
from jax.experimental.pallas import tpu as pltpu
from jax.experimental.pallas import tpu_sc as plsc

STATE_SIZE = 100
NUM_CLASSES = 1000
OUT_FEATURES = 128
BATCH = 4096

NUM_CORES = 2
NUM_SUBCORES = 16
NUM_WORKERS = NUM_CORES * NUM_SUBCORES
BAGS_PER_WORKER = BATCH // NUM_WORKERS
LANE = 16
NVEC = OUT_FEATURES // LANE
RING = 4


@functools.partial(
    pl.kernel,
    out_type=jax.ShapeDtypeStruct((BATCH, OUT_FEATURES), jnp.float32),
    mesh=plsc.VectorSubcoreMesh(
        core_axis_name="c", subcore_axis_name="s",
        num_cores=NUM_CORES, num_subcores=NUM_SUBCORES,
    ),
    scratch_types=[
        pltpu.VMEM((BAGS_PER_WORKER, STATE_SIZE), jnp.int32),
        pltpu.VMEM((OUT_FEATURES,), jnp.float32),
        pltpu.VMEM((BAGS_PER_WORKER, OUT_FEATURES), jnp.float32),
    ] + [pltpu.VMEM((STATE_SIZE, OUT_FEATURES), jnp.float32)
         for _ in range(RING)]
      + [pltpu.SemaphoreType.DMA] * (2 * RING),
)
def _embag(tok_hbm, w_hbm, b_hbm, out_hbm,
           tok, bvec, outb, r0, r1, r2, r3,
           g0, g1, g2, g3, h0, h1, h2, h3):
    rows = [r0, r1, r2, r3]
    gsem = [g0, g1, g2, g3]
    hsem = [h0, h1, h2, h3]
    SPLIT = 64

    cid = lax.axis_index("c")
    sid = lax.axis_index("s")
    wid = cid * NUM_SUBCORES + sid

    def gather(j, b):
        pltpu.async_copy(w_hbm.at[tok.at[j, pl.ds(0, SPLIT)]],
                         rows[b].at[pl.ds(0, SPLIT)], gsem[b])
        pltpu.async_copy(w_hbm.at[tok.at[j, pl.ds(SPLIT, STATE_SIZE - SPLIT)]],
                         rows[b].at[pl.ds(SPLIT, STATE_SIZE - SPLIT)], hsem[b])

    def gather_wait(j, b):
        pltpu.make_async_copy(w_hbm.at[tok.at[j, pl.ds(0, SPLIT)]],
                              rows[b].at[pl.ds(0, SPLIT)], gsem[b]).wait()
        pltpu.make_async_copy(w_hbm.at[tok.at[j, pl.ds(SPLIT, STATE_SIZE - SPLIT)]],
                              rows[b].at[pl.ds(SPLIT, STATE_SIZE - SPLIT)],
                              hsem[b]).wait()

    pltpu.sync_copy(tok_hbm.at[wid], tok)
    pltpu.sync_copy(b_hbm, bvec)
    bias_v = [bvec[pl.ds(k * LANE, LANE)] for k in range(NVEC)]

    for b in range(RING):
        gather(b, b)

    def _reduce(j, b):
        buf = rows[b]

        def body(r, acc):
            r2 = r * 2
            return tuple(acc[k] + (buf[r2, pl.ds(k * LANE, LANE)] +
                                   buf[r2 + 1, pl.ds(k * LANE, LANE)])
                         for k in range(NVEC))

        acc = lax.fori_loop(0, STATE_SIZE // 2, body, tuple(bias_v))
        for k in range(NVEC):
            outb[j, pl.ds(k * LANE, LANE)] = acc[k]

    def _lap(it, _):
        j0 = it * RING
        for b in range(RING):
            j = j0 + b
            gather_wait(j, b)
            _reduce(j, b)
            gather(j + RING, b)
        return 0

    lax.fori_loop(0, BAGS_PER_WORKER // RING - 1, _lap, 0)

    t0 = BAGS_PER_WORKER - RING
    for b in range(RING):
        gather_wait(t0 + b, b)
        _reduce(t0 + b, b)

    pltpu.sync_copy(outb, out_hbm.at[pl.ds(wid * BAGS_PER_WORKER,
                                           BAGS_PER_WORKER)])


def kernel(indices, weight, bias):
    offsets = jnp.arange(STATE_SIZE, dtype=indices.dtype) * NUM_CLASSES
    tokens = (indices + offsets[None, :]).astype(jnp.int32)
    tokens = tokens.reshape(NUM_WORKERS, BAGS_PER_WORKER, STATE_SIZE)
    return _embag(tokens, weight, bias.astype(jnp.float32))

# --- scband reference (transcript-rebuilt; emitter-appended) ---
"""Pipeline reference for scband-legacy-compatible-embedding-bag-linear-50654844289240 (READ-ONLY COPY).

The authoritative reference and input builder live on the scoring server;
editing this copy changes nothing except your own understanding.
"""

import jax, jax.numpy as jnp
import numpy as np

STATE_SIZE = 100
NUM_CLASSES = 1000
OUT_FEATURES = 128
BATCH = 4096


def setup_inputs(seed: int = 0) -> dict:
    key = jax.random.key(seed)
    k1, k2, k3 = jax.random.split(key, 3)
    in_features = STATE_SIZE * NUM_CLASSES
    bound = 1.0 / np.sqrt(in_features)
    indices = jax.random.randint(k1, (BATCH, STATE_SIZE), 0, NUM_CLASSES)
    weight = jax.random.uniform(k2, (in_features, OUT_FEATURES), minval=-bound, maxval=bound, dtype=jnp.float32)
    bias = jax.random.uniform(k3, (OUT_FEATURES,), minval=-bound, maxval=bound, dtype=jnp.float32)
    return {"indices": indices, "weight": weight, "bias": bias}


def reference(indices, weight, bias):
    # token_ids = indices + position_offsets (disjoint id range per field)
    state_size = indices.shape[1]
    num_classes = weight.shape[0] // state_size
    position_offsets = jnp.arange(state_size, dtype=indices.dtype) * num_classes
    token_ids = indices + position_offsets[None, :]
    # F.embedding_bag(token_ids, weight, mode='sum'): gather rows then sum over bag dim
    gathered = jnp.take(weight, token_ids, axis=0)  # [B, state_size, out_features]
    out = gathered.sum(axis=1)
    out = out + bias
    return out

if __name__ == "__main__":
    import jax
    _d = setup_inputs()
    print(jax.jit(kernel)(*tuple(_d.values())))

</pallas_src>

<mosaic_0001>
#map = affine_map<(d0, d1) -> (0, 0, 0)>
#map1 = affine_map<(d0, d1) -> (0, 0)>
#map2 = affine_map<(d0, d1) -> (0)>
module attributes {stable_mosaic.version = 14 : i64} {
  func.func @_embag(%arg0: i32, %arg1: i32, %arg2: memref<32x128x100xi32, #tpu.memory_space<hbm>>, %arg3: memref<100000x128xf32, #tpu.memory_space<hbm>>, %arg4: memref<128xf32, #tpu.memory_space<hbm>>, %arg5: memref<4096x128xf32, #tpu.memory_space<hbm>>, %arg6: memref<128x100xi32, #tpu.memory_space<vmem>>, %arg7: memref<128xf32, #tpu.memory_space<vmem>>, %arg8: memref<128x128xf32, #tpu.memory_space<vmem>>, %arg9: memref<100x128xf32, #tpu.memory_space<vmem>>, %arg10: memref<100x128xf32, #tpu.memory_space<vmem>>, %arg11: memref<100x128xf32, #tpu.memory_space<vmem>>, %arg12: memref<100x128xf32, #tpu.memory_space<vmem>>, %arg13: memref<!tpu.dma_semaphore, #tpu.memory_space<semaphore_mem>>, %arg14: memref<!tpu.dma_semaphore, #tpu.memory_space<semaphore_mem>>, %arg15: memref<!tpu.dma_semaphore, #tpu.memory_space<semaphore_mem>>, %arg16: memref<!tpu.dma_semaphore, #tpu.memory_space<semaphore_mem>>, %arg17: memref<!tpu.dma_semaphore, #tpu.memory_space<semaphore_mem>>, %arg18: memref<!tpu.dma_semaphore, #tpu.memory_space<semaphore_mem>>, %arg19: memref<!tpu.dma_semaphore, #tpu.memory_space<semaphore_mem>>, %arg20: memref<!tpu.dma_semaphore, #tpu.memory_space<semaphore_mem>>) attributes {dimension_semantics = [#tpu.dimension_semantics<core_parallel>, #tpu.dimension_semantics<subcore_parallel>], iteration_bounds = array<i64: 2, 16>, scalar_prefetch = 0 : i64, scratch_operands = 15 : i64, tpu.core_type = #tpu.core_type<sc_vector_subcore>, window_params = [{transform_indices = #map}, {transform_indices = #map1}, {transform_indices = #map2}, {transform_indices = #map1}]} {
    %mul3A = arith.constant 16 : i32
    %mul3A_0 = arith.muli %arg0, %mul3A : i32
    %add3A = arith.addi %mul3A_0, %arg1 : i32
    "tpu.region"() ({
      %run_scoped3A = tpu.sem_alloc : memref<!tpu.dma_semaphore, #tpu.memory_space<semaphore_mem>>
      %dma_start3A_405 = arith.constant 0 : i32
      %dma_start3A_406 = arith.constant 0 : i32
      %dma_start3A_407 = tpu.memref_slice %arg2[%add3A, %dma_start3A_405, %dma_start3A_406] : memref<32x128x100xi32, #tpu.memory_space<hbm>> -> memref<1x128x100xi32, #tpu.memory_space<hbm>>
      %dma_start3A_408 = tpu.memref_squeeze %dma_start3A_407 : memref<1x128x100xi32, #tpu.memory_space<hbm>> -> memref<128x100xi32, #tpu.memory_space<hbm>>
      %dma_start3A_409 = arith.constant 0 : i32
      %dma_start3A_410 = arith.constant 0 : i32
      %dma_start3A_411 = tpu.memref_slice %arg2[%add3A, %dma_start3A_409, %dma_start3A_410] : memref<32x128x100xi32, #tpu.memory_space<hbm>> -> memref<1x128x100xi32, #tpu.memory_space<hbm>>
      %dma_start3A_412 = tpu.memref_squeeze %dma_start3A_411 : memref<1x128x100xi32, #tpu.memory_space<hbm>> -> memref<128x100xi32, #tpu.memory_space<hbm>>
      tpu.enqueue_dma source(%dma_start3A_412 : memref<128x100xi32, #tpu.memory_space<hbm>>) target(%arg6 : memref<128x100xi32, #tpu.memory_space<vmem>>) target_semaphore(%run_scoped3A : memref<!tpu.dma_semaphore, #tpu.memory_space<semaphore_mem>>)
      %dma_wait3A_413 = arith.constant 0 : i32
      %dma_wait3A_414 = arith.constant 0 : i32
      %dma_wait3A_415 = tpu.memref_slice %arg2[%add3A, %dma_wait3A_413, %dma_wait3A_414] : memref<32x128x100xi32, #tpu.memory_space<hbm>> -> memref<1x128x100xi32, #tpu.memory_space<hbm>>
      %dma_wait3A_416 = tpu.memref_squeeze %dma_wait3A_415 : memref<1x128x100xi32, #tpu.memory_space<hbm>> -> memref<128x100xi32, #tpu.memory_space<hbm>>
      %dma_wait3A_417 = arith.constant 0 : i32
      %dma_wait3A_418 = arith.constant 0 : i32
      %dma_wait3A_419 = tpu.memref_slice %arg2[%add3A, %dma_wait3A_417, %dma_wait3A_418] : memref<32x128x100xi32, #tpu.memory_space<hbm>> -> memref<1x128x100xi32, #tpu.memory_space<hbm>>
      %dma_wait3A_420 = tpu.memref_squeeze %dma_wait3A_419 : memref<1x128x100xi32, #tpu.memory_space<hbm>> -> memref<128x100xi32, #tpu.memory_space<hbm>>
      tpu.wait_dma2 semaphore(%run_scoped3A : memref<!tpu.dma_semaphore, #tpu.memory_space<semaphore_mem>>) src(%dma_wait3A_420 : memref<128x100xi32, #tpu.memory_space<hbm>>) dst(%arg6 : memref<128x100xi32, #tpu.memory_space<vmem>>)
      tpu.yield
    }) : () -> ()
    "tpu.region"() ({
      %run_scoped3A = tpu.sem_alloc : memref<!tpu.dma_semaphore, #tpu.memory_space<semaphore_mem>>
      tpu.enqueue_dma source(%arg4 : memref<128xf32, #tpu.memory_space<hbm>>) target(%arg7 : memref<128xf32, #tpu.memory_space<vmem>>) target_semaphore(%run_scoped3A : memref<!tpu.dma_semaphore, #tpu.memory_space<semaphore_mem>>)
      tpu.wait_dma2 semaphore(%run_scoped3A : memref<!tpu.dma_semaphore, #tpu.memory_space<semaphore_mem>>) src(%arg4 : memref<128xf32, #tpu.memory_space<hbm>>) dst(%arg7 : memref<128xf32, #tpu.memory_space<vmem>>)
      tpu.yield
    }) : () -> ()
    %get3A = arith.constant 0 : index
    %get3A_1 = tpu.vector_load %arg7[%get3A] {strides = array<i32>} : memref<128xf32, #tpu.memory_space<vmem>>, vector<16xf32>,
    %get3A_2 = vector.shape_cast %get3A_1 : vector<16xf32> to vector<16xf32>
    %get3A_3 = arith.constant 16 : index
    %get3A_4 = tpu.vector_load %arg7[%get3A_3] {strides = array<i32>} : memref<128xf32, #tpu.memory_space<vmem>>, vector<16xf32>,
    %get3A_5 = vector.shape_cast %get3A_4 : vector<16xf32> to vector<16xf32>
    %get3A_6 = arith.constant 32 : index
    %get3A_7 = tpu.vector_load %arg7[%get3A_6] {strides = array<i32>} : memref<128xf32, #tpu.memory_space<vmem>>, vector<16xf32>,
    %get3A_8 = vector.shape_cast %get3A_7 : vector<16xf32> to vector<16xf32>
    %get3A_9 = arith.constant 48 : index
    %get3A_10 = tpu.vector_load %arg7[%get3A_9] {strides = array<i32>} : memref<128xf32, #tpu.memory_space<vmem>>, vector<16xf32>,
    %get3A_11 = vector.shape_cast %get3A_10 : vector<16xf32> to vector<16xf32>
    %get3A_12 = arith.constant 64 : index
    %get3A_13 = tpu.vector_load %arg7[%get3A_12] {strides = array<i32>} : memref<128xf32, #tpu.memory_space<vmem>>, vector<16xf32>,
    %get3A_14 = vector.shape_cast %get3A_13 : vector<16xf32> to vector<16xf32>
    %get3A_15 = arith.constant 80 : index
    %get3A_16 = tpu.vector_load %arg7[%get3A_15] {strides = array<i32>} : memref<128xf32, #tpu.memory_space<vmem>>, vector<16xf32>,
    %get3A_17 = vector.shape_cast %get3A_16 : vector<16xf32> to vector<16xf32>
    %get3A_18 = arith.constant 96 : index
    %get3A_19 = tpu.vector_load %arg7[%get3A_18] {strides = array<i32>} : memref<128xf32, #tpu.memory_space<vmem>>, vector<16xf32>,
    %get3A_20 = vector.shape_cast %get3A_19 : vector<16xf32> to vector<16xf32>
    %get3A_21 = arith.constant 112 : index
    %get3A_22 = tpu.vector_load %arg7[%get3A_21] {strides = array<i32>} : memref<128xf32, #tpu.memory_space<vmem>>, vector<16xf32>,
    %get3A_23 = vector.shape_cast %get3A_22 : vector<16xf32> to vector<16xf32>
    %dma_start3A = arith.constant 0 : i32
    %dma_start3A_24 = arith.constant 0 : i32
    %dma_start3A_25 = arith.constant 0 : i32
    %dma_start3A_26 = tpu.memref_slice %arg9[%dma_start3A_24, %dma_start3A_25] : memref<100x128xf32, #tpu.memory_space<vmem>> -> memref<64x128xf32, #tpu.memory_space<vmem>>
    %dma_start3A_27 = arith.constant 0 : i32
    %dma_start3A_28 = tpu.memref_slice %arg6[%dma_start3A, %dma_start3A_27] : memref<128x100xi32, #tpu.memory_space<vmem>> -> memref<1x64xi32, #tpu.memory_space<vmem>>
    %dma_start3A_29 = tpu.memref_squeeze %dma_start3A_28 : memref<1x64xi32, #tpu.memory_space<vmem>> -> memref<64xi32, #tpu.memory_space<vmem>>
    %dma_start3A_30 = arith.constant 0 : i32
    %dma_start3A_31 = arith.constant 0 : i32
    %dma_start3A_32 = tpu.memref_slice %arg3[%dma_start3A_30, %dma_start3A_31] : memref<100000x128xf32, #tpu.memory_space<hbm>> -> memref<100000x128xf32, #tpu.memory_space<hbm>>
    tpu.enqueue_indirect_dma source(%dma_start3A_32 : memref<100000x128xf32, #tpu.memory_space<hbm>>) target(%dma_start3A_26 : memref<64x128xf32, #tpu.memory_space<vmem>>) offsets(%dma_start3A_29 : memref<64xi32, #tpu.memory_space<vmem>>) semaphore(%arg13 : memref<!tpu.dma_semaphore, #tpu.memory_space<semaphore_mem>>)
    %dma_start3A_33 = arith.constant 0 : i32
    %dma_start3A_34 = arith.constant 64 : i32
    %dma_start3A_35 = arith.constant 0 : i32
    %dma_start3A_36 = tpu.memref_slice %arg9[%dma_start3A_34, %dma_start3A_35] : memref<100x128xf32, #tpu.memory_space<vmem>> -> memref<36x128xf32, #tpu.memory_space<vmem>>
    %dma_start3A_37 = arith.constant 64 : i32
    %dma_start3A_38 = tpu.memref_slice %arg6[%dma_start3A_33, %dma_start3A_37] : memref<128x100xi32, #tpu.memory_space<vmem>> -> memref<1x36xi32, #tpu.memory_space<vmem>>
    %dma_start3A_39 = tpu.memref_squeeze %dma_start3A_38 : memref<1x36xi32, #tpu.memory_space<vmem>> -> memref<36xi32, #tpu.memory_space<vmem>>
    %dma_start3A_40 = arith.constant 0 : i32
    %dma_start3A_41 = arith.constant 0 : i32
    %dma_start3A_42 = tpu.memref_slice %arg3[%dma_start3A_40, %dma_start3A_41] : memref<100000x128xf32, #tpu.memory_space<hbm>> -> memref<100000x128xf32, #tpu.memory_space<hbm>>
    tpu.enqueue_indirect_dma source(%dma_start3A_42 : memref<100000x128xf32, #tpu.memory_space<hbm>>) target(%dma_start3A_36 : memref<36x128xf32, #tpu.memory_space<vmem>>) offsets(%dma_start3A_39 : memref<36xi32, #tpu.memory_space<vmem>>) semaphore(%arg17 : memref<!tpu.dma_semaphore, #tpu.memory_space<semaphore_mem>>)
    %dma_start3A_43 = arith.constant 1 : i32
    %dma_start3A_44 = arith.constant 0 : i32
    %dma_start3A_45 = arith.constant 0 : i32
    %dma_start3A_46 = tpu.memref_slice %arg10[%dma_start3A_44, %dma_start3A_45] : memref<100x128xf32, #tpu.memory_space<vmem>> -> memref<64x128xf32, #tpu.memory_space<vmem>>
    %dma_start3A_47 = arith.constant 0 : i32
    %dma_start3A_48 = tpu.memref_slice %arg6[%dma_start3A_43, %dma_start3A_47] : memref<128x100xi32, #tpu.memory_space<vmem>> -> memref<1x64xi32, #tpu.memory_space<vmem>>
    %dma_start3A_49 = tpu.memref_squeeze %dma_start3A_48 : memref<1x64xi32, #tpu.memory_space<vmem>> -> memref<64xi32, #tpu.memory_space<vmem>>
    %dma_start3A_50 = arith.constant 0 : i32
    %dma_start3A_51 = arith.constant 0 : i32
    %dma_start3A_52 = tpu.memref_slice %arg3[%dma_start3A_50, %dma_start3A_51] : memref<100000x128xf32, #tpu.memory_space<hbm>> -> memref<100000x128xf32, #tpu.memory_space<hbm>>
    tpu.enqueue_indirect_dma source(%dma_start3A_52 : memref<100000x128xf32, #tpu.memory_space<hbm>>) target(%dma_start3A_46 : memref<64x128xf32, #tpu.memory_space<vmem>>) offsets(%dma_start3A_49 : memref<64xi32, #tpu.memory_space<vmem>>) semaphore(%arg14 : memref<!tpu.dma_semaphore, #tpu.memory_space<semaphore_mem>>)
    %dma_start3A_53 = arith.constant 1 : i32
    %dma_start3A_54 = arith.constant 64 : i32
    %dma_start3A_55 = arith.constant 0 : i32
    %dma_start3A_56 = tpu.memref_slice %arg10[%dma_start3A_54, %dma_start3A_55] : memref<100x128xf32, #tpu.memory_space<vmem>> -> memref<36x128xf32, #tpu.memory_space<vmem>>
    %dma_start3A_57 = arith.constant 64 : i32
    %dma_start3A_58 = tpu.memref_slice %arg6[%dma_start3A_53, %dma_start3A_57] : memref<128x100xi32, #tpu.memory_space<vmem>> -> memref<1x36xi32, #tpu.memory_space<vmem>>
    %dma_start3A_59 = tpu.memref_squeeze %dma_start3A_58 : memref<1x36xi32, #tpu.memory_space<vmem>> -> memref<36xi32, #tpu.memory_space<vmem>>
    %dma_start3A_60 = arith.constant 0 : i32
    %dma_start3A_61 = arith.constant 0 : i32
    %dma_start3A_62 = tpu.memref_slice %arg3[%dma_start3A_60, %dma_start3A_61] : memref<100000x128xf32, #tpu.memory_space<hbm>> -> memref<100000x128xf32, #tpu.memory_space<hbm>>
    tpu.enqueue_indirect_dma source(%dma_start3A_62 : memref<100000x128xf32, #tpu.memory_space<hbm>>) target(%dma_start3A_56 : memref<36x128xf32, #tpu.memory_space<vmem>>) offsets(%dma_start3A_59 : memref<36xi32, #tpu.memory_space<vmem>>) semaphore(%arg18 : memref<!tpu.dma_semaphore, #tpu.memory_space<semaphore_mem>>)
    %dma_start3A_63 = arith.constant 2 : i32
    %dma_start3A_64 = arith.constant 0 : i32
    %dma_start3A_65 = arith.constant 0 : i32
    %dma_start3A_66 = tpu.memref_slice %arg11[%dma_start3A_64, %dma_start3A_65] : memref<100x128xf32, #tpu.memory_space<vmem>> -> memref<64x128xf32, #tpu.memory_space<vmem>>
    %dma_start3A_67 = arith.constant 0 : i32
    %dma_start3A_68 = tpu.memref_slice %arg6[%dma_start3A_63, %dma_start3A_67] : memref<128x100xi32, #tpu.memory_space<vmem>> -> memref<1x64xi32, #tpu.memory_space<vmem>>
    %dma_start3A_69 = tpu.memref_squeeze %dma_start3A_68 : memref<1x64xi32, #tpu.memory_space<vmem>> -> memref<64xi32, #tpu.memory_space<vmem>>
    %dma_start3A_70 = arith.constant 0 : i32
    %dma_start3A_71 = arith.constant 0 : i32
    %dma_start3A_72 = tpu.memref_slice %arg3[%dma_start3A_70, %dma_start3A_71] : memref<100000x128xf32, #tpu.memory_space<hbm>> -> memref<100000x128xf32, #tpu.memory_space<hbm>>
    tpu.enqueue_indirect_dma source(%dma_start3A_72 : memref<100000x128xf32, #tpu.memory_space<hbm>>) target(%dma_start3A_66 : memref<64x128xf32, #tpu.memory_space<vmem>>) offsets(%dma_start3A_69 : memref<64xi32, #tpu.memory_space<vmem>>) semaphore(%arg15 : memref<!tpu.dma_semaphore, #tpu.memory_space<semaphore_mem>>)
    %dma_start3A_73 = arith.constant 2 : i32
    %dma_start3A_74 = arith.constant 64 : i32
    %dma_start3A_75 = arith.constant 0 : i32
    %dma_start3A_76 = tpu.memref_slice %arg11[%dma_start3A_74, %dma_start3A_75] : memref<100x128xf32, #tpu.memory_space<vmem>> -> memref<36x128xf32, #tpu.memory_space<vmem>>
    %dma_start3A_77 = arith.constant 64 : i32
    %dma_start3A_78 = tpu.memref_slice %arg6[%dma_start3A_73, %dma_start3A_77] : memref<128x100xi32, #tpu.memory_space<vmem>> -> memref<1x36xi32, #tpu.memory_space<vmem>>
    %dma_start3A_79 = tpu.memref_squeeze %dma_start3A_78 : memref<1x36xi32, #tpu.memory_space<vmem>> -> memref<36xi32, #tpu.memory_space<vmem>>
    %dma_start3A_80 = arith.constant 0 : i32
    %dma_start3A_81 = arith.constant 0 : i32
    %dma_start3A_82 = tpu.memref_slice %arg3[%dma_start3A_80, %dma_start3A_81] : memref<100000x128xf32, #tpu.memory_space<hbm>> -> memref<100000x128xf32, #tpu.memory_space<hbm>>
    tpu.enqueue_indirect_dma source(%dma_start3A_82 : memref<100000x128xf32, #tpu.memory_space<hbm>>) target(%dma_start3A_76 : memref<36x128xf32, #tpu.memory_space<vmem>>) offsets(%dma_start3A_79 : memref<36xi32, #tpu.memory_space<vmem>>) semaphore(%arg19 : memref<!tpu.dma_semaphore, #tpu.memory_space<semaphore_mem>>)
    %dma_start3A_83 = arith.constant 3 : i32
    %dma_start3A_84 = arith.constant 0 : i32
    %dma_start3A_85 = arith.constant 0 : i32
    %dma_start3A_86 = tpu.memref_slice %arg12[%dma_start3A_84, %dma_start3A_85] : memref<100x128xf32, #tpu.memory_space<vmem>> -> memref<64x128xf32, #tpu.memory_space<vmem>>
    %dma_start3A_87 = arith.constant 0 : i32
    %dma_start3A_88 = tpu.memref_slice %arg6[%dma_start3A_83, %dma_start3A_87] : memref<128x100xi32, #tpu.memory_space<vmem>> -> memref<1x64xi32, #tpu.memory_space<vmem>>
    %dma_start3A_89 = tpu.memref_squeeze %dma_start3A_88 : memref<1x64xi32, #tpu.memory_space<vmem>> -> memref<64xi32, #tpu.memory_space<vmem>>
    %dma_start3A_90 = arith.constant 0 : i32
    %dma_start3A_91 = arith.constant 0 : i32
    %dma_start3A_92 = tpu.memref_slice %arg3[%dma_start3A_90, %dma_start3A_91] : memref<100000x128xf32, #tpu.memory_space<hbm>> -> memref<100000x128xf32, #tpu.memory_space<hbm>>
    tpu.enqueue_indirect_dma source(%dma_start3A_92 : memref<100000x128xf32, #tpu.memory_space<hbm>>) target(%dma_start3A_86 : memref<64x128xf32, #tpu.memory_space<vmem>>) offsets(%dma_start3A_89 : memref<64xi32, #tpu.memory_space<vmem>>) semaphore(%arg16 : memref<!tpu.dma_semaphore, #tpu.memory_space<semaphore_mem>>)
    %dma_start3A_93 = arith.constant 3 : i32
    %dma_start3A_94 = arith.constant 64 : i32
    %dma_start3A_95 = arith.constant 0 : i32
    %dma_start3A_96 = tpu.memref_slice %arg12[%dma_start3A_94, %dma_start3A_95] : memref<100x128xf32, #tpu.memory_space<vmem>> -> memref<36x128xf32, #tpu.memory_space<vmem>>
    %dma_start3A_97 = arith.constant 64 : i32
    %dma_start3A_98 = tpu.memref_slice %arg6[%dma_start3A_93, %dma_start3A_97] : memref<128x100xi32, #tpu.memory_space<vmem>> -> memref<1x36xi32, #tpu.memory_space<vmem>>
    %dma_start3A_99 = tpu.memref_squeeze %dma_start3A_98 : memref<1x36xi32, #tpu.memory_space<vmem>> -> memref<36xi32, #tpu.memory_space<vmem>>
    %dma_start3A_100 = arith.constant 0 : i32
    %dma_start3A_101 = arith.constant 0 : i32
    %dma_start3A_102 = tpu.memref_slice %arg3[%dma_start3A_100, %dma_start3A_101] : memref<100000x128xf32, #tpu.memory_space<hbm>> -> memref<100000x128xf32, #tpu.memory_space<hbm>>
    tpu.enqueue_indirect_dma source(%dma_start3A_102 : memref<100000x128xf32, #tpu.memory_space<hbm>>) target(%dma_start3A_96 : memref<36x128xf32, #tpu.memory_space<vmem>>) offsets(%dma_start3A_99 : memref<36xi32, #tpu.memory_space<vmem>>) semaphore(%arg20 : memref<!tpu.dma_semaphore, #tpu.memory_space<semaphore_mem>>)
    %scan3A = arith.constant 0 : i32
    %scan3A_103 = arith.constant 0 : i32
    %scan3A_104 = arith.constant 31 : i32
    %scan3A_105 = arith.addi %scan3A_103, %scan3A_104 : i32
    %scan3A_106 = arith.constant 1 : i32
    %scan3A_107 = scf.for %scan3A_405 = %scan3A_103 to %scan3A_105 step %scan3A_106 iter_args(%scan3A_406 = %scan3A) -> (i32)  : i32 {
      %mul3A_407 = arith.constant 4 : i32
      %mul3A_408 = arith.muli %scan3A_405, %mul3A_407 : i32
      %add3A_409 = arith.constant 0 : i32
      %add3A_410 = arith.addi %mul3A_408, %add3A_409 : i32
      %dma_wait3A_411 = arith.constant 0 : i32
      %dma_wait3A_412 = arith.constant 0 : i32
      %dma_wait3A_413 = tpu.memref_slice %arg9[%dma_wait3A_411, %dma_wait3A_412] : memref<100x128xf32, #tpu.memory_space<vmem>> -> memref<64x128xf32, #tpu.memory_space<vmem>>
      %dma_wait3A_414 = arith.constant 0 : i32
      %dma_wait3A_415 = tpu.memref_slice %arg6[%add3A_410, %dma_wait3A_414] : memref<128x100xi32, #tpu.memory_space<vmem>> -> memref<1x64xi32, #tpu.memory_space<vmem>>
      %dma_wait3A_416 = tpu.memref_squeeze %dma_wait3A_415 : memref<1x64xi32, #tpu.memory_space<vmem>> -> memref<64xi32, #tpu.memory_space<vmem>>
      %dma_wait3A_417 = arith.constant 0 : i32
      %dma_wait3A_418 = arith.constant 0 : i32
      %dma_wait3A_419 = tpu.memref_slice %arg3[%dma_wait3A_417, %dma_wait3A_418] : memref<100000x128xf32, #tpu.memory_space<hbm>> -> memref<100000x128xf32, #tpu.memory_space<hbm>>
      tpu.wait_indirect_dma semaphore(%arg13 : memref<!tpu.dma_semaphore, #tpu.memory_space<semaphore_mem>>) src(%dma_wait3A_419 : memref<100000x128xf32, #tpu.memory_space<hbm>>) dst(%dma_wait3A_413 : memref<64x128xf32, #tpu.memory_space<vmem>>)
      %dma_wait3A_420 = arith.constant 64 : i32
      %dma_wait3A_421 = arith.constant 0 : i32
      %dma_wait3A_422 = tpu.memref_slice %arg9[%dma_wait3A_420, %dma_wait3A_421] : memref<100x128xf32, #tpu.memory_space<vmem>> -> memref<36x128xf32, #tpu.memory_space<vmem>>
      %dma_wait3A_423 = arith.constant 64 : i32
      %dma_wait3A_424 = tpu.memref_slice %arg6[%add3A_410, %dma_wait3A_423] : memref<128x100xi32, #tpu.memory_space<vmem>> -> memref<1x36xi32, #tpu.memory_space<vmem>>
      %dma_wait3A_425 = tpu.memref_squeeze %dma_wait3A_424 : memref<1x36xi32, #tpu.memory_space<vmem>> -> memref<36xi32, #tpu.memory_space<vmem>>
      %dma_wait3A_426 = arith.constant 0 : i32
      %dma_wait3A_427 = arith.constant 0 : i32
      %dma_wait3A_428 = tpu.memref_slice %arg3[%dma_wait3A_426, %dma_wait3A_427] : memref<100000x128xf32, #tpu.memory_space<hbm>> -> memref<100000x128xf32, #tpu.memory_space<hbm>>
      tpu.wait_indirect_dma semaphore(%arg17 : memref<!tpu.dma_semaphore, #tpu.memory_space<semaphore_mem>>) src(%dma_wait3A_428 : memref<100000x128xf32, #tpu.memory_space<hbm>>) dst(%dma_wait3A_422 : memref<36x128xf32, #tpu.memory_space<vmem>>)
      %scan3A_429 = arith.constant 0 : i32
      %scan3A_430 = arith.constant 50 : i32
      %scan3A_431 = arith.addi %scan3A_429, %scan3A_430 : i32
      %scan3A_432 = arith.constant 1 : i32
      %scan3A_433:8 = scf.for %scan3A_754 = %scan3A_429 to %scan3A_431 step %scan3A_432 iter_args(%scan3A_755 = %get3A_2, %scan3A_756 = %get3A_5, %scan3A_757 = %get3A_8, %scan3A_758 = %get3A_11, %scan3A_759 = %get3A_14, %scan3A_760 = %get3A_17, %scan3A_761 = %get3A_20, %scan3A_762 = %get3A_23) -> (vector<16xf32>, vector<16xf32>, vector<16xf32>, vector<16xf32>, vector<16xf32>, vector<16xf32>, vector<16xf32>, vector<16xf32>)  : i32 {
        %mul3A_763 = arith.constant 2 : i32
        %mul3A_764 = arith.muli %scan3A_754, %mul3A_763 : i32
        %get3A_765 = arith.index_cast %mul3A_764 : i32 to index
        %get3A_766 = arith.constant 0 : index
        %get3A_767 = tpu.vector_load %arg9[%get3A_765, %get3A_766] {strides = array<i32>} : memref<100x128xf32, #tpu.memory_space<vmem>>, vector<1x16xf32>,
        %get3A_768 = vector.shape_cast %get3A_767 : vector<1x16xf32> to vector<16xf32>
        %add3A_769 = arith.constant 1 : i32
        %add3A_770 = arith.addi %mul3A_764, %add3A_769 : i32
        %get3A_771 = arith.index_cast %add3A_770 : i32 to index
        %get3A_772 = arith.constant 0 : index
        %get3A_773 = tpu.vector_load %arg9[%get3A_771, %get3A_772] {strides = array<i32>} : memref<100x128xf32, #tpu.memory_space<vmem>>, vector<1x16xf32>,
        %get3A_774 = vector.shape_cast %get3A_773 : vector<1x16xf32> to vector<16xf32>
        %add3A_775 = arith.addf %get3A_768, %get3A_774 : vector<16xf32>
        %add3A_776 = arith.addf %scan3A_755, %add3A_775 : vector<16xf32>
        %get3A_777 = arith.index_cast %mul3A_764 : i32 to index
        %get3A_778 = arith.constant 16 : index
        %get3A_779 = tpu.vector_load %arg9[%get3A_777, %get3A_778] {strides = array<i32>} : memref<100x128xf32, #tpu.memory_space<vmem>>, vector<1x16xf32>,
        %get3A_780 = vector.shape_cast %get3A_779 : vector<1x16xf32> to vector<16xf32>
        %add3A_781 = arith.constant 1 : i32
        %add3A_782 = arith.addi %mul3A_764, %add3A_781 : i32
        %get3A_783 = arith.index_cast %add3A_782 : i32 to index
        %get3A_784 = arith.constant 16 : index
        %get3A_785 = tpu.vector_load %arg9[%get3A_783, %get3A_784] {strides = array<i32>} : memref<100x128xf32, #tpu.memory_space<vmem>>, vector<1x16xf32>,
        %get3A_786 = vector.shape_cast %get3A_785 : vector<1x16xf32> to vector<16xf32>
        %add3A_787 = arith.addf %get3A_780, %get3A_786 : vector<16xf32>
        %add3A_788 = arith.addf %scan3A_756, %add3A_787 : vector<16xf32>
        %get3A_789 = arith.index_cast %mul3A_764 : i32 to index
        %get3A_790 = arith.constant 32 : index
        %get3A_791 = tpu.vector_load %arg9[%get3A_789, %get3A_790] {strides = array<i32>} : memref<100x128xf32, #tpu.memory_space<vmem>>, vector<1x16xf32>,
        %get3A_792 = vector.shape_cast %get3A_791 : vector<1x16xf32> to vector<16xf32>
        %add3A_793 = arith.constant 1 : i32
        %add3A_794 = arith.addi %mul3A_764, %add3A_793 : i32
        %get3A_795 = arith.index_cast %add3A_794 : i32 to index
        %get3A_796 = arith.constant 32 : index
        %get3A_797 = tpu.vector_load %arg9[%get3A_795, %get3A_796] {strides = array<i32>} : memref<100x128xf32, #tpu.memory_space<vmem>>, vector<1x16xf32>,
        %get3A_798 = vector.shape_cast %get3A_797 : vector<1x16xf32> to vector<16xf32>
        %add3A_799 = arith.addf %get3A_792, %get3A_798 : vector<16xf32>
        %add3A_800 = arith.addf %scan3A_757, %add3A_799 : vector<16xf32>
        %get3A_801 = arith.index_cast %mul3A_764 : i32 to index
        %get3A_802 = arith.constant 48 : index
        %get3A_803 = tpu.vector_load %arg9[%get3A_801, %get3A_802] {strides = array<i32>} : memref<100x128xf32, #tpu.memory_space<vmem>>, vector<1x16xf32>,
        %get3A_804 = vector.shape_cast %get3A_803 : vector<1x16xf32> to vector<16xf32>
        %add3A_805 = arith.constant 1 : i32
        %add3A_806 = arith.addi %mul3A_764, %add3A_805 : i32
        %get3A_807 = arith.index_cast %add3A_806 : i32 to index
        %get3A_808 = arith.constant 48 : index
        %get3A_809 = tpu.vector_load %arg9[%get3A_807, %get3A_808] {strides = array<i32>} : memref<100x128xf32, #tpu.memory_space<vmem>>, vector<1x16xf32>,
        %get3A_810 = vector.shape_cast %get3A_809 : vector<1x16xf32> to vector<16xf32>
        %add3A_811 = arith.addf %get3A_804, %get3A_810 : vector<16xf32>
        %add3A_812 = arith.addf %scan3A_758, %add3A_811 : vector<16xf32>
        %get3A_813 = arith.index_cast %mul3A_764 : i32 to index
        %get3A_814 = arith.constant 64 : index
        %get3A_815 = tpu.vector_load %arg9[%get3A_813, %get3A_814] {strides = array<i32>} : memref<100x128xf32, #tpu.memory_space<vmem>>, vector<1x16xf32>,
        %get3A_816 = vector.shape_cast %get3A_815 : vector<1x16xf32> to vector<16xf32>
        %add3A_817 = arith.constant 1 : i32
        %add3A_818 = arith.addi %mul3A_764, %add3A_817 : i32
        %get3A_819 = arith.index_cast %add3A_818 : i32 to index
        %get3A_820 = arith.constant 64 : index
        %get3A_821 = tpu.vector_load %arg9[%get3A_819, %get3A_820] {strides = array<i32>} : memref<100x128xf32, #tpu.memory_space<vmem>>, vector<1x16xf32>,
        %get3A_822 = vector.shape_cast %get3A_821 : vector<1x16xf32> to vector<16xf32>
        %add3A_823 = arith.addf %get3A_816, %get3A_822 : vector<16xf32>
        %add3A_824 = arith.addf %scan3A_759, %add3A_823 : vector<16xf32>
        %get3A_825 = arith.index_cast %mul3A_764 : i32 to index
        %get3A_826 = arith.constant 80 : index
        %get3A_827 = tpu.vector_load %arg9[%get3A_825, %get3A_826] {strides = array<i32>} : memref<100x128xf32, #tpu.memory_space<vmem>>, vector<1x16xf32>,
        %get3A_828 = vector.shape_cast %get3A_827 : vector<1x16xf32> to vector<16xf32>
        %add3A_829 = arith.constant 1 : i32
        %add3A_830 = arith.addi %mul3A_764, %add3A_829 : i32
        %get3A_831 = arith.index_cast %add3A_830 : i32 to index
        %get3A_832 = arith.constant 80 : index
        %get3A_833 = tpu.vector_load %arg9[%get3A_831, %get3A_832] {strides = array<i32>} : memref<100x128xf32, #tpu.memory_space<vmem>>, vector<1x16xf32>,
        %get3A_834 = vector.shape_cast %get3A_833 : vector<1x16xf32> to vector<16xf32>
        %add3A_835 = arith.addf %get3A_828, %get3A_834 : vector<16xf32>
        %add3A_836 = arith.addf %scan3A_760, %add3A_835 : vector<16xf32>
        %get3A_837 = arith.index_cast %mul3A_764 : i32 to index
        %get3A_838 = arith.constant 96 : index
        %get3A_839 = tpu.vector_load %arg9[%get3A_837, %get3A_838] {strides = array<i32>} : memref<100x128xf32, #tpu.memory_space<vmem>>, vector<1x16xf32>,
        %get3A_840 = vector.shape_cast %get3A_839 : vector<1x16xf32> to vector<16xf32>
        %add3A_841 = arith.constant 1 : i32
        %add3A_842 = arith.addi %mul3A_764, %add3A_841 : i32
        %get3A_843 = arith.index_cast %add3A_842 : i32 to index
        %get3A_844 = arith.constant 96 : index
        %get3A_845 = tpu.vector_load %arg9[%get3A_843, %get3A_844] {strides = array<i32>} : memref<100x128xf32, #tpu.memory_space<vmem>>, vector<1x16xf32>,
        %get3A_846 = vector.shape_cast %get3A_845 : vector<1x16xf32> to vector<16xf32>
        %add3A_847 = arith.addf %get3A_840, %get3A_846 : vector<16xf32>
        %add3A_848 = arith.addf %scan3A_761, %add3A_847 : vector<16xf32>
        %get3A_849 = arith.index_cast %mul3A_764 : i32 to index
        %get3A_850 = arith.constant 112 : index
        %get3A_851 = tpu.vector_load %arg9[%get3A_849, %get3A_850] {strides = array<i32>} : memref<100x128xf32, #tpu.memory_space<vmem>>, vector<1x16xf32>,
        %get3A_852 = vector.shape_cast %get3A_851 : vector<1x16xf32> to vector<16xf32>
        %add3A_853 = arith.constant 1 : i32
        %add3A_854 = arith.addi %mul3A_764, %add3A_853 : i32
        %get3A_855 = arith.index_cast %add3A_854 : i32 to index
        %get3A_856 = arith.constant 112 : index
        %get3A_857 = tpu.vector_load %arg9[%get3A_855, %get3A_856] {strides = array<i32>} : memref<100x128xf32, #tpu.memory_space<vmem>>, vector<1x16xf32>,
        %get3A_858 = vector.shape_cast %get3A_857 : vector<1x16xf32> to vector<16xf32>
        %add3A_859 = arith.addf %get3A_852, %get3A_858 : vector<16xf32>
        %add3A_860 = arith.addf %scan3A_762, %add3A_859 : vector<16xf32>
        scf.yield %add3A_776, %add3A_788, %add3A_800, %add3A_812, %add3A_824, %add3A_836, %add3A_848, %add3A_860 : vector<16xf32>, vector<16xf32>, vector<16xf32>, vector<16xf32>, vector<16xf32>, vector<16xf32>, vector<16xf32>, vector<16xf32>
      }
      %scan3A_434 = arith.constant 50 : i32
      %swap3A_435 = arith.index_cast %add3A_410 : i32 to index
      %swap3A_436 = arith.constant 0 : index
      %swap3A_437 = tpu.vector_load %arg8[%swap3A_435, %swap3A_436] {strides = array<i32>} : memref<128x128xf32, #tpu.memory_space<vmem>>, vector<1x16xf32>,
      %swap3A_438 = vector.shape_cast %swap3A_437 : vector<1x16xf32> to vector<16xf32>
      %swap3A_439 = vector.shape_cast %scan3A_433#0 : vector<16xf32> to vector<1x16xf32>
      tpu.vector_store %arg8[%swap3A_435, %swap3A_436], %swap3A_439 {strides = array<i32>} : memref<128x128xf32, #tpu.memory_space<vmem>>, vector<1x16xf32>,
      %swap3A_440 = arith.index_cast %add3A_410 : i32 to index
      %swap3A_441 = arith.constant 16 : index
      %swap3A_442 = tpu.vector_load %arg8[%swap3A_440, %swap3A_441] {strides = array<i32>} : memref<128x128xf32, #tpu.memory_space<vmem>>, vector<1x16xf32>,
      %swap3A_443 = vector.shape_cast %swap3A_442 : vector<1x16xf32> to vector<16xf32>
      %swap3A_444 = vector.shape_cast %scan3A_433#1 : vector<16xf32> to vector<1x16xf32>
      tpu.vector_store %arg8[%swap3A_440, %swap3A_441], %swap3A_444 {strides = array<i32>} : memref<128x128xf32, #tpu.memory_space<vmem>>, vector<1x16xf32>,
      %swap3A_445 = arith.index_cast %add3A_410 : i32 to index
      %swap3A_446 = arith.constant 32 : index
      %swap3A_447 = tpu.vector_load %arg8[%swap3A_445, %swap3A_446] {strides = array<i32>} : memref<128x128xf32, #tpu.memory_space<vmem>>, vector<1x16xf32>,
      %swap3A_448 = vector.shape_cast %swap3A_447 : vector<1x16xf32> to vector<16xf32>
      %swap3A_449 = vector.shape_cast %scan3A_433#2 : vector<16xf32> to vector<1x16xf32>
      tpu.vector_store %arg8[%swap3A_445, %swap3A_446], %swap3A_449 {strides = array<i32>} : memref<128x128xf32, #tpu.memory_space<vmem>>, vector<1x16xf32>,
      %swap3A_450 = arith.index_cast %add3A_410 : i32 to index
      %swap3A_451 = arith.constant 48 : index
      %swap3A_452 = tpu.vector_load %arg8[%swap3A_450, %swap3A_451] {strides = array<i32>} : memref<128x128xf32, #tpu.memory_space<vmem>>, vector<1x16xf32>,
      %swap3A_453 = vector.shape_cast %swap3A_452 : vector<1x16xf32> to vector<16xf32>
      %swap3A_454 = vector.shape_cast %scan3A_433#3 : vector<16xf32> to vector<1x16xf32>
      tpu.vector_store %arg8[%swap3A_450, %swap3A_451], %swap3A_454 {strides = array<i32>} : memref<128x128xf32, #tpu.memory_space<vmem>>, vector<1x16xf32>,
      %swap3A_455 = arith.index_cast %add3A_410 : i32 to index
      %swap3A_456 = arith.constant 64 : index
      %swap3A_457 = tpu.vector_load %arg8[%swap3A_455, %swap3A_456] {strides = array<i32>} : memref<128x128xf32, #tpu.memory_space<vmem>>, vector<1x16xf32>,
      %swap3A_458 = vector.shape_cast %swap3A_457 : vector<1x16xf32> to vector<16xf32>
      %swap3A_459 = vector.shape_cast %scan3A_433#4 : vector<16xf32> to vector<1x16xf32>
      tpu.vector_store %arg8[%swap3A_455, %swap3A_456], %swap3A_459 {strides = array<i32>} : memref<128x128xf32, #tpu.memory_space<vmem>>, vector<1x16xf32>,
      %swap3A_460 = arith.index_cast %add3A_410 : i32 to index
      %swap3A_461 = arith.constant 80 : index
      %swap3A_462 = tpu.vector_load %arg8[%swap3A_460, %swap3A_461] {strides = array<i32>} : memref<128x128xf32, #tpu.memory_space<vmem>>, vector<1x16xf32>,
      %swap3A_463 = vector.shape_cast %swap3A_462 : vector<1x16xf32> to vector<16xf32>
      %swap3A_464 = vector.shape_cast %scan3A_433#5 : vector<16xf32> to vector<1x16xf32>
      tpu.vector_store %arg8[%swap3A_460, %swap3A_461], %swap3A_464 {strides = array<i32>} : memref<128x128xf32, #tpu.memory_space<vmem>>, vector<1x16xf32>,
      %swap3A_465 = arith.index_cast %add3A_410 : i32 to index
      %swap3A_466 = arith.constant 96 : index
      %swap3A_467 = tpu.vector_load %arg8[%swap3A_465, %swap3A_466] {strides = array<i32>} : memref<128x128xf32, #tpu.memory_space<vmem>>, vector<1x16xf32>,
      %swap3A_468 = vector.shape_cast %swap3A_467 : vector<1x16xf32> to vector<16xf32>
      %swap3A_469 = vector.shape_cast %scan3A_433#6 : vector<16xf32> to vector<1x16xf32>
      tpu.vector_store %arg8[%swap3A_465, %swap3A_466], %swap3A_469 {strides = array<i32>} : memref<128x128xf32, #tpu.memory_space<vmem>>, vector<1x16xf32>,
      %swap3A_470 = arith.index_cast %add3A_410 : i32 to index
      %swap3A_471 = arith.constant 112 : index
      %swap3A_472 = tpu.vector_load %arg8[%swap3A_470, %swap3A_471] {strides = array<i32>} : memref<128x128xf32, #tpu.memory_space<vmem>>, vector<1x16xf32>,
      %swap3A_473 = vector.shape_cast %swap3A_472 : vector<1x16xf32> to vector<16xf32>
      %swap3A_474 = vector.shape_cast %scan3A_433#7 : vector<16xf32> to vector<1x16xf32>
      tpu.vector_store %arg8[%swap3A_470, %swap3A_471], %swap3A_474 {strides = array<i32>} : memref<128x128xf32, #tpu.memory_space<vmem>>, vector<1x16xf32>,
      %add3A_475 = arith.constant 4 : i32
      %add3A_476 = arith.addi %add3A_410, %add3A_475 : i32
      %dma_start3A_477 = arith.constant 0 : i32
      %dma_start3A_478 = arith.constant 0 : i32
      %dma_start3A_479 = tpu.memref_slice %arg9[%dma_start3A_477, %dma_start3A_478] : memref<100x128xf32, #tpu.memory_space<vmem>> -> memref<64x128xf32, #tpu.memory_space<vmem>>
      %dma_start3A_480 = arith.constant 0 : i32
      %dma_start3A_481 = tpu.memref_slice %arg6[%add3A_476, %dma_start3A_480] : memref<128x100xi32, #tpu.memory_space<vmem>> -> memref<1x64xi32, #tpu.memory_space<vmem>>
      %dma_start3A_482 = tpu.memref_squeeze %dma_start3A_481 : memref<1x64xi32, #tpu.memory_space<vmem>> -> memref<64xi32, #tpu.memory_space<vmem>>
      %dma_start3A_483 = arith.constant 0 : i32
      %dma_start3A_484 = arith.constant 0 : i32
      %dma_start3A_485 = tpu.memref_slice %arg3[%dma_start3A_483, %dma_start3A_484] : memref<100000x128xf32, #tpu.memory_space<hbm>> -> memref<100000x128xf32, #tpu.memory_space<hbm>>
      tpu.enqueue_indirect_dma source(%dma_start3A_485 : memref<100000x128xf32, #tpu.memory_space<hbm>>) target(%dma_start3A_479 : memref<64x128xf32, #tpu.memory_space<vmem>>) offsets(%dma_start3A_482 : memref<64xi32, #tpu.memory_space<vmem>>) semaphore(%arg13 : memref<!tpu.dma_semaphore, #tpu.memory_space<semaphore_mem>>)
      %dma_start3A_486 = arith.constant 64 : i32
      %dma_start3A_487 = arith.constant 0 : i32
      %dma_start3A_488 = tpu.memref_slice %arg9[%dma_start3A_486, %dma_start3A_487] : memref<100x128xf32, #tpu.memory_space<vmem>> -> memref<36x128xf32, #tpu.memory_space<vmem>>
      %dma_start3A_489 = arith.constant 64 : i32
      %dma_start3A_490 = tpu.memref_slice %arg6[%add3A_476, %dma_start3A_489] : memref<128x100xi32, #tpu.memory_space<vmem>> -> memref<1x36xi32, #tpu.memory_space<vmem>>
      %dma_start3A_491 = tpu.memref_squeeze %dma_start3A_490 : memref<1x36xi32, #tpu.memory_space<vmem>> -> memref<36xi32, #tpu.memory_space<vmem>>
      %dma_start3A_492 = arith.constant 0 : i32
      %dma_start3A_493 = arith.constant 0 : i32
      %dma_start3A_494 = tpu.memref_slice %arg3[%dma_start3A_492, %dma_start3A_493] : memref<100000x128xf32, #tpu.memory_space<hbm>> -> memref<100000x128xf32, #tpu.memory_space<hbm>>
      tpu.enqueue_indirect_dma source(%dma_start3A_494 : memref<100000x128xf32, #tpu.memory_space<hbm>>) target(%dma_start3A_488 : memref<36x128xf32, #tpu.memory_space<vmem>>) offsets(%dma_start3A_491 : memref<36xi32, #tpu.memory_space<vmem>>) semaphore(%arg17 : memref<!tpu.dma_semaphore, #tpu.memory_space<semaphore_mem>>)
      %add3A_495 = arith.constant 1 : i32
      %add3A_496 = arith.addi %mul3A_408, %add3A_495 : i32
      %dma_wait3A_497 = arith.constant 0 : i32
      %dma_wait3A_498 = arith.constant 0 : i32
      %dma_wait3A_499 = tpu.memref_slice %arg10[%dma_wait3A_497, %dma_wait3A_498] : memref<100x128xf32, #tpu.memory_space<vmem>> -> memref<64x128xf32, #tpu.memory_space<vmem>>
      %dma_wait3A_500 = arith.constant 0 : i32
      %dma_wait3A_501 = tpu.memref_slice %arg6[%add3A_496, %dma_wait3A_500] : memref<128x100xi32, #tpu.memory_space<vmem>> -> memref<1x64xi32, #tpu.memory_space<vmem>>
      %dma_wait3A_502 = tpu.memref_squeeze %dma_wait3A_501 : memref<1x64xi32, #tpu.memory_space<vmem>> -> memref<64xi32, #tpu.memory_space<vmem>>
      %dma_wait3A_503 = arith.constant 0 : i32
      %dma_wait3A_504 = arith.constant 0 : i32
      %dma_wait3A_505 = tpu.memref_slice %arg3[%dma_wait3A_503, %dma_wait3A_504] : memref<100000x128xf32, #tpu.memory_space<hbm>> -> memref<100000x128xf32, #tpu.memory_space<hbm>>
      tpu.wait_indirect_dma semaphore(%arg14 : memref<!tpu.dma_semaphore, #tpu.memory_space<semaphore_mem>>) src(%dma_wait3A_505 : memref<100000x128xf32, #tpu.memory_space<hbm>>) dst(%dma_wait3A_499 : memref<64x128xf32, #tpu.memory_space<vmem>>)
      %dma_wait3A_506 = arith.constant 64 : i32
      %dma_wait3A_507 = arith.constant 0 : i32
      %dma_wait3A_508 = tpu.memref_slice %arg10[%dma_wait3A_506, %dma_wait3A_507] : memref<100x128xf32, #tpu.memory_space<vmem>> -> memref<36x128xf32, #tpu.memory_space<vmem>>
      %dma_wait3A_509 = arith.constant 64 : i32
      %dma_wait3A_510 = tpu.memref_slice %arg6[%add3A_496, %dma_wait3A_509] : memref<128x100xi32, #tpu.memory_space<vmem>> -> memref<1x36xi32, #tpu.memory_space<vmem>>
      %dma_wait3A_511 = tpu.memref_squeeze %dma_wait3A_510 : memref<1x36xi32, #tpu.memory_space<vmem>> -> memref<36xi32, #tpu.memory_space<vmem>>
      %dma_wait3A_512 = arith.constant 0 : i32
      %dma_wait3A_513 = arith.constant 0 : i32
      %dma_wait3A_514 = tpu.memref_slice %arg3[%dma_wait3A_512, %dma_wait3A_513] : memref<100000x128xf32, #tpu.memory_space<hbm>> -> memref<100000x128xf32, #tpu.memory_space<hbm>>
      tpu.wait_indirect_dma semaphore(%arg18 : memref<!tpu.dma_semaphore, #tpu.memory_space<semaphore_mem>>) src(%dma_wait3A_514 : memref<100000x128xf32, #tpu.memory_space<hbm>>) dst(%dma_wait3A_508 : memref<36x128xf32, #tpu.memory_space<vmem>>)
      %scan3A_515 = arith.constant 0 : i32
      %scan3A_516 = arith.constant 50 : i32
      %scan3A_517 = arith.addi %scan3A_515, %scan3A_516 : i32
      %scan3A_518 = arith.constant 1 : i32
      %scan3A_519:8 = scf.for %scan3A_754 = %scan3A_515 to %scan3A_517 step %scan3A_518 iter_args(%scan3A_755 = %get3A_2, %scan3A_756 = %get3A_5, %scan3A_757 = %get3A_8, %scan3A_758 = %get3A_11, %scan3A_759 = %get3A_14, %scan3A_760 = %get3A_17, %scan3A_761 = %get3A_20, %scan3A_762 = %get3A_23) -> (vector<16xf32>, vector<16xf32>, vector<16xf32>, vector<16xf32>, vector<16xf32>, vector<16xf32>, vector<16xf32>, vector<16xf32>)  : i32 {
        %mul3A_763 = arith.constant 2 : i32
        %mul3A_764 = arith.muli %scan3A_754, %mul3A_763 : i32
        %get3A_765 = arith.index_cast %mul3A_764 : i32 to index
        %get3A_766 = arith.constant 0 : index
        %get3A_767 = tpu.vector_load %arg10[%get3A_765, %get3A_766] {strides = array<i32>} : memref<100x128xf32, #tpu.memory_space<vmem>>, vector<1x16xf32>,
        %get3A_768 = vector.shape_cast %get3A_767 : vector<1x16xf32> to vector<16xf32>
        %add3A_769 = arith.constant 1 : i32
        %add3A_770 = arith.addi %mul3A_764, %add3A_769 : i32
        %get3A_771 = arith.index_cast %add3A_770 : i32 to index
        %get3A_772 = arith.constant 0 : index
        %get3A_773 = tpu.vector_load %arg10[%get3A_771, %get3A_772] {strides = array<i32>} : memref<100x128xf32, #tpu.memory_space<vmem>>, vector<1x16xf32>,
        %get3A_774 = vector.shape_cast %get3A_773 : vector<1x16xf32> to vector<16xf32>
        %add3A_775 = arith.addf %get3A_768, %get3A_774 : vector<16xf32>
        %add3A_776 = arith.addf %scan3A_755, %add3A_775 : vector<16xf32>
        %get3A_777 = arith.index_cast %mul3A_764 : i32 to index
        %get3A_778 = arith.constant 16 : index
        %get3A_779 = tpu.vector_load %arg10[%get3A_777, %get3A_778] {strides = array<i32>} : memref<100x128xf32, #tpu.memory_space<vmem>>, vector<1x16xf32>,
        %get3A_780 = vector.shape_cast %get3A_779 : vector<1x16xf32> to vector<16xf32>
        %add3A_781 = arith.constant 1 : i32
        %add3A_782 = arith.addi %mul3A_764, %add3A_781 : i32
        %get3A_783 = arith.index_cast %add3A_782 : i32 to index
        %get3A_784 = arith.constant 16 : index
        %get3A_785 = tpu.vector_load %arg10[%get3A_783, %get3A_784] {strides = array<i32>} : memref<100x128xf32, #tpu.memory_space<vmem>>, vector<1x16xf32>,
        %get3A_786 = vector.shape_cast %get3A_785 : vector<1x16xf32> to vector<16xf32>
        %add3A_787 = arith.addf %get3A_780, %get3A_786 : vector<16xf32>
        %add3A_788 = arith.addf %scan3A_756, %add3A_787 : vector<16xf32>
        %get3A_789 = arith.index_cast %mul3A_764 : i32 to index
        %get3A_790 = arith.constant 32 : index
        %get3A_791 = tpu.vector_load %arg10[%get3A_789, %get3A_790] {strides = array<i32>} : memref<100x128xf32, #tpu.memory_space<vmem>>, vector<1x16xf32>,
        %get3A_792 = vector.shape_cast %get3A_791 : vector<1x16xf32> to vector<16xf32>
        %add3A_793 = arith.constant 1 : i32
        %add3A_794 = arith.addi %mul3A_764, %add3A_793 : i32
        %get3A_795 = arith.index_cast %add3A_794 : i32 to index
        %get3A_796 = arith.constant 32 : index
        %get3A_797 = tpu.vector_load %arg10[%get3A_795, %get3A_796] {strides = array<i32>} : memref<100x128xf32, #tpu.memory_space<vmem>>, vector<1x16xf32>,
        %get3A_798 = vector.shape_cast %get3A_797 : vector<1x16xf32> to vector<16xf32>
        %add3A_799 = arith.addf %get3A_792, %get3A_798 : vector<16xf32>
        %add3A_800 = arith.addf %scan3A_757, %add3A_799 : vector<16xf32>
        %get3A_801 = arith.index_cast %mul3A_764 : i32 to index
        %get3A_802 = arith.constant 48 : index
        %get3A_803 = tpu.vector_load %arg10[%get3A_801, %get3A_802] {strides = array<i32>} : memref<100x128xf32, #tpu.memory_space<vmem>>, vector<1x16xf32>,
        %get3A_804 = vector.shape_cast %get3A_803 : vector<1x16xf32> to vector<16xf32>
        %add3A_805 = arith.constant 1 : i32
        %add3A_806 = arith.addi %mul3A_764, %add3A_805 : i32
        %get3A_807 = arith.index_cast %add3A_806 : i32 to index
        %get3A_808 = arith.constant 48 : index
        %get3A_809 = tpu.vector_load %arg10[%get3A_807, %get3A_808] {strides = array<i32>} : memref<100x128xf32, #tpu.memory_space<vmem>>, vector<1x16xf32>,
        %get3A_810 = vector.shape_cast %get3A_809 : vector<1x16xf32> to vector<16xf32>
        %add3A_811 = arith.addf %get3A_804, %get3A_810 : vector<16xf32>
        %add3A_812 = arith.addf %scan3A_758, %add3A_811 : vector<16xf32>
        %get3A_813 = arith.index_cast %mul3A_764 : i32 to index
        %get3A_814 = arith.constant 64 : index
        %get3A_815 = tpu.vector_load %arg10[%get3A_813, %get3A_814] {strides = array<i32>} : memref<100x128xf32, #tpu.memory_space<vmem>>, vector<1x16xf32>,
        %get3A_816 = vector.shape_cast %get3A_815 : vector<1x16xf32> to vector<16xf32>
        %add3A_817 = arith.constant 1 : i32
        %add3A_818 = arith.addi %mul3A_764, %add3A_817 : i32
        %get3A_819 = arith.index_cast %add3A_818 : i32 to index
        %get3A_820 = arith.constant 64 : index
        %get3A_821 = tpu.vector_load %arg10[%get3A_819, %get3A_820] {strides = array<i32>} : memref<100x128xf32, #tpu.memory_space<vmem>>, vector<1x16xf32>,
        %get3A_822 = vector.shape_cast %get3A_821 : vector<1x16xf32> to vector<16xf32>
        %add3A_823 = arith.addf %get3A_816, %get3A_822 : vector<16xf32>
        %add3A_824 = arith.addf %scan3A_759, %add3A_823 : vector<16xf32>
        %get3A_825 = arith.index_cast %mul3A_764 : i32 to index
        %get3A_826 = arith.constant 80 : index
        %get3A_827 = tpu.vector_load %arg10[%get3A_825, %get3A_826] {strides = array<i32>} : memref<100x128xf32, #tpu.memory_space<vmem>>, vector<1x16xf32>,
        %get3A_828 = vector.shape_cast %get3A_827 : vector<1x16xf32> to vector<16xf32>
        %add3A_829 = arith.constant 1 : i32
        %add3A_830 = arith.addi %mul3A_764, %add3A_829 : i32
        %get3A_831 = arith.index_cast %add3A_830 : i32 to index
        %get3A_832 = arith.constant 80 : index
        %get3A_833 = tpu.vector_load %arg10[%get3A_831, %get3A_832] {strides = array<i32>} : memref<100x128xf32, #tpu.memory_space<vmem>>, vector<1x16xf32>,
        %get3A_834 = vector.shape_cast %get3A_833 : vector<1x16xf32> to vector<16xf32>
        %add3A_835 = arith.addf %get3A_828, %get3A_834 : vector<16xf32>
        %add3A_836 = arith.addf %scan3A_760, %add3A_835 : vector<16xf32>
        %get3A_837 = arith.index_cast %mul3A_764 : i32 to index
        %get3A_838 = arith.constant 96 : index
        %get3A_839 = tpu.vector_load %arg10[%get3A_837, %get3A_838] {strides = array<i32>} : memref<100x128xf32, #tpu.memory_space<vmem>>, vector<1x16xf32>,
        %get3A_840 = vector.shape_cast %get3A_839 : vector<1x16xf32> to vector<16xf32>
        %add3A_841 = arith.constant 1 : i32
        %add3A_842 = arith.addi %mul3A_764, %add3A_841 : i32
        %get3A_843 = arith.index_cast %add3A_842 : i32 to index
        %get3A_844 = arith.constant 96 : index
        %get3A_845 = tpu.vector_load %arg10[%get3A_843, %get3A_844] {strides = array<i32>} : memref<100x128xf32, #tpu.memory_space<vmem>>, vector<1x16xf32>,
        %get3A_846 = vector.shape_cast %get3A_845 : vector<1x16xf32> to vector<16xf32>
        %add3A_847 = arith.addf %get3A_840, %get3A_846 : vector<16xf32>
        %add3A_848 = arith.addf %scan3A_761, %add3A_847 : vector<16xf32>
        %get3A_849 = arith.index_cast %mul3A_764 : i32 to index
        %get3A_850 = arith.constant 112 : index
        %get3A_851 = tpu.vector_load %arg10[%get3A_849, %get3A_850] {strides = array<i32>} : memref<100x128xf32, #tpu.memory_space<vmem>>, vector<1x16xf32>,
        %get3A_852 = vector.shape_cast %get3A_851 : vector<1x16xf32> to vector<16xf32>
        %add3A_853 = arith.constant 1 : i32
        %add3A_854 = arith.addi %mul3A_764, %add3A_853 : i32
        %get3A_855 = arith.index_cast %add3A_854 : i32 to index
        %get3A_856 = arith.constant 112 : index
        %get3A_857 = tpu.vector_load %arg10[%get3A_855, %get3A_856] {strides = array<i32>} : memref<100x128xf32, #tpu.memory_space<vmem>>, vector<1x16xf32>,
        %get3A_858 = vector.shape_cast %get3A_857 : vector<1x16xf32> to vector<16xf32>
        %add3A_859 = arith.addf %get3A_852, %get3A_858 : vector<16xf32>
        %add3A_860 = arith.addf %scan3A_762, %add3A_859 : vector<16xf32>
        scf.yield %add3A_776, %add3A_788, %add3A_800, %add3A_812, %add3A_824, %add3A_836, %add3A_848, %add3A_860 : vector<16xf32>, vector<16xf32>, vector<16xf32>, vector<16xf32>, vector<16xf32>, vector<16xf32>, vector<16xf32>, vector<16xf32>
      }
      %scan3A_520 = arith.constant 50 : i32
      %swap3A_521 = arith.index_cast %add3A_496 : i32 to index
      %swap3A_522 = arith.constant 0 : index
      %swap3A_523 = tpu.vector_load %arg8[%swap3A_521, %swap3A_522] {strides = array<i32>} : memref<128x128xf32, #tpu.memory_space<vmem>>, vector<1x16xf32>,
      %swap3A_524 = vector.shape_cast %swap3A_523 : vector<1x16xf32> to vector<16xf32>
      %swap3A_525 = vector.shape_cast %scan3A_519#0 : vector<16xf32> to vector<1x16xf32>
      tpu.vector_store %arg8[%swap3A_521, %swap3A_522], %swap3A_525 {strides = array<i32>} : memref<128x128xf32, #tpu.memory_space<vmem>>, vector<1x16xf32>,
      %swap3A_526 = arith.index_cast %add3A_496 : i32 to index
      %swap3A_527 = arith.constant 16 : index
      %swap3A_528 = tpu.vector_load %arg8[%swap3A_526, %swap3A_527] {strides = array<i32>} : memref<128x128xf32, #tpu.memory_space<vmem>>, vector<1x16xf32>,
      %swap3A_529 = vector.shape_cast %swap3A_528 : vector<1x16xf32> to vector<16xf32>
      %swap3A_530 = vector.shape_cast %scan3A_519#1 : vector<16xf32> to vector<1x16xf32>
      tpu.vector_store %arg8[%swap3A_526, %swap3A_527], %swap3A_530 {strides = array<i32>} : memref<128x128xf32, #tpu.memory_space<vmem>>, vector<1x16xf32>,
      %swap3A_531 = arith.index_cast %add3A_496 : i32 to index
      %swap3A_532 = arith.constant 32 : index
      %swap3A_533 = tpu.vector_load %arg8[%swap3A_531, %swap3A_532] {strides = array<i32>} : memref<128x128xf32, #tpu.memory_space<vmem>>, vector<1x16xf32>,
      %swap3A_534 = vector.shape_cast %swap3A_533 : vector<1x16xf32> to vector<16xf32>
      %swap3A_535 = vector.shape_cast %scan3A_519#2 : vector<16xf32> to vector<1x16xf32>
      tpu.vector_store %arg8[%swap3A_531, %swap3A_532], %swap3A_535 {strides = array<i32>} : memref<128x128xf32, #tpu.memory_space<vmem>>, vector<1x16xf32>,
      %swap3A_536 = arith.index_cast %add3A_496 : i32 to index
      %swap3A_537 = arith.constant 48 : index
      %swap3A_538 = tpu.vector_load %arg8[%swap3A_536, %swap3A_537] {strides = array<i32>} : memref<128x128xf32, #tpu.memory_space<vmem>>, vector<1x16xf32>,
      %swap3A_539 = vector.shape_cast %swap3A_538 : vector<1x16xf32> to vector<16xf32>
      %swap3A_540 = vector.shape_cast %scan3A_519#3 : vector<16xf32> to vector<1x16xf32>
      tpu.vector_store %arg8[%swap3A_536, %swap3A_537], %swap3A_540 {strides = array<i32>} : memref<128x128xf32, #tpu.memory_space<vmem>>, vector<1x16xf32>,
      %swap3A_541 = arith.index_cast %add3A_496 : i32 to index
      %swap3A_542 = arith.constant 64 : index
      %swap3A_543 = tpu.vector_load %arg8[%swap3A_541, %swap3A_542] {strides = array<i32>} : memref<128x128xf32, #tpu.memory_space<vmem>>, vector<1x16xf32>,
      %swap3A_544 = vector.shape_cast %swap3A_543 : vector<1x16xf32> to vector<16xf32>
      %swap3A_545 = vector.shape_cast %scan3A_519#4 : vector<16xf32> to vector<1x16xf32>
      tpu.vector_store %arg8[%swap3A_541, %swap3A_542], %swap3A_545 {strides = array<i32>} : memref<128x128xf32, #tpu.memory_space<vmem>>, vector<1x16xf32>,
      %swap3A_546 = arith.index_cast %add3A_496 : i32 to index
      %swap3A_547 = arith.constant 80 : index
      %swap3A_548 = tpu.vector_load %arg8[%swap3A_546, %swap3A_547] {strides = array<i32>} : memref<128x128xf32, #tpu.memory_space<vmem>>, vector<1x16xf32>,
      %swap3A_549 = vector.shape_cast %swap3A_548 : vector<1x16xf32> to vector<16xf32>
      %swap3A_550 = vector.shape_cast %scan3A_519#5 : vector<16xf32> to vector<1x16xf32>
      tpu.vector_store %arg8[%swap3A_546, %swap3A_547], %swap3A_550 {strides = array<i32>} : memref<128x128xf32, #tpu.memory_space<vmem>>, vector<1x16xf32>,
      %swap3A_551 = arith.index_cast %add3A_496 : i32 to index
      %swap3A_552 = arith.constant 96 : index
      %swap3A_553 = tpu.vector_load %arg8[%swap3A_551, %swap3A_552] {strides = array<i32>} : memref<128x128xf32, #tpu.memory_space<vmem>>, vector<1x16xf32>,
      %swap3A_554 = vector.shape_cast %swap3A_553 : vector<1x16xf32> to vector<16xf32>
      %swap3A_555 = vector.shape_cast %scan3A_519#6 : vector<16xf32> to vector<1x16xf32>
      tpu.vector_store %arg8[%swap3A_551, %swap3A_552], %swap3A_555 {strides = array<i32>} : memref<128x128xf32, #tpu.memory_space<vmem>>, vector<1x16xf32>,
      %swap3A_556 = arith.index_cast %add3A_496 : i32 to index
      %swap3A_557 = arith.constant 112 : index
      %swap3A_558 = tpu.vector_load %arg8[%swap3A_556, %swap3A_557] {strides = array<i32>} : memref<128x128xf32, #tpu.memory_space<vmem>>, vector<1x16xf32>,
      %swap3A_559 = vector.shape_cast %swap3A_558 : vector<1x16xf32> to vector<16xf32>
      %swap3A_560 = vector.shape_cast %scan3A_519#7 : vector<16xf32> to vector<1x16xf32>
      tpu.vector_store %arg8[%swap3A_556, %swap3A_557], %swap3A_560 {strides = array<i32>} : memref<128x128xf32, #tpu.memory_space<vmem>>, vector<1x16xf32>,
      %add3A_561 = arith.constant 4 : i32
      %add3A_562 = arith.addi %add3A_496, %add3A_561 : i32
      %dma_start3A_563 = arith.constant 0 : i32
      %dma_start3A_564 = arith.constant 0 : i32
      %dma_start3A_565 = tpu.memref_slice %arg10[%dma_start3A_563, %dma_start3A_564] : memref<100x128xf32, #tpu.memory_space<vmem>> -> memref<64x128xf32, #tpu.memory_space<vmem>>
      %dma_start3A_566 = arith.constant 0 : i32
      %dma_start3A_567 = tpu.memref_slice %arg6[%add3A_562, %dma_start3A_566] : memref<128x100xi32, #tpu.memory_space<vmem>> -> memref<1x64xi32, #tpu.memory_space<vmem>>
      %dma_start3A_568 = tpu.memref_squeeze %dma_start3A_567 : memref<1x64xi32, #tpu.memory_space<vmem>> -> memref<64xi32, #tpu.memory_space<vmem>>
      %dma_start3A_569 = arith.constant 0 : i32
      %dma_start3A_570 = arith.constant 0 : i32
      %dma_start3A_571 = tpu.memref_slice %arg3[%dma_start3A_569, %dma_start3A_570] : memref<100000x128xf32, #tpu.memory_space<hbm>> -> memref<100000x128xf32, #tpu.memory_space<hbm>>
      tpu.enqueue_indirect_dma source(%dma_start3A_571 : memref<100000x128xf32, #tpu.memory_space<hbm>>) target(%dma_start3A_565 : memref<64x128xf32, #tpu.memory_space<vmem>>) offsets(%dma_start3A_568 : memref<64xi32, #tpu.memory_space<vmem>>) semaphore(%arg14 : memref<!tpu.dma_semaphore, #tpu.memory_space<semaphore_mem>>)
      %dma_start3A_572 = arith.constant 64 : i32
      %dma_start3A_573 = arith.constant 0 : i32
      %dma_start3A_574 = tpu.memref_slice %arg10[%dma_start3A_572, %dma_start3A_573] : memref<100x128xf32, #tpu.memory_space<vmem>> -> memref<36x128xf32, #tpu.memory_space<vmem>>
      %dma_start3A_575 = arith.constant 64 : i32
      %dma_start3A_576 = tpu.memref_slice %arg6[%add3A_562, %dma_start3A_575] : memref<128x100xi32, #tpu.memory_space<vmem>> -> memref<1x36xi32, #tpu.memory_space<vmem>>
      %dma_start3A_577 = tpu.memref_squeeze %dma_start3A_576 : memref<1x36xi32, #tpu.memory_space<vmem>> -> memref<36xi32, #tpu.memory_space<vmem>>
      %dma_start3A_578 = arith.constant 0 : i32
      %dma_start3A_579 = arith.constant 0 : i32
      %dma_start3A_580 = tpu.memref_slice %arg3[%dma_start3A_578, %dma_start3A_579] : memref<100000x128xf32, #tpu.memory_space<hbm>> -> memref<100000x128xf32, #tpu.memory_space<hbm>>
      tpu.enqueue_indirect_dma source(%dma_start3A_580 : memref<100000x128xf32, #tpu.memory_space<hbm>>) target(%dma_start3A_574 : memref<36x128xf32, #tpu.memory_space<vmem>>) offsets(%dma_start3A_577 : memref<36xi32, #tpu.memory_space<vmem>>) semaphore(%arg18 : memref<!tpu.dma_semaphore, #tpu.memory_space<semaphore_mem>>)
      %add3A_581 = arith.constant 2 : i32
      %add3A_582 = arith.addi %mul3A_408, %add3A_581 : i32
      %dma_wait3A_583 = arith.constant 0 : i32
      %dma_wait3A_584 = arith.constant 0 : i32
      %dma_wait3A_585 = tpu.memref_slice %arg11[%dma_wait3A_583, %dma_wait3A_584] : memref<100x128xf32, #tpu.memory_space<vmem>> -> memref<64x128xf32, #tpu.memory_space<vmem>>
      %dma_wait3A_586 = arith.constant 0 : i32
      %dma_wait3A_587 = tpu.memref_slice %arg6[%add3A_582, %dma_wait3A_586] : memref<128x100xi32, #tpu.memory_space<vmem>> -> memref<1x64xi32, #tpu.memory_space<vmem>>
      %dma_wait3A_588 = tpu.memref_squeeze %dma_wait3A_587 : memref<1x64xi32, #tpu.memory_space<vmem>> -> memref<64xi32, #tpu.memory_space<vmem>>
      %dma_wait3A_589 = arith.constant 0 : i32
      %dma_wait3A_590 = arith.constant 0 : i32
      %dma_wait3A_591 = tpu.memref_slice %arg3[%dma_wait3A_589, %dma_wait3A_590] : memref<100000x128xf32, #tpu.memory_space<hbm>> -> memref<100000x128xf32, #tpu.memory_space<hbm>>
      tpu.wait_indirect_dma semaphore(%arg15 : memref<!tpu.dma_semaphore, #tpu.memory_space<semaphore_mem>>) src(%dma_wait3A_591 : memref<100000x128xf32, #tpu.memory_space<hbm>>) dst(%dma_wait3A_585 : memref<64x128xf32, #tpu.memory_space<vmem>>)
      %dma_wait3A_592 = arith.constant 64 : i32
      %dma_wait3A_593 = arith.constant 0 : i32
      %dma_wait3A_594 = tpu.memref_slice %arg11[%dma_wait3A_592, %dma_wait3A_593] : memref<100x128xf32, #tpu.memory_space<vmem>> -> memref<36x128xf32, #tpu.memory_space<vmem>>
      %dma_wait3A_595 = arith.constant 64 : i32
      %dma_wait3A_596 = tpu.memref_slice %arg6[%add3A_582, %dma_wait3A_595] : memref<128x100xi32, #tpu.memory_space<vmem>> -> memref<1x36xi32, #tpu.memory_space<vmem>>
      %dma_wait3A_597 = tpu.memref_squeeze %dma_wait3A_596 : memref<1x36xi32, #tpu.memory_space<vmem>> -> memref<36xi32, #tpu.memory_space<vmem>>
      %dma_wait3A_598 = arith.constant 0 : i32
      %dma_wait3A_599 = arith.constant 0 : i32
      %dma_wait3A_600 = tpu.memref_slice %arg3[%dma_wait3A_598, %dma_wait3A_599] : memref<100000x128xf32, #tpu.memory_space<hbm>> -> memref<100000x128xf32, #tpu.memory_space<hbm>>
      tpu.wait_indirect_dma semaphore(%arg19 : memref<!tpu.dma_semaphore, #tpu.memory_space<semaphore_mem>>) src(%dma_wait3A_600 : memref<100000x128xf32, #tpu.memory_space<hbm>>) dst(%dma_wait3A_594 : memref<36x128xf32, #tpu.memory_space<vmem>>)
      %scan3A_601 = arith.constant 0 : i32
      %scan3A_602 = arith.constant 50 : i32
      %scan3A_603 = arith.addi %scan3A_601, %scan3A_602 : i32
      %scan3A_604 = arith.constant 1 : i32
      %scan3A_605:8 = scf.for %scan3A_754 = %scan3A_601 to %scan3A_603 step %scan3A_604 iter_args(%scan3A_755 = %get3A_2, %scan3A_756 = %get3A_5, %scan3A_757 = %get3A_8, %scan3A_758 = %get3A_11, %scan3A_759 = %get3A_14, %scan3A_760 = %get3A_17, %scan3A_761 = %get3A_20, %scan3A_762 = %get3A_23) -> (vector<16xf32>, vector<16xf32>, vector<16xf32>, vector<16xf32>, vector<16xf32>, vector<16xf32>, vector<16xf32>, vector<16xf32>)  : i32 {
        %mul3A_763 = arith.constant 2 : i32
        %mul3A_764 = arith.muli %scan3A_754, %mul3A_763 : i32
        %get3A_765 = arith.index_cast %mul3A_764 : i32 to index
        %get3A_766 = arith.constant 0 : index
        %get3A_767 = tpu.vector_load %arg11[%get3A_765, %get3A_766] {strides = array<i32>} : memref<100x128xf32, #tpu.memory_space<vmem>>, vector<1x16xf32>,
        %get3A_768 = vector.shape_cast %get3A_767 : vector<1x16xf32> to vector<16xf32>
        %add3A_769 = arith.constant 1 : i32
        %add3A_770 = arith.addi %mul3A_764, %add3A_769 : i32
        %get3A_771 = arith.index_cast %add3A_770 : i32 to index
        %get3A_772 = arith.constant 0 : index
        %get3A_773 = tpu.vector_load %arg11[%get3A_771, %get3A_772] {strides = array<i32>} : memref<100x128xf32, #tpu.memory_space<vmem>>, vector<1x16xf32>,
        %get3A_774 = vector.shape_cast %get3A_773 : vector<1x16xf32> to vector<16xf32>
        %add3A_775 = arith.addf %get3A_768, %get3A_774 : vector<16xf32>
        %add3A_776 = arith.addf %scan3A_755, %add3A_775 : vector<16xf32>
        %get3A_777 = arith.index_cast %mul3A_764 : i32 to index
        %get3A_778 = arith.constant 16 : index
        %get3A_779 = tpu.vector_load %arg11[%get3A_777, %get3A_778] {strides = array<i32>} : memref<100x128xf32, #tpu.memory_space<vmem>>, vector<1x16xf32>,
        %get3A_780 = vector.shape_cast %get3A_779 : vector<1x16xf32> to vector<16xf32>
        %add3A_781 = arith.constant 1 : i32
        %add3A_782 = arith.addi %mul3A_764, %add3A_781 : i32
        %get3A_783 = arith.index_cast %add3A_782 : i32 to index
        %get3A_784 = arith.constant 16 : index
        %get3A_785 = tpu.vector_load %arg11[%get3A_783, %get3A_784] {strides = array<i32>} : memref<100x128xf32, #tpu.memory_space<vmem>>, vector<1x16xf32>,
        %get3A_786 = vector.shape_cast %get3A_785 : vector<1x16xf32> to vector<16xf32>
        %add3A_787 = arith.addf %get3A_780, %get3A_786 : vector<16xf32>
        %add3A_788 = arith.addf %scan3A_756, %add3A_787 : vector<16xf32>
        %get3A_789 = arith.index_cast %mul3A_764 : i32 to index
        %get3A_790 = arith.constant 32 : index
        %get3A_791 = tpu.vector_load %arg11[%get3A_789, %get3A_790] {strides = array<i32>} : memref<100x128xf32, #tpu.memory_space<vmem>>, vector<1x16xf32>,
        %get3A_792 = vector.shape_cast %get3A_791 : vector<1x16xf32> to vector<16xf32>
        %add3A_793 = arith.constant 1 : i32
        %add3A_794 = arith.addi %mul3A_764, %add3A_793 : i32
        %get3A_795 = arith.index_cast %add3A_794 : i32 to index
        %get3A_796 = arith.constant 32 : index
        %get3A_797 = tpu.vector_load %arg11[%get3A_795, %get3A_796] {strides = array<i32>} : memref<100x128xf32, #tpu.memory_space<vmem>>, vector<1x16xf32>,
        %get3A_798 = vector.shape_cast %get3A_797 : vector<1x16xf32> to vector<16xf32>
        %add3A_799 = arith.addf %get3A_792, %get3A_798 : vector<16xf32>
        %add3A_800 = arith.addf %scan3A_757, %add3A_799 : vector<16xf32>
        %get3A_801 = arith.index_cast %mul3A_764 : i32 to index
        %get3A_802 = arith.constant 48 : index
        %get3A_803 = tpu.vector_load %arg11[%get3A_801, %get3A_802] {strides = array<i32>} : memref<100x128xf32, #tpu.memory_space<vmem>>, vector<1x16xf32>,
        %get3A_804 = vector.shape_cast %get3A_803 : vector<1x16xf32> to vector<16xf32>
        %add3A_805 = arith.constant 1 : i32
        %add3A_806 = arith.addi %mul3A_764, %add3A_805 : i32
        %get3A_807 = arith.index_cast %add3A_806 : i32 to index
        %get3A_808 = arith.constant 48 : index
        %get3A_809 = tpu.vector_load %arg11[%get3A_807, %get3A_808] {strides = array<i32>} : memref<100x128xf32, #tpu.memory_space<vmem>>, vector<1x16xf32>,
        %get3A_810 = vector.shape_cast %get3A_809 : vector<1x16xf32> to vector<16xf32>
        %add3A_811 = arith.addf %get3A_804, %get3A_810 : vector<16xf32>
        %add3A_812 = arith.addf %scan3A_758, %add3A_811 : vector<16xf32>
        %get3A_813 = arith.index_cast %mul3A_764 : i32 to index
        %get3A_814 = arith.constant 64 : index
        %get3A_815 = tpu.vector_load %arg11[%get3A_813, %get3A_814] {strides = array<i32>} : memref<100x128xf32, #tpu.memory_space<vmem>>, vector<1x16xf32>,
        %get3A_816 = vector.shape_cast %get3A_815 : vector<1x16xf32> to vector<16xf32>
        %add3A_817 = arith.constant 1 : i32
        %add3A_818 = arith.addi %mul3A_764, %add3A_817 : i32
        %get3A_819 = arith.index_cast %add3A_818 : i32 to index
        %get3A_820 = arith.constant 64 : index
        %get3A_821 = tpu.vector_load %arg11[%get3A_819, %get3A_820] {strides = array<i32>} : memref<100x128xf32, #tpu.memory_space<vmem>>, vector<1x16xf32>,
        %get3A_822 = vector.shape_cast %get3A_821 : vector<1x16xf32> to vector<16xf32>
        %add3A_823 = arith.addf %get3A_816, %get3A_822 : vector<16xf32>
        %add3A_824 = arith.addf %scan3A_759, %add3A_823 : vector<16xf32>
        %get3A_825 = arith.index_cast %mul3A_764 : i32 to index
        %get3A_826 = arith.constant 80 : index
        %get3A_827 = tpu.vector_load %arg11[%get3A_825, %get3A_826] {strides = array<i32>} : memref<100x128xf32, #tpu.memory_space<vmem>>, vector<1x16xf32>,
        %get3A_828 = vector.shape_cast %get3A_827 : vector<1x16xf32> to vector<16xf32>
        %add3A_829 = arith.constant 1 : i32
        %add3A_830 = arith.addi %mul3A_764, %add3A_829 : i32
        %get3A_831 = arith.index_cast %add3A_830 : i32 to index
        %get3A_832 = arith.constant 80 : index
        %get3A_833 = tpu.vector_load %arg11[%get3A_831, %get3A_832] {strides = array<i32>} : memref<100x128xf32, #tpu.memory_space<vmem>>, vector<1x16xf32>,
        %get3A_834 = vector.shape_cast %get3A_833 : vector<1x16xf32> to vector<16xf32>
        %add3A_835 = arith.addf %get3A_828, %get3A_834 : vector<16xf32>
        %add3A_836 = arith.addf %scan3A_760, %add3A_835 : vector<16xf32>
        %get3A_837 = arith.index_cast %mul3A_764 : i32 to index
        %get3A_838 = arith.constant 96 : index
        %get3A_839 = tpu.vector_load %arg11[%get3A_837, %get3A_838] {strides = array<i32>} : memref<100x128xf32, #tpu.memory_space<vmem>>, vector<1x16xf32>,
        %get3A_840 = vector.shape_cast %get3A_839 : vector<1x16xf32> to vector<16xf32>
        %add3A_841 = arith.constant 1 : i32
        %add3A_842 = arith.addi %mul3A_764, %add3A_841 : i32
        %get3A_843 = arith.index_cast %add3A_842 : i32 to index
        %get3A_844 = arith.constant 96 : index
        %get3A_845 = tpu.vector_load %arg11[%get3A_843, %get3A_844] {strides = array<i32>} : memref<100x128xf32, #tpu.memory_space<vmem>>, vector<1x16xf32>,
        %get3A_846 = vector.shape_cast %get3A_845 : vector<1x16xf32> to vector<16xf32>
        %add3A_847 = arith.addf %get3A_840, %get3A_846 : vector<16xf32>
        %add3A_848 = arith.addf %scan3A_761, %add3A_847 : vector<16xf32>
        %get3A_849 = arith.index_cast %mul3A_764 : i32 to index
        %get3A_850 = arith.constant 112 : index
        %get3A_851 = tpu.vector_load %arg11[%get3A_849, %get3A_850] {strides = array<i32>} : memref<100x128xf32, #tpu.memory_space<vmem>>, vector<1x16xf32>,
        %get3A_852 = vector.shape_cast %get3A_851 : vector<1x16xf32> to vector<16xf32>
        %add3A_853 = arith.constant 1 : i32
        %add3A_854 = arith.addi %mul3A_764, %add3A_853 : i32
        %get3A_855 = arith.index_cast %add3A_854 : i32 to index
        %get3A_856 = arith.constant 112 : index
        %get3A_857 = tpu.vector_load %arg11[%get3A_855, %get3A_856] {strides = array<i32>} : memref<100x128xf32, #tpu.memory_space<vmem>>, vector<1x16xf32>,
        %get3A_858 = vector.shape_cast %get3A_857 : vector<1x16xf32> to vector<16xf32>
        %add3A_859 = arith.addf %get3A_852, %get3A_858 : vector<16xf32>
        %add3A_860 = arith.addf %scan3A_762, %add3A_859 : vector<16xf32>
        scf.yield %add3A_776, %add3A_788, %add3A_800, %add3A_812, %add3A_824, %add3A_836, %add3A_848, %add3A_860 : vector<16xf32>, vector<16xf32>, vector<16xf32>, vector<16xf32>, vector<16xf32>, vector<16xf32>, vector<16xf32>, vector<16xf32>
      }
      %scan3A_606 = arith.constant 50 : i32
      %swap3A_607 = arith.index_cast %add3A_582 : i32 to index
      %swap3A_608 = arith.constant 0 : index
      %swap3A_609 = tpu.vector_load %arg8[%swap3A_607, %swap3A_608] {strides = array<i32>} : memref<128x128xf32, #tpu.memory_space<vmem>>, vector<1x16xf32>,
      %swap3A_610 = vector.shape_cast %swap3A_609 : vector<1x16xf32> to vector<16xf32>
      %swap3A_611 = vector.shape_cast %scan3A_605#0 : vector<16xf32> to vector<1x16xf32>
      tpu.vector_store %arg8[%swap3A_607, %swap3A_608], %swap3A_611 {strides = array<i32>} : memref<128x128xf32, #tpu.memory_space<vmem>>, vector<1x16xf32>,
      %swap3A_612 = arith.index_cast %add3A_582 : i32 to index
      %swap3A_613 = arith.constant 16 : index
      %swap3A_614 = tpu.vector_load %arg8[%swap3A_612, %swap3A_613] {strides = array<i32>} : memref<128x128xf32, #tpu.memory_space<vmem>>, vector<1x16xf32>,
      %swap3A_615 = vector.shape_cast %swap3A_614 : vector<1x16xf32> to vector<16xf32>
      %swap3A_616 = vector.shape_cast %scan3A_605#1 : vector<16xf32> to vector<1x16xf32>
      tpu.vector_store %arg8[%swap3A_612, %swap3A_613], %swap3A_616 {strides = array<i32>} : memref<128x128xf32, #tpu.memory_space<vmem>>, vector<1x16xf32>,
      %swap3A_617 = arith.index_cast %add3A_582 : i32 to index
      %swap3A_618 = arith.constant 32 : index
      %swap3A_619 = tpu.vector_load %arg8[%swap3A_617, %swap3A_618] {strides = array<i32>} : memref<128x128xf32, #tpu.memory_space<vmem>>, vector<1x16xf32>,
      %swap3A_620 = vector.shape_cast %swap3A_619 : vector<1x16xf32> to vector<16xf32>
      %swap3A_621 = vector.shape_cast %scan3A_605#2 : vector<16xf32> to vector<1x16xf32>
      tpu.vector_store %arg8[%swap3A_617, %swap3A_618], %swap3A_621 {strides = array<i32>} : memref<128x128xf32, #tpu.memory_space<vmem>>, vector<1x16xf32>,
      %swap3A_622 = arith.index_cast %add3A_582 : i32 to index
      %swap3A_623 = arith.constant 48 : index
      %swap3A_624 = tpu.vector_load %arg8[%swap3A_622, %swap3A_623] {strides = array<i32>} : memref<128x128xf32, #tpu.memory_space<vmem>>, vector<1x16xf32>,
      %swap3A_625 = vector.shape_cast %swap3A_624 : vector<1x16xf32> to vector<16xf32>
      %swap3A_626 = vector.shape_cast %scan3A_605#3 : vector<16xf32> to vector<1x16xf32>
      tpu.vector_store %arg8[%swap3A_622, %swap3A_623], %swap3A_626 {strides = array<i32>} : memref<128x128xf32, #tpu.memory_space<vmem>>, vector<1x16xf32>,
      %swap3A_627 = arith.index_cast %add3A_582 : i32 to index
      %swap3A_628 = arith.constant 64 : index
      %swap3A_629 = tpu.vector_load %arg8[%swap3A_627, %swap3A_628] {strides = array<i32>} : memref<128x128xf32, #tpu.memory_space<vmem>>, vector<1x16xf32>,
      %swap3A_630 = vector.shape_cast %swap3A_629 : vector<1x16xf32> to vector<16xf32>
      %swap3A_631 = vector.shape_cast %scan3A_605#4 : vector<16xf32> to vector<1x16xf32>
      tpu.vector_store %arg8[%swap3A_627, %swap3A_628], %swap3A_631 {strides = array<i32>} : memref<128x128xf32, #tpu.memory_space<vmem>>, vector<1x16xf32>,
      %swap3A_632 = arith.index_cast %add3A_582 : i32 to index
      %swap3A_633 = arith.constant 80 : index
      %swap3A_634 = tpu.vector_load %arg8[%swap3A_632, %swap3A_633] {strides = array<i32>} : memref<128x128xf32, #tpu.memory_space<vmem>>, vector<1x16xf32>,
      %swap3A_635 = vector.shape_cast %swap3A_634 : vector<1x16xf32> to vector<16xf32>
      %swap3A_636 = vector.shape_cast %scan3A_605#5 : vector<16xf32> to vector<1x16xf32>
      tpu.vector_store %arg8[%swap3A_632, %swap3A_633], %swap3A_636 {strides = array<i32>} : memref<128x128xf32, #tpu.memory_space<vmem>>, vector<1x16xf32>,
      %swap3A_637 = arith.index_cast %add3A_582 : i32 to index
      %swap3A_638 = arith.constant 96 : index
      %swap3A_639 = tpu.vector_load %arg8[%swap3A_637, %swap3A_638] {strides = array<i32>} : memref<128x128xf32, #tpu.memory_space<vmem>>, vector<1x16xf32>,
      %swap3A_640 = vector.shape_cast %swap3A_639 : vector<1x16xf32> to vector<16xf32>
      %swap3A_641 = vector.shape_cast %scan3A_605#6 : vector<16xf32> to vector<1x16xf32>
      tpu.vector_store %arg8[%swap3A_637, %swap3A_638], %swap3A_641 {strides = array<i32>} : memref<128x128xf32, #tpu.memory_space<vmem>>, vector<1x16xf32>,
      %swap3A_642 = arith.index_cast %add3A_582 : i32 to index
      %swap3A_643 = arith.constant 112 : index
      %swap3A_644 = tpu.vector_load %arg8[%swap3A_642, %swap3A_643] {strides = array<i32>} : memref<128x128xf32, #tpu.memory_space<vmem>>, vector<1x16xf32>,
      %swap3A_645 = vector.shape_cast %swap3A_644 : vector<1x16xf32> to vector<16xf32>
      %swap3A_646 = vector.shape_cast %scan3A_605#7 : vector<16xf32> to vector<1x16xf32>
      tpu.vector_store %arg8[%swap3A_642, %swap3A_643], %swap3A_646 {strides = array<i32>} : memref<128x128xf32, #tpu.memory_space<vmem>>, vector<1x16xf32>,
      %add3A_647 = arith.constant 4 : i32
      %add3A_648 = arith.addi %add3A_582, %add3A_647 : i32
      %dma_start3A_649 = arith.constant 0 : i32
      %dma_start3A_650 = arith.constant 0 : i32
      %dma_start3A_651 = tpu.memref_slice %arg11[%dma_start3A_649, %dma_start3A_650] : memref<100x128xf32, #tpu.memory_space<vmem>> -> memref<64x128xf32, #tpu.memory_space<vmem>>
      %dma_start3A_652 = arith.constant 0 : i32
      %dma_start3A_653 = tpu.memref_slice %arg6[%add3A_648, %dma_start3A_652] : memref<128x100xi32, #tpu.memory_space<vmem>> -> memref<1x64xi32, #tpu.memory_space<vmem>>
      %dma_start3A_654 = tpu.memref_squeeze %dma_start3A_653 : memref<1x64xi32, #tpu.memory_space<vmem>> -> memref<64xi32, #tpu.memory_space<vmem>>
      %dma_start3A_655 = arith.constant 0 : i32
      %dma_start3A_656 = arith.constant 0 : i32
      %dma_start3A_657 = tpu.memref_slice %arg3[%dma_start3A_655, %dma_start3A_656] : memref<100000x128xf32, #tpu.memory_space<hbm>> -> memref<100000x128xf32, #tpu.memory_space<hbm>>
      tpu.enqueue_indirect_dma source(%dma_start3A_657 : memref<100000x128xf32, #tpu.memory_space<hbm>>) target(%dma_start3A_651 : memref<64x128xf32, #tpu.memory_space<vmem>>) offsets(%dma_start3A_654 : memref<64xi32, #tpu.memory_space<vmem>>) semaphore(%arg15 : memref<!tpu.dma_semaphore, #tpu.memory_space<semaphore_mem>>)
      %dma_start3A_658 = arith.constant 64 : i32
      %dma_start3A_659 = arith.constant 0 : i32
      %dma_start3A_660 = tpu.memref_slice %arg11[%dma_start3A_658, %dma_start3A_659] : memref<100x128xf32, #tpu.memory_space<vmem>> -> memref<36x128xf32, #tpu.memory_space<vmem>>
      %dma_start3A_661 = arith.constant 64 : i32
      %dma_start3A_662 = tpu.memref_slice %arg6[%add3A_648, %dma_start3A_661] : memref<128x100xi32, #tpu.memory_space<vmem>> -> memref<1x36xi32, #tpu.memory_space<vmem>>
      %dma_start3A_663 = tpu.memref_squeeze %dma_start3A_662 : memref<1x36xi32, #tpu.memory_space<vmem>> -> memref<36xi32, #tpu.memory_space<vmem>>
      %dma_start3A_664 = arith.constant 0 : i32
      %dma_start3A_665 = arith.constant 0 : i32
      %dma_start3A_666 = tpu.memref_slice %arg3[%dma_start3A_664, %dma_start3A_665] : memref<100000x128xf32, #tpu.memory_space<hbm>> -> memref<100000x128xf32, #tpu.memory_space<hbm>>
      tpu.enqueue_indirect_dma source(%dma_start3A_666 : memref<100000x128xf32, #tpu.memory_space<hbm>>) target(%dma_start3A_660 : memref<36x128xf32, #tpu.memory_space<vmem>>) offsets(%dma_start3A_663 : memref<36xi32, #tpu.memory_space<vmem>>) semaphore(%arg19 : memref<!tpu.dma_semaphore, #tpu.memory_space<semaphore_mem>>)
      %add3A_667 = arith.constant 3 : i32
      %add3A_668 = arith.addi %mul3A_408, %add3A_667 : i32
      %dma_wait3A_669 = arith.constant 0 : i32
      %dma_wait3A_670 = arith.constant 0 : i32
      %dma_wait3A_671 = tpu.memref_slice %arg12[%dma_wait3A_669, %dma_wait3A_670] : memref<100x128xf32, #tpu.memory_space<vmem>> -> memref<64x128xf32, #tpu.memory_space<vmem>>
      %dma_wait3A_672 = arith.constant 0 : i32
      %dma_wait3A_673 = tpu.memref_slice %arg6[%add3A_668, %dma_wait3A_672] : memref<128x100xi32, #tpu.memory_space<vmem>> -> memref<1x64xi32, #tpu.memory_space<vmem>>
      %dma_wait3A_674 = tpu.memref_squeeze %dma_wait3A_673 : memref<1x64xi32, #tpu.memory_space<vmem>> -> memref<64xi32, #tpu.memory_space<vmem>>
      %dma_wait3A_675 = arith.constant 0 : i32
      %dma_wait3A_676 = arith.constant 0 : i32
      %dma_wait3A_677 = tpu.memref_slice %arg3[%dma_wait3A_675, %dma_wait3A_676] : memref<100000x128xf32, #tpu.memory_space<hbm>> -> memref<100000x128xf32, #tpu.memory_space<hbm>>
      tpu.wait_indirect_dma semaphore(%arg16 : memref<!tpu.dma_semaphore, #tpu.memory_space<semaphore_mem>>) src(%dma_wait3A_677 : memref<100000x128xf32, #tpu.memory_space<hbm>>) dst(%dma_wait3A_671 : memref<64x128xf32, #tpu.memory_space<vmem>>)
      %dma_wait3A_678 = arith.constant 64 : i32
      %dma_wait3A_679 = arith.constant 0 : i32
      %dma_wait3A_680 = tpu.memref_slice %arg12[%dma_wait3A_678, %dma_wait3A_679] : memref<100x128xf32, #tpu.memory_space<vmem>> -> memref<36x128xf32, #tpu.memory_space<vmem>>
      %dma_wait3A_681 = arith.constant 64 : i32
      %dma_wait3A_682 = tpu.memref_slice %arg6[%add3A_668, %dma_wait3A_681] : memref<128x100xi32, #tpu.memory_space<vmem>> -> memref<1x36xi32, #tpu.memory_space<vmem>>
      %dma_wait3A_683 = tpu.memref_squeeze %dma_wait3A_682 : memref<1x36xi32, #tpu.memory_space<vmem>> -> memref<36xi32, #tpu.memory_space<vmem>>
      %dma_wait3A_684 = arith.constant 0 : i32
      %dma_wait3A_685 = arith.constant 0 : i32
      %dma_wait3A_686 = tpu.memref_slice %arg3[%dma_wait3A_684, %dma_wait3A_685] : memref<100000x128xf32, #tpu.memory_space<hbm>> -> memref<100000x128xf32, #tpu.memory_space<hbm>>
      tpu.wait_indirect_dma semaphore(%arg20 : memref<!tpu.dma_semaphore, #tpu.memory_space<semaphore_mem>>) src(%dma_wait3A_686 : memref<100000x128xf32, #tpu.memory_space<hbm>>) dst(%dma_wait3A_680 : memref<36x128xf32, #tpu.memory_space<vmem>>)
      %scan3A_687 = arith.constant 0 : i32
      %scan3A_688 = arith.constant 50 : i32
      %scan3A_689 = arith.addi %scan3A_687, %scan3A_688 : i32
      %scan3A_690 = arith.constant 1 : i32
      %scan3A_691:8 = scf.for %scan3A_754 = %scan3A_687 to %scan3A_689 step %scan3A_690 iter_args(%scan3A_755 = %get3A_2, %scan3A_756 = %get3A_5, %scan3A_757 = %get3A_8, %scan3A_758 = %get3A_11, %scan3A_759 = %get3A_14, %scan3A_760 = %get3A_17, %scan3A_761 = %get3A_20, %scan3A_762 = %get3A_23) -> (vector<16xf32>, vector<16xf32>, vector<16xf32>, vector<16xf32>, vector<16xf32>, vector<16xf32>, vector<16xf32>, vector<16xf32>)  : i32 {
        %mul3A_763 = arith.constant 2 : i32
        %mul3A_764 = arith.muli %scan3A_754, %mul3A_763 : i32
        %get3A_765 = arith.index_cast %mul3A_764 : i32 to index
        %get3A_766 = arith.constant 0 : index
        %get3A_767 = tpu.vector_load %arg12[%get3A_765, %get3A_766] {strides = array<i32>} : memref<100x128xf32, #tpu.memory_space<vmem>>, vector<1x16xf32>,
        %get3A_768 = vector.shape_cast %get3A_767 : vector<1x16xf32> to vector<16xf32>
        %add3A_769 = arith.constant 1 : i32
        %add3A_770 = arith.addi %mul3A_764, %add3A_769 : i32
        %get3A_771 = arith.index_cast %add3A_770 : i32 to index
        %get3A_772 = arith.constant 0 : index
        %get3A_773 = tpu.vector_load %arg12[%get3A_771, %get3A_772] {strides = array<i32>} : memref<100x128xf32, #tpu.memory_space<vmem>>, vector<1x16xf32>,
        %get3A_774 = vector.shape_cast %get3A_773 : vector<1x16xf32> to vector<16xf32>
        %add3A_775 = arith.addf %get3A_768, %get3A_774 : vector<16xf32>
        %add3A_776 = arith.addf %scan3A_755, %add3A_775 : vector<16xf32>
        %get3A_777 = arith.index_cast %mul3A_764 : i32 to index
        %get3A_778 = arith.constant 16 : index
        %get3A_779 = tpu.vector_load %arg12[%get3A_777, %get3A_778] {strides = array<i32>} : memref<100x128xf32, #tpu.memory_space<vmem>>, vector<1x16xf32>,
        %get3A_780 = vector.shape_cast %get3A_779 : vector<1x16xf32> to vector<16xf32>
        %add3A_781 = arith.constant 1 : i32
        %add3A_782 = arith.addi %mul3A_764, %add3A_781 : i32
        %get3A_783 = arith.index_cast %add3A_782 : i32 to index
        %get3A_784 = arith.constant 16 : index
        %get3A_785 = tpu.vector_load %arg12[%get3A_783, %get3A_784] {strides = array<i32>} : memref<100x128xf32, #tpu.memory_space<vmem>>, vector<1x16xf32>,
        %get3A_786 = vector.shape_cast %get3A_785 : vector<1x16xf32> to vector<16xf32>
        %add3A_787 = arith.addf %get3A_780, %get3A_786 : vector<16xf32>
        %add3A_788 = arith.addf %scan3A_756, %add3A_787 : vector<16xf32>
        %get3A_789 = arith.index_cast %mul3A_764 : i32 to index
        %get3A_790 = arith.constant 32 : index
        %get3A_791 = tpu.vector_load %arg12[%get3A_789, %get3A_790] {strides = array<i32>} : memref<100x128xf32, #tpu.memory_space<vmem>>, vector<1x16xf32>,
        %get3A_792 = vector.shape_cast %get3A_791 : vector<1x16xf32> to vector<16xf32>
        %add3A_793 = arith.constant 1 : i32
        %add3A_794 = arith.addi %mul3A_764, %add3A_793 : i32
        %get3A_795 = arith.index_cast %add3A_794 : i32 to index
        %get3A_796 = arith.constant 32 : index
        %get3A_797 = tpu.vector_load %arg12[%get3A_795, %get3A_796] {strides = array<i32>} : memref<100x128xf32, #tpu.memory_space<vmem>>, vector<1x16xf32>,
        %get3A_798 = vector.shape_cast %get3A_797 : vector<1x16xf32> to vector<16xf32>
        %add3A_799 = arith.addf %get3A_792, %get3A_798 : vector<16xf32>
        %add3A_800 = arith.addf %scan3A_757, %add3A_799 : vector<16xf32>
        %get3A_801 = arith.index_cast %mul3A_764 : i32 to index
        %get3A_802 = arith.constant 48 : index
        %get3A_803 = tpu.vector_load %arg12[%get3A_801, %get3A_802] {strides = array<i32>} : memref<100x128xf32, #tpu.memory_space<vmem>>, vector<1x16xf32>,
        %get3A_804 = vector.shape_cast %get3A_803 : vector<1x16xf32> to vector<16xf32>
        %add3A_805 = arith.constant 1 : i32
        %add3A_806 = arith.addi %mul3A_764, %add3A_805 : i32
        %get3A_807 = arith.index_cast %add3A_806 : i32 to index
        %get3A_808 = arith.constant 48 : index
        %get3A_809 = tpu.vector_load %arg12[%get3A_807, %get3A_808] {strides = array<i32>} : memref<100x128xf32, #tpu.memory_space<vmem>>, vector<1x16xf32>,
        %get3A_810 = vector.shape_cast %get3A_809 : vector<1x16xf32> to vector<16xf32>
        %add3A_811 = arith.addf %get3A_804, %get3A_810 : vector<16xf32>
        %add3A_812 = arith.addf %scan3A_758, %add3A_811 : vector<16xf32>
        %get3A_813 = arith.index_cast %mul3A_764 : i32 to index
        %get3A_814 = arith.constant 64 : index
        %get3A_815 = tpu.vector_load %arg12[%get3A_813, %get3A_814] {strides = array<i32>} : memref<100x128xf32, #tpu.memory_space<vmem>>, vector<1x16xf32>,
        %get3A_816 = vector.shape_cast %get3A_815 : vector<1x16xf32> to vector<16xf32>
        %add3A_817 = arith.constant 1 : i32
        %add3A_818 = arith.addi %mul3A_764, %add3A_817 : i32
        %get3A_819 = arith.index_cast %add3A_818 : i32 to index
        %get3A_820 = arith.constant 64 : index
        %get3A_821 = tpu.vector_load %arg12[%get3A_819, %get3A_820] {strides = array<i32>} : memref<100x128xf32, #tpu.memory_space<vmem>>, vector<1x16xf32>,
        %get3A_822 = vector.shape_cast %get3A_821 : vector<1x16xf32> to vector<16xf32>
        %add3A_823 = arith.addf %get3A_816, %get3A_822 : vector<16xf32>
        %add3A_824 = arith.addf %scan3A_759, %add3A_823 : vector<16xf32>
        %get3A_825 = arith.index_cast %mul3A_764 : i32 to index
        %get3A_826 = arith.constant 80 : index
        %get3A_827 = tpu.vector_load %arg12[%get3A_825, %get3A_826] {strides = array<i32>} : memref<100x128xf32, #tpu.memory_space<vmem>>, vector<1x16xf32>,
        %get3A_828 = vector.shape_cast %get3A_827 : vector<1x16xf32> to vector<16xf32>
        %add3A_829 = arith.constant 1 : i32
        %add3A_830 = arith.addi %mul3A_764, %add3A_829 : i32
        %get3A_831 = arith.index_cast %add3A_830 : i32 to index
        %get3A_832 = arith.constant 80 : index
        %get3A_833 = tpu.vector_load %arg12[%get3A_831, %get3A_832] {strides = array<i32>} : memref<100x128xf32, #tpu.memory_space<vmem>>, vector<1x16xf32>,
        %get3A_834 = vector.shape_cast %get3A_833 : vector<1x16xf32> to vector<16xf32>
        %add3A_835 = arith.addf %get3A_828, %get3A_834 : vector<16xf32>
        %add3A_836 = arith.addf %scan3A_760, %add3A_835 : vector<16xf32>
        %get3A_837 = arith.index_cast %mul3A_764 : i32 to index
        %get3A_838 = arith.constant 96 : index
        %get3A_839 = tpu.vector_load %arg12[%get3A_837, %get3A_838] {strides = array<i32>} : memref<100x128xf32, #tpu.memory_space<vmem>>, vector<1x16xf32>,
        %get3A_840 = vector.shape_cast %get3A_839 : vector<1x16xf32> to vector<16xf32>
        %add3A_841 = arith.constant 1 : i32
        %add3A_842 = arith.addi %mul3A_764, %add3A_841 : i32
        %get3A_843 = arith.index_cast %add3A_842 : i32 to index
        %get3A_844 = arith.constant 96 : index
        %get3A_845 = tpu.vector_load %arg12[%get3A_843, %get3A_844] {strides = array<i32>} : memref<100x128xf32, #tpu.memory_space<vmem>>, vector<1x16xf32>,
        %get3A_846 = vector.shape_cast %get3A_845 : vector<1x16xf32> to vector<16xf32>
        %add3A_847 = arith.addf %get3A_840, %get3A_846 : vector<16xf32>
        %add3A_848 = arith.addf %scan3A_761, %add3A_847 : vector<16xf32>
        %get3A_849 = arith.index_cast %mul3A_764 : i32 to index
        %get3A_850 = arith.constant 112 : index
        %get3A_851 = tpu.vector_load %arg12[%get3A_849, %get3A_850] {strides = array<i32>} : memref<100x128xf32, #tpu.memory_space<vmem>>, vector<1x16xf32>,
        %get3A_852 = vector.shape_cast %get3A_851 : vector<1x16xf32> to vector<16xf32>
        %add3A_853 = arith.constant 1 : i32
        %add3A_854 = arith.addi %mul3A_764, %add3A_853 : i32
        %get3A_855 = arith.index_cast %add3A_854 : i32 to index
        %get3A_856 = arith.constant 112 : index
        %get3A_857 = tpu.vector_load %arg12[%get3A_855, %get3A_856] {strides = array<i32>} : memref<100x128xf32, #tpu.memory_space<vmem>>, vector<1x16xf32>,
        %get3A_858 = vector.shape_cast %get3A_857 : vector<1x16xf32> to vector<16xf32>
        %add3A_859 = arith.addf %get3A_852, %get3A_858 : vector<16xf32>
        %add3A_860 = arith.addf %scan3A_762, %add3A_859 : vector<16xf32>
        scf.yield %add3A_776, %add3A_788, %add3A_800, %add3A_812, %add3A_824, %add3A_836, %add3A_848, %add3A_860 : vector<16xf32>, vector<16xf32>, vector<16xf32>, vector<16xf32>, vector<16xf32>, vector<16xf32>, vector<16xf32>, vector<16xf32>
      }
      %scan3A_692 = arith.constant 50 : i32
      %swap3A_693 = arith.index_cast %add3A_668 : i32 to index
      %swap3A_694 = arith.constant 0 : index
      %swap3A_695 = tpu.vector_load %arg8[%swap3A_693, %swap3A_694] {strides = array<i32>} : memref<128x128xf32, #tpu.memory_space<vmem>>, vector<1x16xf32>,
      %swap3A_696 = vector.shape_cast %swap3A_695 : vector<1x16xf32> to vector<16xf32>
      %swap3A_697 = vector.shape_cast %scan3A_691#0 : vector<16xf32> to vector<1x16xf32>
      tpu.vector_store %arg8[%swap3A_693, %swap3A_694], %swap3A_697 {strides = array<i32>} : memref<128x128xf32, #tpu.memory_space<vmem>>, vector<1x16xf32>,
      %swap3A_698 = arith.index_cast %add3A_668 : i32 to index
      %swap3A_699 = arith.constant 16 : index
      %swap3A_700 = tpu.vector_load %arg8[%swap3A_698, %swap3A_699] {strides = array<i32>} : memref<128x128xf32, #tpu.memory_space<vmem>>, vector<1x16xf32>,
      %swap3A_701 = vector.shape_cast %swap3A_700 : vector<1x16xf32> to vector<16xf32>
      %swap3A_702 = vector.shape_cast %scan3A_691#1 : vector<16xf32> to vector<1x16xf32>
      tpu.vector_store %arg8[%swap3A_698, %swap3A_699], %swap3A_702 {strides = array<i32>} : memref<128x128xf32, #tpu.memory_space<vmem>>, vector<1x16xf32>,
      %swap3A_703 = arith.index_cast %add3A_668 : i32 to index
      %swap3A_704 = arith.constant 32 : index
      %swap3A_705 = tpu.vector_load %arg8[%swap3A_703, %swap3A_704] {strides = array<i32>} : memref<128x128xf32, #tpu.memory_space<vmem>>, vector<1x16xf32>,
      %swap3A_706 = vector.shape_cast %swap3A_705 : vector<1x16xf32> to vector<16xf32>
      %swap3A_707 = vector.shape_cast %scan3A_691#2 : vector<16xf32> to vector<1x16xf32>
      tpu.vector_store %arg8[%swap3A_703, %swap3A_704], %swap3A_707 {strides = array<i32>} : memref<128x128xf32, #tpu.memory_space<vmem>>, vector<1x16xf32>,
      %swap3A_708 = arith.index_cast %add3A_668 : i32 to index
      %swap3A_709 = arith.constant 48 : index
      %swap3A_710 = tpu.vector_load %arg8[%swap3A_708, %swap3A_709] {strides = array<i32>} : memref<128x128xf32, #tpu.memory_space<vmem>>, vector<1x16xf32>,
      %swap3A_711 = vector.shape_cast %swap3A_710 : vector<1x16xf32> to vector<16xf32>
      %swap3A_712 = vector.shape_cast %scan3A_691#3 : vector<16xf32> to vector<1x16xf32>
      tpu.vector_store %arg8[%swap3A_708, %swap3A_709], %swap3A_712 {strides = array<i32>} : memref<128x128xf32, #tpu.memory_space<vmem>>, vector<1x16xf32>,
      %swap3A_713 = arith.index_cast %add3A_668 : i32 to index
      %swap3A_714 = arith.constant 64 : index
      %swap3A_715 = tpu.vector_load %arg8[%swap3A_713, %swap3A_714] {strides = array<i32>} : memref<128x128xf32, #tpu.memory_space<vmem>>, vector<1x16xf32>,
      %swap3A_716 = vector.shape_cast %swap3A_715 : vector<1x16xf32> to vector<16xf32>
      %swap3A_717 = vector.shape_cast %scan3A_691#4 : vector<16xf32> to vector<1x16xf32>
      tpu.vector_store %arg8[%swap3A_713, %swap3A_714], %swap3A_717 {strides = array<i32>} : memref<128x128xf32, #tpu.memory_space<vmem>>, vector<1x16xf32>,
      %swap3A_718 = arith.index_cast %add3A_668 : i32 to index
      %swap3A_719 = arith.constant 80 : index
      %swap3A_720 = tpu.vector_load %arg8[%swap3A_718, %swap3A_719] {strides = array<i32>} : memref<128x128xf32, #tpu.memory_space<vmem>>, vector<1x16xf32>,
      %swap3A_721 = vector.shape_cast %swap3A_720 : vector<1x16xf32> to vector<16xf32>
      %swap3A_722 = vector.shape_cast %scan3A_691#5 : vector<16xf32> to vector<1x16xf32>
      tpu.vector_store %arg8[%swap3A_718, %swap3A_719], %swap3A_722 {strides = array<i32>} : memref<128x128xf32, #tpu.memory_space<vmem>>, vector<1x16xf32>,
      %swap3A_723 = arith.index_cast %add3A_668 : i32 to index
      %swap3A_724 = arith.constant 96 : index
      %swap3A_725 = tpu.vector_load %arg8[%swap3A_723, %swap3A_724] {strides = array<i32>} : memref<128x128xf32, #tpu.memory_space<vmem>>, vector<1x16xf32>,
      %swap3A_726 = vector.shape_cast %swap3A_725 : vector<1x16xf32> to vector<16xf32>
      %swap3A_727 = vector.shape_cast %scan3A_691#6 : vector<16xf32> to vector<1x16xf32>
      tpu.vector_store %arg8[%swap3A_723, %swap3A_724], %swap3A_727 {strides = array<i32>} : memref<128x128xf32, #tpu.memory_space<vmem>>, vector<1x16xf32>,
      %swap3A_728 = arith.index_cast %add3A_668 : i32 to index
      %swap3A_729 = arith.constant 112 : index
      %swap3A_730 = tpu.vector_load %arg8[%swap3A_728, %swap3A_729] {strides = array<i32>} : memref<128x128xf32, #tpu.memory_space<vmem>>, vector<1x16xf32>,
      %swap3A_731 = vector.shape_cast %swap3A_730 : vector<1x16xf32> to vector<16xf32>
      %swap3A_732 = vector.shape_cast %scan3A_691#7 : vector<16xf32> to vector<1x16xf32>
      tpu.vector_store %arg8[%swap3A_728, %swap3A_729], %swap3A_732 {strides = array<i32>} : memref<128x128xf32, #tpu.memory_space<vmem>>, vector<1x16xf32>,
      %add3A_733 = arith.constant 4 : i32
      %add3A_734 = arith.addi %add3A_668, %add3A_733 : i32
      %dma_start3A_735 = arith.constant 0 : i32
      %dma_start3A_736 = arith.constant 0 : i32
      %dma_start3A_737 = tpu.memref_slice %arg12[%dma_start3A_735, %dma_start3A_736] : memref<100x128xf32, #tpu.memory_space<vmem>> -> memref<64x128xf32, #tpu.memory_space<vmem>>
      %dma_start3A_738 = arith.constant 0 : i32
      %dma_start3A_739 = tpu.memref_slice %arg6[%add3A_734, %dma_start3A_738] : memref<128x100xi32, #tpu.memory_space<vmem>> -> memref<1x64xi32, #tpu.memory_space<vmem>>
      %dma_start3A_740 = tpu.memref_squeeze %dma_start3A_739 : memref<1x64xi32, #tpu.memory_space<vmem>> -> memref<64xi32, #tpu.memory_space<vmem>>
      %dma_start3A_741 = arith.constant 0 : i32
      %dma_start3A_742 = arith.constant 0 : i32
      %dma_start3A_743 = tpu.memref_slice %arg3[%dma_start3A_741, %dma_start3A_742] : memref<100000x128xf32, #tpu.memory_space<hbm>> -> memref<100000x128xf32, #tpu.memory_space<hbm>>
      tpu.enqueue_indirect_dma source(%dma_start3A_743 : memref<100000x128xf32, #tpu.memory_space<hbm>>) target(%dma_start3A_737 : memref<64x128xf32, #tpu.memory_space<vmem>>) offsets(%dma_start3A_740 : memref<64xi32, #tpu.memory_space<vmem>>) semaphore(%arg16 : memref<!tpu.dma_semaphore, #tpu.memory_space<semaphore_mem>>)
      %dma_start3A_744 = arith.constant 64 : i32
      %dma_start3A_745 = arith.constant 0 : i32
      %dma_start3A_746 = tpu.memref_slice %arg12[%dma_start3A_744, %dma_start3A_745] : memref<100x128xf32, #tpu.memory_space<vmem>> -> memref<36x128xf32, #tpu.memory_space<vmem>>
      %dma_start3A_747 = arith.constant 64 : i32
      %dma_start3A_748 = tpu.memref_slice %arg6[%add3A_734, %dma_start3A_747] : memref<128x100xi32, #tpu.memory_space<vmem>> -> memref<1x36xi32, #tpu.memory_space<vmem>>
      %dma_start3A_749 = tpu.memref_squeeze %dma_start3A_748 : memref<1x36xi32, #tpu.memory_space<vmem>> -> memref<36xi32, #tpu.memory_space<vmem>>
      %dma_start3A_750 = arith.constant 0 : i32
      %dma_start3A_751 = arith.constant 0 : i32
      %dma_start3A_752 = tpu.memref_slice %arg3[%dma_start3A_750, %dma_start3A_751] : memref<100000x128xf32, #tpu.memory_space<hbm>> -> memref<100000x128xf32, #tpu.memory_space<hbm>>
      tpu.enqueue_indirect_dma source(%dma_start3A_752 : memref<100000x128xf32, #tpu.memory_space<hbm>>) target(%dma_start3A_746 : memref<36x128xf32, #tpu.memory_space<vmem>>) offsets(%dma_start3A_749 : memref<36xi32, #tpu.memory_space<vmem>>) semaphore(%arg20 : memref<!tpu.dma_semaphore, #tpu.memory_space<semaphore_mem>>)
      %scan3A_753 = arith.constant 0 : i32
      scf.yield %scan3A_753 : i32
    }
    %scan3A_108 = arith.constant 31 : i32
    %dma_wait3A = arith.constant 124 : i32
    %dma_wait3A_109 = arith.constant 0 : i32
    %dma_wait3A_110 = arith.constant 0 : i32
    %dma_wait3A_111 = tpu.memref_slice %arg9[%dma_wait3A_109, %dma_wait3A_110] : memref<100x128xf32, #tpu.memory_space<vmem>> -> memref<64x128xf32, #tpu.memory_space<vmem>>
    %dma_wait3A_112 = arith.constant 0 : i32
    %dma_wait3A_113 = tpu.memref_slice %arg6[%dma_wait3A, %dma_wait3A_112] : memref<128x100xi32, #tpu.memory_space<vmem>> -> memref<1x64xi32, #tpu.memory_space<vmem>>
    %dma_wait3A_114 = tpu.memref_squeeze %dma_wait3A_113 : memref<1x64xi32, #tpu.memory_space<vmem>> -> memref<64xi32, #tpu.memory_space<vmem>>
    %dma_wait3A_115 = arith.constant 0 : i32
    %dma_wait3A_116 = arith.constant 0 : i32
    %dma_wait3A_117 = tpu.memref_slice %arg3[%dma_wait3A_115, %dma_wait3A_116] : memref<100000x128xf32, #tpu.memory_space<hbm>> -> memref<100000x128xf32, #tpu.memory_space<hbm>>
    tpu.wait_indirect_dma semaphore(%arg13 : memref<!tpu.dma_semaphore, #tpu.memory_space<semaphore_mem>>) src(%dma_wait3A_117 : memref<100000x128xf32, #tpu.memory_space<hbm>>) dst(%dma_wait3A_111 : memref<64x128xf32, #tpu.memory_space<vmem>>)
    %dma_wait3A_118 = arith.constant 124 : i32
    %dma_wait3A_119 = arith.constant 64 : i32
    %dma_wait3A_120 = arith.constant 0 : i32
    %dma_wait3A_121 = tpu.memref_slice %arg9[%dma_wait3A_119, %dma_wait3A_120] : memref<100x128xf32, #tpu.memory_space<vmem>> -> memref<36x128xf32, #tpu.memory_space<vmem>>
    %dma_wait3A_122 = arith.constant 64 : i32
    %dma_wait3A_123 = tpu.memref_slice %arg6[%dma_wait3A_118, %dma_wait3A_122] : memref<128x100xi32, #tpu.memory_space<vmem>> -> memref<1x36xi32, #tpu.memory_space<vmem>>
    %dma_wait3A_124 = tpu.memref_squeeze %dma_wait3A_123 : memref<1x36xi32, #tpu.memory_space<vmem>> -> memref<36xi32, #tpu.memory_space<vmem>>
    %dma_wait3A_125 = arith.constant 0 : i32
    %dma_wait3A_126 = arith.constant 0 : i32
    %dma_wait3A_127 = tpu.memref_slice %arg3[%dma_wait3A_125, %dma_wait3A_126] : memref<100000x128xf32, #tpu.memory_space<hbm>> -> memref<100000x128xf32, #tpu.memory_space<hbm>>
    tpu.wait_indirect_dma semaphore(%arg17 : memref<!tpu.dma_semaphore, #tpu.memory_space<semaphore_mem>>) src(%dma_wait3A_127 : memref<100000x128xf32, #tpu.memory_space<hbm>>) dst(%dma_wait3A_121 : memref<36x128xf32, #tpu.memory_space<vmem>>)
    %scan3A_128 = arith.constant 0 : i32
    %scan3A_129 = arith.constant 50 : i32
    %scan3A_130 = arith.addi %scan3A_128, %scan3A_129 : i32
    %scan3A_131 = arith.constant 1 : i32
    %scan3A_132:8 = scf.for %scan3A_405 = %scan3A_128 to %scan3A_130 step %scan3A_131 iter_args(%scan3A_406 = %get3A_2, %scan3A_407 = %get3A_5, %scan3A_408 = %get3A_8, %scan3A_409 = %get3A_11, %scan3A_410 = %get3A_14, %scan3A_411 = %get3A_17, %scan3A_412 = %get3A_20, %scan3A_413 = %get3A_23) -> (vector<16xf32>, vector<16xf32>, vector<16xf32>, vector<16xf32>, vector<16xf32>, vector<16xf32>, vector<16xf32>, vector<16xf32>)  : i32 {
      %mul3A_414 = arith.constant 2 : i32
      %mul3A_415 = arith.muli %scan3A_405, %mul3A_414 : i32
      %get3A_416 = arith.index_cast %mul3A_415 : i32 to index
      %get3A_417 = arith.constant 0 : index
      %get3A_418 = tpu.vector_load %arg9[%get3A_416, %get3A_417] {strides = array<i32>} : memref<100x128xf32, #tpu.memory_space<vmem>>, vector<1x16xf32>,
      %get3A_419 = vector.shape_cast %get3A_418 : vector<1x16xf32> to vector<16xf32>
      %add3A_420 = arith.constant 1 : i32
      %add3A_421 = arith.addi %mul3A_415, %add3A_420 : i32
      %get3A_422 = arith.index_cast %add3A_421 : i32 to index
      %get3A_423 = arith.constant 0 : index
      %get3A_424 = tpu.vector_load %arg9[%get3A_422, %get3A_423] {strides = array<i32>} : memref<100x128xf32, #tpu.memory_space<vmem>>, vector<1x16xf32>,
      %get3A_425 = vector.shape_cast %get3A_424 : vector<1x16xf32> to vector<16xf32>
      %add3A_426 = arith.addf %get3A_419, %get3A_425 : vector<16xf32>
      %add3A_427 = arith.addf %scan3A_406, %add3A_426 : vector<16xf32>
      %get3A_428 = arith.index_cast %mul3A_415 : i32 to index
      %get3A_429 = arith.constant 16 : index
      %get3A_430 = tpu.vector_load %arg9[%get3A_428, %get3A_429] {strides = array<i32>} : memref<100x128xf32, #tpu.memory_space<vmem>>, vector<1x16xf32>,
      %get3A_431 = vector.shape_cast %get3A_430 : vector<1x16xf32> to vector<16xf32>
      %add3A_432 = arith.constant 1 : i32
      %add3A_433 = arith.addi %mul3A_415, %add3A_432 : i32
      %get3A_434 = arith.index_cast %add3A_433 : i32 to index
      %get3A_435 = arith.constant 16 : index
      %get3A_436 = tpu.vector_load %arg9[%get3A_434, %get3A_435] {strides = array<i32>} : memref<100x128xf32, #tpu.memory_space<vmem>>, vector<1x16xf32>,
      %get3A_437 = vector.shape_cast %get3A_436 : vector<1x16xf32> to vector<16xf32>
      %add3A_438 = arith.addf %get3A_431, %get3A_437 : vector<16xf32>
      %add3A_439 = arith.addf %scan3A_407, %add3A_438 : vector<16xf32>
      %get3A_440 = arith.index_cast %mul3A_415 : i32 to index
      %get3A_441 = arith.constant 32 : index
      %get3A_442 = tpu.vector_load %arg9[%get3A_440, %get3A_441] {strides = array<i32>} : memref<100x128xf32, #tpu.memory_space<vmem>>, vector<1x16xf32>,
      %get3A_443 = vector.shape_cast %get3A_442 : vector<1x16xf32> to vector<16xf32>
      %add3A_444 = arith.constant 1 : i32
      %add3A_445 = arith.addi %mul3A_415, %add3A_444 : i32
      %get3A_446 = arith.index_cast %add3A_445 : i32 to index
      %get3A_447 = arith.constant 32 : index
      %get3A_448 = tpu.vector_load %arg9[%get3A_446, %get3A_447] {strides = array<i32>} : memref<100x128xf32, #tpu.memory_space<vmem>>, vector<1x16xf32>,
      %get3A_449 = vector.shape_cast %get3A_448 : vector<1x16xf32> to vector<16xf32>
      %add3A_450 = arith.addf %get3A_443, %get3A_449 : vector<16xf32>
      %add3A_451 = arith.addf %scan3A_408, %add3A_450 : vector<16xf32>
      %get3A_452 = arith.index_cast %mul3A_415 : i32 to index
      %get3A_453 = arith.constant 48 : index
      %get3A_454 = tpu.vector_load %arg9[%get3A_452, %get3A_453] {strides = array<i32>} : memref<100x128xf32, #tpu.memory_space<vmem>>, vector<1x16xf32>,
      %get3A_455 = vector.shape_cast %get3A_454 : vector<1x16xf32> to vector<16xf32>
      %add3A_456 = arith.constant 1 : i32
      %add3A_457 = arith.addi %mul3A_415, %add3A_456 : i32
      %get3A_458 = arith.index_cast %add3A_457 : i32 to index
      %get3A_459 = arith.constant 48 : index
      %get3A_460 = tpu.vector_load %arg9[%get3A_458, %get3A_459] {strides = array<i32>} : memref<100x128xf32, #tpu.memory_space<vmem>>, vector<1x16xf32>,
      %get3A_461 = vector.shape_cast %get3A_460 : vector<1x16xf32> to vector<16xf32>
      %add3A_462 = arith.addf %get3A_455, %get3A_461 : vector<16xf32>
      %add3A_463 = arith.addf %scan3A_409, %add3A_462 : vector<16xf32>
      %get3A_464 = arith.index_cast %mul3A_415 : i32 to index
      %get3A_465 = arith.constant 64 : index
      %get3A_466 = tpu.vector_load %arg9[%get3A_464, %get3A_465] {strides = array<i32>} : memref<100x128xf32, #tpu.memory_space<vmem>>, vector<1x16xf32>,
      %get3A_467 = vector.shape_cast %get3A_466 : vector<1x16xf32> to vector<16xf32>
      %add3A_468 = arith.constant 1 : i32
      %add3A_469 = arith.addi %mul3A_415, %add3A_468 : i32
      %get3A_470 = arith.index_cast %add3A_469 : i32 to index
      %get3A_471 = arith.constant 64 : index
      %get3A_472 = tpu.vector_load %arg9[%get3A_470, %get3A_471] {strides = array<i32>} : memref<100x128xf32, #tpu.memory_space<vmem>>, vector<1x16xf32>,
      %get3A_473 = vector.shape_cast %get3A_472 : vector<1x16xf32> to vector<16xf32>
      %add3A_474 = arith.addf %get3A_467, %get3A_473 : vector<16xf32>
      %add3A_475 = arith.addf %scan3A_410, %add3A_474 : vector<16xf32>
      %get3A_476 = arith.index_cast %mul3A_415 : i32 to index
      %get3A_477 = arith.constant 80 : index
      %get3A_478 = tpu.vector_load %arg9[%get3A_476, %get3A_477] {strides = array<i32>} : memref<100x128xf32, #tpu.memory_space<vmem>>, vector<1x16xf32>,
      %get3A_479 = vector.shape_cast %get3A_478 : vector<1x16xf32> to vector<16xf32>
      %add3A_480 = arith.constant 1 : i32
      %add3A_481 = arith.addi %mul3A_415, %add3A_480 : i32
      %get3A_482 = arith.index_cast %add3A_481 : i32 to index
      %get3A_483 = arith.constant 80 : index
      %get3A_484 = tpu.vector_load %arg9[%get3A_482, %get3A_483] {strides = array<i32>} : memref<100x128xf32, #tpu.memory_space<vmem>>, vector<1x16xf32>,
      %get3A_485 = vector.shape_cast %get3A_484 : vector<1x16xf32> to vector<16xf32>
      %add3A_486 = arith.addf %get3A_479, %get3A_485 : vector<16xf32>
      %add3A_487 = arith.addf %scan3A_411, %add3A_486 : vector<16xf32>
      %get3A_488 = arith.index_cast %mul3A_415 : i32 to index
      %get3A_489 = arith.constant 96 : index
      %get3A_490 = tpu.vector_load %arg9[%get3A_488, %get3A_489] {strides = array<i32>} : memref<100x128xf32, #tpu.memory_space<vmem>>, vector<1x16xf32>,
      %get3A_491 = vector.shape_cast %get3A_490 : vector<1x16xf32> to vector<16xf32>
      %add3A_492 = arith.constant 1 : i32
      %add3A_493 = arith.addi %mul3A_415, %add3A_492 : i32
      %get3A_494 = arith.index_cast %add3A_493 : i32 to index
      %get3A_495 = arith.constant 96 : index
      %get3A_496 = tpu.vector_load %arg9[%get3A_494, %get3A_495] {strides = array<i32>} : memref<100x128xf32, #tpu.memory_space<vmem>>, vector<1x16xf32>,
      %get3A_497 = vector.shape_cast %get3A_496 : vector<1x16xf32> to vector<16xf32>
      %add3A_498 = arith.addf %get3A_491, %get3A_497 : vector<16xf32>
      %add3A_499 = arith.addf %scan3A_412, %add3A_498 : vector<16xf32>
      %get3A_500 = arith.index_cast %mul3A_415 : i32 to index
      %get3A_501 = arith.constant 112 : index
      %get3A_502 = tpu.vector_load %arg9[%get3A_500, %get3A_501] {strides = array<i32>} : memref<100x128xf32, #tpu.memory_space<vmem>>, vector<1x16xf32>,
      %get3A_503 = vector.shape_cast %get3A_502 : vector<1x16xf32> to vector<16xf32>
      %add3A_504 = arith.constant 1 : i32
      %add3A_505 = arith.addi %mul3A_415, %add3A_504 : i32
      %get3A_506 = arith.index_cast %add3A_505 : i32 to index
      %get3A_507 = arith.constant 112 : index
      %get3A_508 = tpu.vector_load %arg9[%get3A_506, %get3A_507] {strides = array<i32>} : memref<100x128xf32, #tpu.memory_space<vmem>>, vector<1x16xf32>,
      %get3A_509 = vector.shape_cast %get3A_508 : vector<1x16xf32> to vector<16xf32>
      %add3A_510 = arith.addf %get3A_503, %get3A_509 : vector<16xf32>
      %add3A_511 = arith.addf %scan3A_413, %add3A_510 : vector<16xf32>
      scf.yield %add3A_427, %add3A_439, %add3A_451, %add3A_463, %add3A_475, %add3A_487, %add3A_499, %add3A_511 : vector<16xf32>, vector<16xf32>, vector<16xf32>, vector<16xf32>, vector<16xf32>, vector<16xf32>, vector<16xf32>, vector<16xf32>
    }
    %scan3A_133 = arith.constant 50 : i32
    %swap3A = arith.constant 124 : i32
    %swap3A_134 = arith.index_cast %swap3A : i32 to index
    %swap3A_135 = arith.constant 0 : index
    %swap3A_136 = tpu.vector_load %arg8[%swap3A_134, %swap3A_135] {strides = array<i32>} : memref<128x128xf32, #tpu.memory_space<vmem>>, vector<1x16xf32>,
    %swap3A_137 = vector.shape_cast %swap3A_136 : vector<1x16xf32> to vector<16xf32>
    %swap3A_138 = vector.shape_cast %scan3A_132#0 : vector<16xf32> to vector<1x16xf32>
    tpu.vector_store %arg8[%swap3A_134, %swap3A_135], %swap3A_138 {strides = array<i32>} : memref<128x128xf32, #tpu.memory_space<vmem>>, vector<1x16xf32>,
    %swap3A_139 = arith.constant 124 : i32
    %swap3A_140 = arith.index_cast %swap3A_139 : i32 to index
    %swap3A_141 = arith.constant 16 : index
    %swap3A_142 = tpu.vector_load %arg8[%swap3A_140, %swap3A_141] {strides = array<i32>} : memref<128x128xf32, #tpu.memory_space<vmem>>, vector<1x16xf32>,
    %swap3A_143 = vector.shape_cast %swap3A_142 : vector<1x16xf32> to vector<16xf32>
    %swap3A_144 = vector.shape_cast %scan3A_132#1 : vector<16xf32> to vector<1x16xf32>
    tpu.vector_store %arg8[%swap3A_140, %swap3A_141], %swap3A_144 {strides = array<i32>} : memref<128x128xf32, #tpu.memory_space<vmem>>, vector<1x16xf32>,
    %swap3A_145 = arith.constant 124 : i32
    %swap3A_146 = arith.index_cast %swap3A_145 : i32 to index
    %swap3A_147 = arith.constant 32 : index
    %swap3A_148 = tpu.vector_load %arg8[%swap3A_146, %swap3A_147] {strides = array<i32>} : memref<128x128xf32, #tpu.memory_space<vmem>>, vector<1x16xf32>,
    %swap3A_149 = vector.shape_cast %swap3A_148 : vector<1x16xf32> to vector<16xf32>
    %swap3A_150 = vector.shape_cast %scan3A_132#2 : vector<16xf32> to vector<1x16xf32>
    tpu.vector_store %arg8[%swap3A_146, %swap3A_147], %swap3A_150 {strides = array<i32>} : memref<128x128xf32, #tpu.memory_space<vmem>>, vector<1x16xf32>,
    %swap3A_151 = arith.constant 124 : i32
    %swap3A_152 = arith.index_cast %swap3A_151 : i32 to index
    %swap3A_153 = arith.constant 48 : index
    %swap3A_154 = tpu.vector_load %arg8[%swap3A_152, %swap3A_153] {strides = array<i32>} : memref<128x128xf32, #tpu.memory_space<vmem>>, vector<1x16xf32>,
    %swap3A_155 = vector.shape_cast %swap3A_154 : vector<1x16xf32> to vector<16xf32>
    %swap3A_156 = vector.shape_cast %scan3A_132#3 : vector<16xf32> to vector<1x16xf32>
    tpu.vector_store %arg8[%swap3A_152, %swap3A_153], %swap3A_156 {strides = array<i32>} : memref<128x128xf32, #tpu.memory_space<vmem>>, vector<1x16xf32>,
    %swap3A_157 = arith.constant 124 : i32
    %swap3A_158 = arith.index_cast %swap3A_157 : i32 to index
    %swap3A_159 = arith.constant 64 : index
    %swap3A_160 = tpu.vector_load %arg8[%swap3A_158, %swap3A_159] {strides = array<i32>} : memref<128x128xf32, #tpu.memory_space<vmem>>, vector<1x16xf32>,
    %swap3A_161 = vector.shape_cast %swap3A_160 : vector<1x16xf32> to vector<16xf32>
    %swap3A_162 = vector.shape_cast %scan3A_132#4 : vector<16xf32> to vector<1x16xf32>
    tpu.vector_store %arg8[%swap3A_158, %swap3A_159], %swap3A_162 {strides = array<i32>} : memref<128x128xf32, #tpu.memory_space<vmem>>, vector<1x16xf32>,
    %swap3A_163 = arith.constant 124 : i32
    %swap3A_164 = arith.index_cast %swap3A_163 : i32 to index
    %swap3A_165 = arith.constant 80 : index
    %swap3A_166 = tpu.vector_load %arg8[%swap3A_164, %swap3A_165] {strides = array<i32>} : memref<128x128xf32, #tpu.memory_space<vmem>>, vector<1x16xf32>,
    %swap3A_167 = vector.shape_cast %swap3A_166 : vector<1x16xf32> to vector<16xf32>
    %swap3A_168 = vector.shape_cast %scan3A_132#5 : vector<16xf32> to vector<1x16xf32>
    tpu.vector_store %arg8[%swap3A_164, %swap3A_165], %swap3A_168 {strides = array<i32>} : memref<128x128xf32, #tpu.memory_space<vmem>>, vector<1x16xf32>,
    %swap3A_169 = arith.constant 124 : i32
    %swap3A_170 = arith.index_cast %swap3A_169 : i32 to index
    %swap3A_171 = arith.constant 96 : index
    %swap3A_172 = tpu.vector_load %arg8[%swap3A_170, %swap3A_171] {strides = array<i32>} : memref<128x128xf32, #tpu.memory_space<vmem>>, vector<1x16xf32>,
    %swap3A_173 = vector.shape_cast %swap3A_172 : vector<1x16xf32> to vector<16xf32>
    %swap3A_174 = vector.shape_cast %scan3A_132#6 : vector<16xf32> to vector<1x16xf32>
    tpu.vector_store %arg8[%swap3A_170, %swap3A_171], %swap3A_174 {strides = array<i32>} : memref<128x128xf32, #tpu.memory_space<vmem>>, vector<1x16xf32>,
    %swap3A_175 = arith.constant 124 : i32
    %swap3A_176 = arith.index_cast %swap3A_175 : i32 to index
    %swap3A_177 = arith.constant 112 : index
    %swap3A_178 = tpu.vector_load %arg8[%swap3A_176, %swap3A_177] {strides = array<i32>} : memref<128x128xf32, #tpu.memory_space<vmem>>, vector<1x16xf32>,
    %swap3A_179 = vector.shape_cast %swap3A_178 : vector<1x16xf32> to vector<16xf32>
    %swap3A_180 = vector.shape_cast %scan3A_132#7 : vector<16xf32> to vector<1x16xf32>
    tpu.vector_store %arg8[%swap3A_176, %swap3A_177], %swap3A_180 {strides = array<i32>} : memref<128x128xf32, #tpu.memory_space<vmem>>, vector<1x16xf32>,
    %dma_wait3A_181 = arith.constant 125 : i32
    %dma_wait3A_182 = arith.constant 0 : i32
    %dma_wait3A_183 = arith.constant 0 : i32
    %dma_wait3A_184 = tpu.memref_slice %arg10[%dma_wait3A_182, %dma_wait3A_183] : memref<100x128xf32, #tpu.memory_space<vmem>> -> memref<64x128xf32, #tpu.memory_space<vmem>>
    %dma_wait3A_185 = arith.constant 0 : i32
    %dma_wait3A_186 = tpu.memref_slice %arg6[%dma_wait3A_181, %dma_wait3A_185] : memref<128x100xi32, #tpu.memory_space<vmem>> -> memref<1x64xi32, #tpu.memory_space<vmem>>
    %dma_wait3A_187 = tpu.memref_squeeze %dma_wait3A_186 : memref<1x64xi32, #tpu.memory_space<vmem>> -> memref<64xi32, #tpu.memory_space<vmem>>
    %dma_wait3A_188 = arith.constant 0 : i32
    %dma_wait3A_189 = arith.constant 0 : i32
    %dma_wait3A_190 = tpu.memref_slice %arg3[%dma_wait3A_188, %dma_wait3A_189] : memref<100000x128xf32, #tpu.memory_space<hbm>> -> memref<100000x128xf32, #tpu.memory_space<hbm>>
    tpu.wait_indirect_dma semaphore(%arg14 : memref<!tpu.dma_semaphore, #tpu.memory_space<semaphore_mem>>) src(%dma_wait3A_190 : memref<100000x128xf32, #tpu.memory_space<hbm>>) dst(%dma_wait3A_184 : memref<64x128xf32, #tpu.memory_space<vmem>>)
    %dma_wait3A_191 = arith.constant 125 : i32
    %dma_wait3A_192 = arith.constant 64 : i32
    %dma_wait3A_193 = arith.constant 0 : i32
    %dma_wait3A_194 = tpu.memref_slice %arg10[%dma_wait3A_192, %dma_wait3A_193] : memref<100x128xf32, #tpu.memory_space<vmem>> -> memref<36x128xf32, #tpu.memory_space<vmem>>
    %dma_wait3A_195 = arith.constant 64 : i32
    %dma_wait3A_196 = tpu.memref_slice %arg6[%dma_wait3A_191, %dma_wait3A_195] : memref<128x100xi32, #tpu.memory_space<vmem>> -> memref<1x36xi32, #tpu.memory_space<vmem>>
    %dma_wait3A_197 = tpu.memref_squeeze %dma_wait3A_196 : memref<1x36xi32, #tpu.memory_space<vmem>> -> memref<36xi32, #tpu.memory_space<vmem>>
    %dma_wait3A_198 = arith.constant 0 : i32
    %dma_wait3A_199 = arith.constant 0 : i32
    %dma_wait3A_200 = tpu.memref_slice %arg3[%dma_wait3A_198, %dma_wait3A_199] : memref<100000x128xf32, #tpu.memory_space<hbm>> -> memref<100000x128xf32, #tpu.memory_space<hbm>>
    tpu.wait_indirect_dma semaphore(%arg18 : memref<!tpu.dma_semaphore, #tpu.memory_space<semaphore_mem>>) src(%dma_wait3A_200 : memref<100000x128xf32, #tpu.memory_space<hbm>>) dst(%dma_wait3A_194 : memref<36x128xf32, #tpu.memory_space<vmem>>)
    %scan3A_201 = arith.constant 0 : i32
    %scan3A_202 = arith.constant 50 : i32
    %scan3A_203 = arith.addi %scan3A_201, %scan3A_202 : i32
    %scan3A_204 = arith.constant 1 : i32
    %scan3A_205:8 = scf.for %scan3A_405 = %scan3A_201 to %scan3A_203 step %scan3A_204 iter_args(%scan3A_406 = %get3A_2, %scan3A_407 = %get3A_5, %scan3A_408 = %get3A_8, %scan3A_409 = %get3A_11, %scan3A_410 = %get3A_14, %scan3A_411 = %get3A_17, %scan3A_412 = %get3A_20, %scan3A_413 = %get3A_23) -> (vector<16xf32>, vector<16xf32>, vector<16xf32>, vector<16xf32>, vector<16xf32>, vector<16xf32>, vector<16xf32>, vector<16xf32>)  : i32 {
      %mul3A_414 = arith.constant 2 : i32
      %mul3A_415 = arith.muli %scan3A_405, %mul3A_414 : i32
      %get3A_416 = arith.index_cast %mul3A_415 : i32 to index
      %get3A_417 = arith.constant 0 : index
      %get3A_418 = tpu.vector_load %arg10[%get3A_416, %get3A_417] {strides = array<i32>} : memref<100x128xf32, #tpu.memory_space<vmem>>, vector<1x16xf32>,
      %get3A_419 = vector.shape_cast %get3A_418 : vector<1x16xf32> to vector<16xf32>
      %add3A_420 = arith.constant 1 : i32
      %add3A_421 = arith.addi %mul3A_415, %add3A_420 : i32
      %get3A_422 = arith.index_cast %add3A_421 : i32 to index
      %get3A_423 = arith.constant 0 : index
      %get3A_424 = tpu.vector_load %arg10[%get3A_422, %get3A_423] {strides = array<i32>} : memref<100x128xf32, #tpu.memory_space<vmem>>, vector<1x16xf32>,
      %get3A_425 = vector.shape_cast %get3A_424 : vector<1x16xf32> to vector<16xf32>
      %add3A_426 = arith.addf %get3A_419, %get3A_425 : vector<16xf32>
      %add3A_427 = arith.addf %scan3A_406, %add3A_426 : vector<16xf32>
      %get3A_428 = arith.index_cast %mul3A_415 : i32 to index
      %get3A_429 = arith.constant 16 : index
      %get3A_430 = tpu.vector_load %arg10[%get3A_428, %get3A_429] {strides = array<i32>} : memref<100x128xf32, #tpu.memory_space<vmem>>, vector<1x16xf32>,
      %get3A_431 = vector.shape_cast %get3A_430 : vector<1x16xf32> to vector<16xf32>
      %add3A_432 = arith.constant 1 : i32
      %add3A_433 = arith.addi %mul3A_415, %add3A_432 : i32
      %get3A_434 = arith.index_cast %add3A_433 : i32 to index
      %get3A_435 = arith.constant 16 : index
      %get3A_436 = tpu.vector_load %arg10[%get3A_434, %get3A_435] {strides = array<i32>} : memref<100x128xf32, #tpu.memory_space<vmem>>, vector<1x16xf32>,
      %get3A_437 = vector.shape_cast %get3A_436 : vector<1x16xf32> to vector<16xf32>
      %add3A_438 = arith.addf %get3A_431, %get3A_437 : vector<16xf32>
      %add3A_439 = arith.addf %scan3A_407, %add3A_438 : vector<16xf32>
      %get3A_440 = arith.index_cast %mul3A_415 : i32 to index
      %get3A_441 = arith.constant 32 : index
      %get3A_442 = tpu.vector_load %arg10[%get3A_440, %get3A_441] {strides = array<i32>} : memref<100x128xf32, #tpu.memory_space<vmem>>, vector<1x16xf32>,
      %get3A_443 = vector.shape_cast %get3A_442 : vector<1x16xf32> to vector<16xf32>
      %add3A_444 = arith.constant 1 : i32
      %add3A_445 = arith.addi %mul3A_415, %add3A_444 : i32
      %get3A_446 = arith.index_cast %add3A_445 : i32 to index
      %get3A_447 = arith.constant 32 : index
      %get3A_448 = tpu.vector_load %arg10[%get3A_446, %get3A_447] {strides = array<i32>} : memref<100x128xf32, #tpu.memory_space<vmem>>, vector<1x16xf32>,
      %get3A_449 = vector.shape_cast %get3A_448 : vector<1x16xf32> to vector<16xf32>
      %add3A_450 = arith.addf %get3A_443, %get3A_449 : vector<16xf32>
      %add3A_451 = arith.addf %scan3A_408, %add3A_450 : vector<16xf32>
      %get3A_452 = arith.index_cast %mul3A_415 : i32 to index
      %get3A_453 = arith.constant 48 : index
      %get3A_454 = tpu.vector_load %arg10[%get3A_452, %get3A_453] {strides = array<i32>} : memref<100x128xf32, #tpu.memory_space<vmem>>, vector<1x16xf32>,
      %get3A_455 = vector.shape_cast %get3A_454 : vector<1x16xf32> to vector<16xf32>
      %add3A_456 = arith.constant 1 : i32
      %add3A_457 = arith.addi %mul3A_415, %add3A_456 : i32
      %get3A_458 = arith.index_cast %add3A_457 : i32 to index
      %get3A_459 = arith.constant 48 : index
      %get3A_460 = tpu.vector_load %arg10[%get3A_458, %get3A_459] {strides = array<i32>} : memref<100x128xf32, #tpu.memory_space<vmem>>, vector<1x16xf32>,
      %get3A_461 = vector.shape_cast %get3A_460 : vector<1x16xf32> to vector<16xf32>
      %add3A_462 = arith.addf %get3A_455, %get3A_461 : vector<16xf32>
      %add3A_463 = arith.addf %scan3A_409, %add3A_462 : vector<16xf32>
      %get3A_464 = arith.index_cast %mul3A_415 : i32 to index
      %get3A_465 = arith.constant 64 : index
      %get3A_466 = tpu.vector_load %arg10[%get3A_464, %get3A_465] {strides = array<i32>} : memref<100x128xf32, #tpu.memory_space<vmem>>, vector<1x16xf32>,
      %get3A_467 = vector.shape_cast %get3A_466 : vector<1x16xf32> to vector<16xf32>
      %add3A_468 = arith.constant 1 : i32
      %add3A_469 = arith.addi %mul3A_415, %add3A_468 : i32
      %get3A_470 = arith.index_cast %add3A_469 : i32 to index
      %get3A_471 = arith.constant 64 : index
      %get3A_472 = tpu.vector_load %arg10[%get3A_470, %get3A_471] {strides = array<i32>} : memref<100x128xf32, #tpu.memory_space<vmem>>, vector<1x16xf32>,
      %get3A_473 = vector.shape_cast %get3A_472 : vector<1x16xf32> to vector<16xf32>
      %add3A_474 = arith.addf %get3A_467, %get3A_473 : vector<16xf32>
      %add3A_475 = arith.addf %scan3A_410, %add3A_474 : vector<16xf32>
      %get3A_476 = arith.index_cast %mul3A_415 : i32 to index
      %get3A_477 = arith.constant 80 : index
      %get3A_478 = tpu.vector_load %arg10[%get3A_476, %get3A_477] {strides = array<i32>} : memref<100x128xf32, #tpu.memory_space<vmem>>, vector<1x16xf32>,
      %get3A_479 = vector.shape_cast %get3A_478 : vector<1x16xf32> to vector<16xf32>
      %add3A_480 = arith.constant 1 : i32
      %add3A_481 = arith.addi %mul3A_415, %add3A_480 : i32
      %get3A_482 = arith.index_cast %add3A_481 : i32 to index
      %get3A_483 = arith.constant 80 : index
      %get3A_484 = tpu.vector_load %arg10[%get3A_482, %get3A_483] {strides = array<i32>} : memref<100x128xf32, #tpu.memory_space<vmem>>, vector<1x16xf32>,
      %get3A_485 = vector.shape_cast %get3A_484 : vector<1x16xf32> to vector<16xf32>
      %add3A_486 = arith.addf %get3A_479, %get3A_485 : vector<16xf32>
      %add3A_487 = arith.addf %scan3A_411, %add3A_486 : vector<16xf32>
      %get3A_488 = arith.index_cast %mul3A_415 : i32 to index
      %get3A_489 = arith.constant 96 : index
      %get3A_490 = tpu.vector_load %arg10[%get3A_488, %get3A_489] {strides = array<i32>} : memref<100x128xf32, #tpu.memory_space<vmem>>, vector<1x16xf32>,
      %get3A_491 = vector.shape_cast %get3A_490 : vector<1x16xf32> to vector<16xf32>
      %add3A_492 = arith.constant 1 : i32
      %add3A_493 = arith.addi %mul3A_415, %add3A_492 : i32
      %get3A_494 = arith.index_cast %add3A_493 : i32 to index
      %get3A_495 = arith.constant 96 : index
      %get3A_496 = tpu.vector_load %arg10[%get3A_494, %get3A_495] {strides = array<i32>} : memref<100x128xf32, #tpu.memory_space<vmem>>, vector<1x16xf32>,
      %get3A_497 = vector.shape_cast %get3A_496 : vector<1x16xf32> to vector<16xf32>
      %add3A_498 = arith.addf %get3A_491, %get3A_497 : vector<16xf32>
      %add3A_499 = arith.addf %scan3A_412, %add3A_498 : vector<16xf32>
      %get3A_500 = arith.index_cast %mul3A_415 : i32 to index
      %get3A_501 = arith.constant 112 : index
      %get3A_502 = tpu.vector_load %arg10[%get3A_500, %get3A_501] {strides = array<i32>} : memref<100x128xf32, #tpu.memory_space<vmem>>, vector<1x16xf32>,
      %get3A_503 = vector.shape_cast %get3A_502 : vector<1x16xf32> to vector<16xf32>
      %add3A_504 = arith.constant 1 : i32
      %add3A_505 = arith.addi %mul3A_415, %add3A_504 : i32
      %get3A_506 = arith.index_cast %add3A_505 : i32 to index
      %get3A_507 = arith.constant 112 : index
      %get3A_508 = tpu.vector_load %arg10[%get3A_506, %get3A_507] {strides = array<i32>} : memref<100x128xf32, #tpu.memory_space<vmem>>, vector<1x16xf32>,
      %get3A_509 = vector.shape_cast %get3A_508 : vector<1x16xf32> to vector<16xf32>
      %add3A_510 = arith.addf %get3A_503, %get3A_509 : vector<16xf32>
      %add3A_511 = arith.addf %scan3A_413, %add3A_510 : vector<16xf32>
      scf.yield %add3A_427, %add3A_439, %add3A_451, %add3A_463, %add3A_475, %add3A_487, %add3A_499, %add3A_511 : vector<16xf32>, vector<16xf32>, vector<16xf32>, vector<16xf32>, vector<16xf32>, vector<16xf32>, vector<16xf32>, vector<16xf32>
    }
    %scan3A_206 = arith.constant 50 : i32
    %swap3A_207 = arith.constant 125 : i32
    %swap3A_208 = arith.index_cast %swap3A_207 : i32 to index
    %swap3A_209 = arith.constant 0 : index
    %swap3A_210 = tpu.vector_load %arg8[%swap3A_208, %swap3A_209] {strides = array<i32>} : memref<128x128xf32, #tpu.memory_space<vmem>>, vector<1x16xf32>,
    %swap3A_211 = vector.shape_cast %swap3A_210 : vector<1x16xf32> to vector<16xf32>
    %swap3A_212 = vector.shape_cast %scan3A_205#0 : vector<16xf32> to vector<1x16xf32>
    tpu.vector_store %arg8[%swap3A_208, %swap3A_209], %swap3A_212 {strides = array<i32>} : memref<128x128xf32, #tpu.memory_space<vmem>>, vector<1x16xf32>,
    %swap3A_213 = arith.constant 125 : i32
    %swap3A_214 = arith.index_cast %swap3A_213 : i32 to index
    %swap3A_215 = arith.constant 16 : index
    %swap3A_216 = tpu.vector_load %arg8[%swap3A_214, %swap3A_215] {strides = array<i32>} : memref<128x128xf32, #tpu.memory_space<vmem>>, vector<1x16xf32>,
    %swap3A_217 = vector.shape_cast %swap3A_216 : vector<1x16xf32> to vector<16xf32>
    %swap3A_218 = vector.shape_cast %scan3A_205#1 : vector<16xf32> to vector<1x16xf32>
    tpu.vector_store %arg8[%swap3A_214, %swap3A_215], %swap3A_218 {strides = array<i32>} : memref<128x128xf32, #tpu.memory_space<vmem>>, vector<1x16xf32>,
    %swap3A_219 = arith.constant 125 : i32
    %swap3A_220 = arith.index_cast %swap3A_219 : i32 to index
    %swap3A_221 = arith.constant 32 : index
    %swap3A_222 = tpu.vector_load %arg8[%swap3A_220, %swap3A_221] {strides = array<i32>} : memref<128x128xf32, #tpu.memory_space<vmem>>, vector<1x16xf32>,
    %swap3A_223 = vector.shape_cast %swap3A_222 : vector<1x16xf32> to vector<16xf32>
    %swap3A_224 = vector.shape_cast %scan3A_205#2 : vector<16xf32> to vector<1x16xf32>
    tpu.vector_store %arg8[%swap3A_220, %swap3A_221], %swap3A_224 {strides = array<i32>} : memref<128x128xf32, #tpu.memory_space<vmem>>, vector<1x16xf32>,
    %swap3A_225 = arith.constant 125 : i32
    %swap3A_226 = arith.index_cast %swap3A_225 : i32 to index
    %swap3A_227 = arith.constant 48 : index
    %swap3A_228 = tpu.vector_load %arg8[%swap3A_226, %swap3A_227] {strides = array<i32>} : memref<128x128xf32, #tpu.memory_space<vmem>>, vector<1x16xf32>,
    %swap3A_229 = vector.shape_cast %swap3A_228 : vector<1x16xf32> to vector<16xf32>
    %swap3A_230 = vector.shape_cast %scan3A_205#3 : vector<16xf32> to vector<1x16xf32>
    tpu.vector_store %arg8[%swap3A_226, %swap3A_227], %swap3A_230 {strides = array<i32>} : memref<128x128xf32, #tpu.memory_space<vmem>>, vector<1x16xf32>,
    %swap3A_231 = arith.constant 125 : i32
    %swap3A_232 = arith.index_cast %swap3A_231 : i32 to index
    %swap3A_233 = arith.constant 64 : index
    %swap3A_234 = tpu.vector_load %arg8[%swap3A_232, %swap3A_233] {strides = array<i32>} : memref<128x128xf32, #tpu.memory_space<vmem>>, vector<1x16xf32>,
    %swap3A_235 = vector.shape_cast %swap3A_234 : vector<1x16xf32> to vector<16xf32>
    %swap3A_236 = vector.shape_cast %scan3A_205#4 : vector<16xf32> to vector<1x16xf32>
    tpu.vector_store %arg8[%swap3A_232, %swap3A_233], %swap3A_236 {strides = array<i32>} : memref<128x128xf32, #tpu.memory_space<vmem>>, vector<1x16xf32>,
    %swap3A_237 = arith.constant 125 : i32
    %swap3A_238 = arith.index_cast %swap3A_237 : i32 to index
    %swap3A_239 = arith.constant 80 : index
    %swap3A_240 = tpu.vector_load %arg8[%swap3A_238, %swap3A_239] {strides = array<i32>} : memref<128x128xf32, #tpu.memory_space<vmem>>, vector<1x16xf32>,
    %swap3A_241 = vector.shape_cast %swap3A_240 : vector<1x16xf32> to vector<16xf32>
    %swap3A_242 = vector.shape_cast %scan3A_205#5 : vector<16xf32> to vector<1x16xf32>
    tpu.vector_store %arg8[%swap3A_238, %swap3A_239], %swap3A_242 {strides = array<i32>} : memref<128x128xf32, #tpu.memory_space<vmem>>, vector<1x16xf32>,
    %swap3A_243 = arith.constant 125 : i32
    %swap3A_244 = arith.index_cast %swap3A_243 : i32 to index
    %swap3A_245 = arith.constant 96 : index
    %swap3A_246 = tpu.vector_load %arg8[%swap3A_244, %swap3A_245] {strides = array<i32>} : memref<128x128xf32, #tpu.memory_space<vmem>>, vector<1x16xf32>,
    %swap3A_247 = vector.shape_cast %swap3A_246 : vector<1x16xf32> to vector<16xf32>
    %swap3A_248 = vector.shape_cast %scan3A_205#6 : vector<16xf32> to vector<1x16xf32>
    tpu.vector_store %arg8[%swap3A_244, %swap3A_245], %swap3A_248 {strides = array<i32>} : memref<128x128xf32, #tpu.memory_space<vmem>>, vector<1x16xf32>,
    %swap3A_249 = arith.constant 125 : i32
    %swap3A_250 = arith.index_cast %swap3A_249 : i32 to index
    %swap3A_251 = arith.constant 112 : index
    %swap3A_252 = tpu.vector_load %arg8[%swap3A_250, %swap3A_251] {strides = array<i32>} : memref<128x128xf32, #tpu.memory_space<vmem>>, vector<1x16xf32>,
    %swap3A_253 = vector.shape_cast %swap3A_252 : vector<1x16xf32> to vector<16xf32>
    %swap3A_254 = vector.shape_cast %scan3A_205#7 : vector<16xf32> to vector<1x16xf32>
    tpu.vector_store %arg8[%swap3A_250, %swap3A_251], %swap3A_254 {strides = array<i32>} : memref<128x128xf32, #tpu.memory_space<vmem>>, vector<1x16xf32>,
    %dma_wait3A_255 = arith.constant 126 : i32
    %dma_wait3A_256 = arith.constant 0 : i32
    %dma_wait3A_257 = arith.constant 0 : i32
    %dma_wait3A_258 = tpu.memref_slice %arg11[%dma_wait3A_256, %dma_wait3A_257] : memref<100x128xf32, #tpu.memory_space<vmem>> -> memref<64x128xf32, #tpu.memory_space<vmem>>
    %dma_wait3A_259 = arith.constant 0 : i32
    %dma_wait3A_260 = tpu.memref_slice %arg6[%dma_wait3A_255, %dma_wait3A_259] : memref<128x100xi32, #tpu.memory_space<vmem>> -> memref<1x64xi32, #tpu.memory_space<vmem>>
    %dma_wait3A_261 = tpu.memref_squeeze %dma_wait3A_260 : memref<1x64xi32, #tpu.memory_space<vmem>> -> memref<64xi32, #tpu.memory_space<vmem>>
    %dma_wait3A_262 = arith.constant 0 : i32
    %dma_wait3A_263 = arith.constant 0 : i32
    %dma_wait3A_264 = tpu.memref_slice %arg3[%dma_wait3A_262, %dma_wait3A_263] : memref<100000x128xf32, #tpu.memory_space<hbm>> -> memref<100000x128xf32, #tpu.memory_space<hbm>>
    tpu.wait_indirect_dma semaphore(%arg15 : memref<!tpu.dma_semaphore, #tpu.memory_space<semaphore_mem>>) src(%dma_wait3A_264 : memref<100000x128xf32, #tpu.memory_space<hbm>>) dst(%dma_wait3A_258 : memref<64x128xf32, #tpu.memory_space<vmem>>)
    %dma_wait3A_265 = arith.constant 126 : i32
    %dma_wait3A_266 = arith.constant 64 : i32
    %dma_wait3A_267 = arith.constant 0 : i32
    %dma_wait3A_268 = tpu.memref_slice %arg11[%dma_wait3A_266, %dma_wait3A_267] : memref<100x128xf32, #tpu.memory_space<vmem>> -> memref<36x128xf32, #tpu.memory_space<vmem>>
    %dma_wait3A_269 = arith.constant 64 : i32
    %dma_wait3A_270 = tpu.memref_slice %arg6[%dma_wait3A_265, %dma_wait3A_269] : memref<128x100xi32, #tpu.memory_space<vmem>> -> memref<1x36xi32, #tpu.memory_space<vmem>>
    %dma_wait3A_271 = tpu.memref_squeeze %dma_wait3A_270 : memref<1x36xi32, #tpu.memory_space<vmem>> -> memref<36xi32, #tpu.memory_space<vmem>>
    %dma_wait3A_272 = arith.constant 0 : i32
    %dma_wait3A_273 = arith.constant 0 : i32
    %dma_wait3A_274 = tpu.memref_slice %arg3[%dma_wait3A_272, %dma_wait3A_273] : memref<100000x128xf32, #tpu.memory_space<hbm>> -> memref<100000x128xf32, #tpu.memory_space<hbm>>
    tpu.wait_indirect_dma semaphore(%arg19 : memref<!tpu.dma_semaphore, #tpu.memory_space<semaphore_mem>>) src(%dma_wait3A_274 : memref<100000x128xf32, #tpu.memory_space<hbm>>) dst(%dma_wait3A_268 : memref<36x128xf32, #tpu.memory_space<vmem>>)
    %scan3A_275 = arith.constant 0 : i32
    %scan3A_276 = arith.constant 50 : i32
    %scan3A_277 = arith.addi %scan3A_275, %scan3A_276 : i32
    %scan3A_278 = arith.constant 1 : i32
    %scan3A_279:8 = scf.for %scan3A_405 = %scan3A_275 to %scan3A_277 step %scan3A_278 iter_args(%scan3A_406 = %get3A_2, %scan3A_407 = %get3A_5, %scan3A_408 = %get3A_8, %scan3A_409 = %get3A_11, %scan3A_410 = %get3A_14, %scan3A_411 = %get3A_17, %scan3A_412 = %get3A_20, %scan3A_413 = %get3A_23) -> (vector<16xf32>, vector<16xf32>, vector<16xf32>, vector<16xf32>, vector<16xf32>, vector<16xf32>, vector<16xf32>, vector<16xf32>)  : i32 {
      %mul3A_414 = arith.constant 2 : i32
      %mul3A_415 = arith.muli %scan3A_405, %mul3A_414 : i32
      %get3A_416 = arith.index_cast %mul3A_415 : i32 to index
      %get3A_417 = arith.constant 0 : index
      %get3A_418 = tpu.vector_load %arg11[%get3A_416, %get3A_417] {strides = array<i32>} : memref<100x128xf32, #tpu.memory_space<vmem>>, vector<1x16xf32>,
      %get3A_419 = vector.shape_cast %get3A_418 : vector<1x16xf32> to vector<16xf32>
      %add3A_420 = arith.constant 1 : i32
      %add3A_421 = arith.addi %mul3A_415, %add3A_420 : i32
      %get3A_422 = arith.index_cast %add3A_421 : i32 to index
      %get3A_423 = arith.constant 0 : index
      %get3A_424 = tpu.vector_load %arg11[%get3A_422, %get3A_423] {strides = array<i32>} : memref<100x128xf32, #tpu.memory_space<vmem>>, vector<1x16xf32>,
      %get3A_425 = vector.shape_cast %get3A_424 : vector<1x16xf32> to vector<16xf32>
      %add3A_426 = arith.addf %get3A_419, %get3A_425 : vector<16xf32>
      %add3A_427 = arith.addf %scan3A_406, %add3A_426 : vector<16xf32>
      %get3A_428 = arith.index_cast %mul3A_415 : i32 to index
      %get3A_429 = arith.constant 16 : index
      %get3A_430 = tpu.vector_load %arg11[%get3A_428, %get3A_429] {strides = array<i32>} : memref<100x128xf32, #tpu.memory_space<vmem>>, vector<1x16xf32>,
      %get3A_431 = vector.shape_cast %get3A_430 : vector<1x16xf32> to vector<16xf32>
      %add3A_432 = arith.constant 1 : i32
      %add3A_433 = arith.addi %mul3A_415, %add3A_432 : i32
      %get3A_434 = arith.index_cast %add3A_433 : i32 to index
      %get3A_435 = arith.constant 16 : index
      %get3A_436 = tpu.vector_load %arg11[%get3A_434, %get3A_435] {strides = array<i32>} : memref<100x128xf32, #tpu.memory_space<vmem>>, vector<1x16xf32>,
      %get3A_437 = vector.shape_cast %get3A_436 : vector<1x16xf32> to vector<16xf32>
      %add3A_438 = arith.addf %get3A_431, %get3A_437 : vector<16xf32>
      %add3A_439 = arith.addf %scan3A_407, %add3A_438 : vector<16xf32>
      %get3A_440 = arith.index_cast %mul3A_415 : i32 to index
      %get3A_441 = arith.constant 32 : index
      %get3A_442 = tpu.vector_load %arg11[%get3A_440, %get3A_441] {strides = array<i32>} : memref<100x128xf32, #tpu.memory_space<vmem>>, vector<1x16xf32>,
      %get3A_443 = vector.shape_cast %get3A_442 : vector<1x16xf32> to vector<16xf32>
      %add3A_444 = arith.constant 1 : i32
      %add3A_445 = arith.addi %mul3A_415, %add3A_444 : i32
      %get3A_446 = arith.index_cast %add3A_445 : i32 to index
      %get3A_447 = arith.constant 32 : index
      %get3A_448 = tpu.vector_load %arg11[%get3A_446, %get3A_447] {strides = array<i32>} : memref<100x128xf32, #tpu.memory_space<vmem>>, vector<1x16xf32>,
      %get3A_449 = vector.shape_cast %get3A_448 : vector<1x16xf32> to vector<16xf32>
      %add3A_450 = arith.addf %get3A_443, %get3A_449 : vector<16xf32>
      %add3A_451 = arith.addf %scan3A_408, %add3A_450 : vector<16xf32>
      %get3A_452 = arith.index_cast %mul3A_415 : i32 to index
      %get3A_453 = arith.constant 48 : index
      %get3A_454 = tpu.vector_load %arg11[%get3A_452, %get3A_453] {strides = array<i32>} : memref<100x128xf32, #tpu.memory_space<vmem>>, vector<1x16xf32>,
      %get3A_455 = vector.shape_cast %get3A_454 : vector<1x16xf32> to vector<16xf32>
      %add3A_456 = arith.constant 1 : i32
      %add3A_457 = arith.addi %mul3A_415, %add3A_456 : i32
      %get3A_458 = arith.index_cast %add3A_457 : i32 to index
      %get3A_459 = arith.constant 48 : index
      %get3A_460 = tpu.vector_load %arg11[%get3A_458, %get3A_459] {strides = array<i32>} : memref<100x128xf32, #tpu.memory_space<vmem>>, vector<1x16xf32>,
      %get3A_461 = vector.shape_cast %get3A_460 : vector<1x16xf32> to vector<16xf32>
      %add3A_462 = arith.addf %get3A_455, %get3A_461 : vector<16xf32>
      %add3A_463 = arith.addf %scan3A_409, %add3A_462 : vector<16xf32>
      %get3A_464 = arith.index_cast %mul3A_415 : i32 to index
      %get3A_465 = arith.constant 64 : index
      %get3A_466 = tpu.vector_load %arg11[%get3A_464, %get3A_465] {strides = array<i32>} : memref<100x128xf32, #tpu.memory_space<vmem>>, vector<1x16xf32>,
      %get3A_467 = vector.shape_cast %get3A_466 : vector<1x16xf32> to vector<16xf32>
      %add3A_468 = arith.constant 1 : i32
      %add3A_469 = arith.addi %mul3A_415, %add3A_468 : i32
      %get3A_470 = arith.index_cast %add3A_469 : i32 to index
      %get3A_471 = arith.constant 64 : index
      %get3A_472 = tpu.vector_load %arg11[%get3A_470, %get3A_471] {strides = array<i32>} : memref<100x128xf32, #tpu.memory_space<vmem>>, vector<1x16xf32>,
      %get3A_473 = vector.shape_cast %get3A_472 : vector<1x16xf32> to vector<16xf32>
      %add3A_474 = arith.addf %get3A_467, %get3A_473 : vector<16xf32>
      %add3A_475 = arith.addf %scan3A_410, %add3A_474 : vector<16xf32>
      %get3A_476 = arith.index_cast %mul3A_415 : i32 to index
      %get3A_477 = arith.constant 80 : index
      %get3A_478 = tpu.vector_load %arg11[%get3A_476, %get3A_477] {strides = array<i32>} : memref<100x128xf32, #tpu.memory_space<vmem>>, vector<1x16xf32>,
      %get3A_479 = vector.shape_cast %get3A_478 : vector<1x16xf32> to vector<16xf32>
      %add3A_480 = arith.constant 1 : i32
      %add3A_481 = arith.addi %mul3A_415, %add3A_480 : i32
      %get3A_482 = arith.index_cast %add3A_481 : i32 to index
      %get3A_483 = arith.constant 80 : index
      %get3A_484 = tpu.vector_load %arg11[%get3A_482, %get3A_483] {strides = array<i32>} : memref<100x128xf32, #tpu.memory_space<vmem>>, vector<1x16xf32>,
      %get3A_485 = vector.shape_cast %get3A_484 : vector<1x16xf32> to vector<16xf32>
      %add3A_486 = arith.addf %get3A_479, %get3A_485 : vector<16xf32>
      %add3A_487 = arith.addf %scan3A_411, %add3A_486 : vector<16xf32>
      %get3A_488 = arith.index_cast %mul3A_415 : i32 to index
      %get3A_489 = arith.constant 96 : index
      %get3A_490 = tpu.vector_load %arg11[%get3A_488, %get3A_489] {strides = array<i32>} : memref<100x128xf32, #tpu.memory_space<vmem>>, vector<1x16xf32>,
      %get3A_491 = vector.shape_cast %get3A_490 : vector<1x16xf32> to vector<16xf32>
      %add3A_492 = arith.constant 1 : i32
      %add3A_493 = arith.addi %mul3A_415, %add3A_492 : i32
      %get3A_494 = arith.index_cast %add3A_493 : i32 to index
      %get3A_495 = arith.constant 96 : index
      %get3A_496 = tpu.vector_load %arg11[%get3A_494, %get3A_495] {strides = array<i32>} : memref<100x128xf32, #tpu.memory_space<vmem>>, vector<1x16xf32>,
      %get3A_497 = vector.shape_cast %get3A_496 : vector<1x16xf32> to vector<16xf32>
      %add3A_498 = arith.addf %get3A_491, %get3A_497 : vector<16xf32>
      %add3A_499 = arith.addf %scan3A_412, %add3A_498 : vector<16xf32>
      %get3A_500 = arith.index_cast %mul3A_415 : i32 to index
      %get3A_501 = arith.constant 112 : index
      %get3A_502 = tpu.vector_load %arg11[%get3A_500, %get3A_501] {strides = array<i32>} : memref<100x128xf32, #tpu.memory_space<vmem>>, vector<1x16xf32>,
      %get3A_503 = vector.shape_cast %get3A_502 : vector<1x16xf32> to vector<16xf32>
      %add3A_504 = arith.constant 1 : i32
      %add3A_505 = arith.addi %mul3A_415, %add3A_504 : i32
      %get3A_506 = arith.index_cast %add3A_505 : i32 to index
      %get3A_507 = arith.constant 112 : index
      %get3A_508 = tpu.vector_load %arg11[%get3A_506, %get3A_507] {strides = array<i32>} : memref<100x128xf32, #tpu.memory_space<vmem>>, vector<1x16xf32>,
      %get3A_509 = vector.shape_cast %get3A_508 : vector<1x16xf32> to vector<16xf32>
      %add3A_510 = arith.addf %get3A_503, %get3A_509 : vector<16xf32>
      %add3A_511 = arith.addf %scan3A_413, %add3A_510 : vector<16xf32>
      scf.yield %add3A_427, %add3A_439, %add3A_451, %add3A_463, %add3A_475, %add3A_487, %add3A_499, %add3A_511 : vector<16xf32>, vector<16xf32>, vector<16xf32>, vector<16xf32>, vector<16xf32>, vector<16xf32>, vector<16xf32>, vector<16xf32>
    }
    %scan3A_280 = arith.constant 50 : i32
    %swap3A_281 = arith.constant 126 : i32
    %swap3A_282 = arith.index_cast %swap3A_281 : i32 to index
    %swap3A_283 = arith.constant 0 : index
    %swap3A_284 = tpu.vector_load %arg8[%swap3A_282, %swap3A_283] {strides = array<i32>} : memref<128x128xf32, #tpu.memory_space<vmem>>, vector<1x16xf32>,
    %swap3A_285 = vector.shape_cast %swap3A_284 : vector<1x16xf32> to vector<16xf32>
    %swap3A_286 = vector.shape_cast %scan3A_279#0 : vector<16xf32> to vector<1x16xf32>
    tpu.vector_store %arg8[%swap3A_282, %swap3A_283], %swap3A_286 {strides = array<i32>} : memref<128x128xf32, #tpu.memory_space<vmem>>, vector<1x16xf32>,
    %swap3A_287 = arith.constant 126 : i32
    %swap3A_288 = arith.index_cast %swap3A_287 : i32 to index
    %swap3A_289 = arith.constant 16 : index
    %swap3A_290 = tpu.vector_load %arg8[%swap3A_288, %swap3A_289] {strides = array<i32>} : memref<128x128xf32, #tpu.memory_space<vmem>>, vector<1x16xf32>,
    %swap3A_291 = vector.shape_cast %swap3A_290 : vector<1x16xf32> to vector<16xf32>
    %swap3A_292 = vector.shape_cast %scan3A_279#1 : vector<16xf32> to vector<1x16xf32>
    tpu.vector_store %arg8[%swap3A_288, %swap3A_289], %swap3A_292 {strides = array<i32>} : memref<128x128xf32, #tpu.memory_space<vmem>>, vector<1x16xf32>,
    %swap3A_293 = arith.constant 126 : i32
    %swap3A_294 = arith.index_cast %swap3A_293 : i32 to index
    %swap3A_295 = arith.constant 32 : index
    %swap3A_296 = tpu.vector_load %arg8[%swap3A_294, %swap3A_295] {strides = array<i32>} : memref<128x128xf32, #tpu.memory_space<vmem>>, vector<1x16xf32>,
    %swap3A_297 = vector.shape_cast %swap3A_296 : vector<1x16xf32> to vector<16xf32>
    %swap3A_298 = vector.shape_cast %scan3A_279#2 : vector<16xf32> to vector<1x16xf32>
    tpu.vector_store %arg8[%swap3A_294, %swap3A_295], %swap3A_298 {strides = array<i32>} : memref<128x128xf32, #tpu.memory_space<vmem>>, vector<1x16xf32>,
    %swap3A_299 = arith.constant 126 : i32
    %swap3A_300 = arith.index_cast %swap3A_299 : i32 to index
    %swap3A_301 = arith.constant 48 : index
    %swap3A_302 = tpu.vector_load %arg8[%swap3A_300, %swap3A_301] {strides = array<i32>} : memref<128x128xf32, #tpu.memory_space<vmem>>, vector<1x16xf32>,
    %swap3A_303 = vector.shape_cast %swap3A_302 : vector<1x16xf32> to vector<16xf32>
    %swap3A_304 = vector.shape_cast %scan3A_279#3 : vector<16xf32> to vector<1x16xf32>
    tpu.vector_store %arg8[%swap3A_300, %swap3A_301], %swap3A_304 {strides = array<i32>} : memref<128x128xf32, #tpu.memory_space<vmem>>, vector<1x16xf32>,
    %swap3A_305 = arith.constant 126 : i32
    %swap3A_306 = arith.index_cast %swap3A_305 : i32 to index
    %swap3A_307 = arith.constant 64 : index
    %swap3A_308 = tpu.vector_load %arg8[%swap3A_306, %swap3A_307] {strides = array<i32>} : memref<128x128xf32, #tpu.memory_space<vmem>>, vector<1x16xf32>,
    %swap3A_309 = vector.shape_cast %swap3A_308 : vector<1x16xf32> to vector<16xf32>
    %swap3A_310 = vector.shape_cast %scan3A_279#4 : vector<16xf32> to vector<1x16xf32>
    tpu.vector_store %arg8[%swap3A_306, %swap3A_307], %swap3A_310 {strides = array<i32>} : memref<128x128xf32, #tpu.memory_space<vmem>>, vector<1x16xf32>,
    %swap3A_311 = arith.constant 126 : i32
    %swap3A_312 = arith.index_cast %swap3A_311 : i32 to index
    %swap3A_313 = arith.constant 80 : index
    %swap3A_314 = tpu.vector_load %arg8[%swap3A_312, %swap3A_313] {strides = array<i32>} : memref<128x128xf32, #tpu.memory_space<vmem>>, vector<1x16xf32>,
    %swap3A_315 = vector.shape_cast %swap3A_314 : vector<1x16xf32> to vector<16xf32>
    %swap3A_316 = vector.shape_cast %scan3A_279#5 : vector<16xf32> to vector<1x16xf32>
    tpu.vector_store %arg8[%swap3A_312, %swap3A_313], %swap3A_316 {strides = array<i32>} : memref<128x128xf32, #tpu.memory_space<vmem>>, vector<1x16xf32>,
    %swap3A_317 = arith.constant 126 : i32
    %swap3A_318 = arith.index_cast %swap3A_317 : i32 to index
    %swap3A_319 = arith.constant 96 : index
    %swap3A_320 = tpu.vector_load %arg8[%swap3A_318, %swap3A_319] {strides = array<i32>} : memref<128x128xf32, #tpu.memory_space<vmem>>, vector<1x16xf32>,
    %swap3A_321 = vector.shape_cast %swap3A_320 : vector<1x16xf32> to vector<16xf32>
    %swap3A_322 = vector.shape_cast %scan3A_279#6 : vector<16xf32> to vector<1x16xf32>
    tpu.vector_store %arg8[%swap3A_318, %swap3A_319], %swap3A_322 {strides = array<i32>} : memref<128x128xf32, #tpu.memory_space<vmem>>, vector<1x16xf32>,
    %swap3A_323 = arith.constant 126 : i32
    %swap3A_324 = arith.index_cast %swap3A_323 : i32 to index
    %swap3A_325 = arith.constant 112 : index
    %swap3A_326 = tpu.vector_load %arg8[%swap3A_324, %swap3A_325] {strides = array<i32>} : memref<128x128xf32, #tpu.memory_space<vmem>>, vector<1x16xf32>,
    %swap3A_327 = vector.shape_cast %swap3A_326 : vector<1x16xf32> to vector<16xf32>
    %swap3A_328 = vector.shape_cast %scan3A_279#7 : vector<16xf32> to vector<1x16xf32>
    tpu.vector_store %arg8[%swap3A_324, %swap3A_325], %swap3A_328 {strides = array<i32>} : memref<128x128xf32, #tpu.memory_space<vmem>>, vector<1x16xf32>,
    %dma_wait3A_329 = arith.constant 127 : i32
    %dma_wait3A_330 = arith.constant 0 : i32
    %dma_wait3A_331 = arith.constant 0 : i32
    %dma_wait3A_332 = tpu.memref_slice %arg12[%dma_wait3A_330, %dma_wait3A_331] : memref<100x128xf32, #tpu.memory_space<vmem>> -> memref<64x128xf32, #tpu.memory_space<vmem>>
    %dma_wait3A_333 = arith.constant 0 : i32
    %dma_wait3A_334 = tpu.memref_slice %arg6[%dma_wait3A_329, %dma_wait3A_333] : memref<128x100xi32, #tpu.memory_space<vmem>> -> memref<1x64xi32, #tpu.memory_space<vmem>>
    %dma_wait3A_335 = tpu.memref_squeeze %dma_wait3A_334 : memref<1x64xi32, #tpu.memory_space<vmem>> -> memref<64xi32, #tpu.memory_space<vmem>>
    %dma_wait3A_336 = arith.constant 0 : i32
    %dma_wait3A_337 = arith.constant 0 : i32
    %dma_wait3A_338 = tpu.memref_slice %arg3[%dma_wait3A_336, %dma_wait3A_337] : memref<100000x128xf32, #tpu.memory_space<hbm>> -> memref<100000x128xf32, #tpu.memory_space<hbm>>
    tpu.wait_indirect_dma semaphore(%arg16 : memref<!tpu.dma_semaphore, #tpu.memory_space<semaphore_mem>>) src(%dma_wait3A_338 : memref<100000x128xf32, #tpu.memory_space<hbm>>) dst(%dma_wait3A_332 : memref<64x128xf32, #tpu.memory_space<vmem>>)
    %dma_wait3A_339 = arith.constant 127 : i32
    %dma_wait3A_340 = arith.constant 64 : i32
    %dma_wait3A_341 = arith.constant 0 : i32
    %dma_wait3A_342 = tpu.memref_slice %arg12[%dma_wait3A_340, %dma_wait3A_341] : memref<100x128xf32, #tpu.memory_space<vmem>> -> memref<36x128xf32, #tpu.memory_space<vmem>>
    %dma_wait3A_343 = arith.constant 64 : i32
    %dma_wait3A_344 = tpu.memref_slice %arg6[%dma_wait3A_339, %dma_wait3A_343] : memref<128x100xi32, #tpu.memory_space<vmem>> -> memref<1x36xi32, #tpu.memory_space<vmem>>
    %dma_wait3A_345 = tpu.memref_squeeze %dma_wait3A_344 : memref<1x36xi32, #tpu.memory_space<vmem>> -> memref<36xi32, #tpu.memory_space<vmem>>
    %dma_wait3A_346 = arith.constant 0 : i32
    %dma_wait3A_347 = arith.constant 0 : i32
    %dma_wait3A_348 = tpu.memref_slice %arg3[%dma_wait3A_346, %dma_wait3A_347] : memref<100000x128xf32, #tpu.memory_space<hbm>> -> memref<100000x128xf32, #tpu.memory_space<hbm>>
    tpu.wait_indirect_dma semaphore(%arg20 : memref<!tpu.dma_semaphore, #tpu.memory_space<semaphore_mem>>) src(%dma_wait3A_348 : memref<100000x128xf32, #tpu.memory_space<hbm>>) dst(%dma_wait3A_342 : memref<36x128xf32, #tpu.memory_space<vmem>>)
    %scan3A_349 = arith.constant 0 : i32
    %scan3A_350 = arith.constant 50 : i32
    %scan3A_351 = arith.addi %scan3A_349, %scan3A_350 : i32
    %scan3A_352 = arith.constant 1 : i32
    %scan3A_353:8 = scf.for %scan3A_405 = %scan3A_349 to %scan3A_351 step %scan3A_352 iter_args(%scan3A_406 = %get3A_2, %scan3A_407 = %get3A_5, %scan3A_408 = %get3A_8, %scan3A_409 = %get3A_11, %scan3A_410 = %get3A_14, %scan3A_411 = %get3A_17, %scan3A_412 = %get3A_20, %scan3A_413 = %get3A_23) -> (vector<16xf32>, vector<16xf32>, vector<16xf32>, vector<16xf32>, vector<16xf32>, vector<16xf32>, vector<16xf32>, vector<16xf32>)  : i32 {
      %mul3A_414 = arith.constant 2 : i32
      %mul3A_415 = arith.muli %scan3A_405, %mul3A_414 : i32
      %get3A_416 = arith.index_cast %mul3A_415 : i32 to index
      %get3A_417 = arith.constant 0 : index
      %get3A_418 = tpu.vector_load %arg12[%get3A_416, %get3A_417] {strides = array<i32>} : memref<100x128xf32, #tpu.memory_space<vmem>>, vector<1x16xf32>,
      %get3A_419 = vector.shape_cast %get3A_418 : vector<1x16xf32> to vector<16xf32>
      %add3A_420 = arith.constant 1 : i32
      %add3A_421 = arith.addi %mul3A_415, %add3A_420 : i32
      %get3A_422 = arith.index_cast %add3A_421 : i32 to index
      %get3A_423 = arith.constant 0 : index
      %get3A_424 = tpu.vector_load %arg12[%get3A_422, %get3A_423] {strides = array<i32>} : memref<100x128xf32, #tpu.memory_space<vmem>>, vector<1x16xf32>,
      %get3A_425 = vector.shape_cast %get3A_424 : vector<1x16xf32> to vector<16xf32>
      %add3A_426 = arith.addf %get3A_419, %get3A_425 : vector<16xf32>
      %add3A_427 = arith.addf %scan3A_406, %add3A_426 : vector<16xf32>
      %get3A_428 = arith.index_cast %mul3A_415 : i32 to index
      %get3A_429 = arith.constant 16 : index
      %get3A_430 = tpu.vector_load %arg12[%get3A_428, %get3A_429] {strides = array<i32>} : memref<100x128xf32, #tpu.memory_space<vmem>>, vector<1x16xf32>,
      %get3A_431 = vector.shape_cast %get3A_430 : vector<1x16xf32> to vector<16xf32>
      %add3A_432 = arith.constant 1 : i32
      %add3A_433 = arith.addi %mul3A_415, %add3A_432 : i32
      %get3A_434 = arith.index_cast %add3A_433 : i32 to index
      %get3A_435 = arith.constant 16 : index
      %get3A_436 = tpu.vector_load %arg12[%get3A_434, %get3A_435] {strides = array<i32>} : memref<100x128xf32, #tpu.memory_space<vmem>>, vector<1x16xf32>,
      %get3A_437 = vector.shape_cast %get3A_436 : vector<1x16xf32> to vector<16xf32>
      %add3A_438 = arith.addf %get3A_431, %get3A_437 : vector<16xf32>
      %add3A_439 = arith.addf %scan3A_407, %add3A_438 : vector<16xf32>
      %get3A_440 = arith.index_cast %mul3A_415 : i32 to index
      %get3A_441 = arith.constant 32 : index
      %get3A_442 = tpu.vector_load %arg12[%get3A_440, %get3A_441] {strides = array<i32>} : memref<100x128xf32, #tpu.memory_space<vmem>>, vector<1x16xf32>,
      %get3A_443 = vector.shape_cast %get3A_442 : vector<1x16xf32> to vector<16xf32>
      %add3A_444 = arith.constant 1 : i32
      %add3A_445 = arith.addi %mul3A_415, %add3A_444 : i32
      %get3A_446 = arith.index_cast %add3A_445 : i32 to index
      %get3A_447 = arith.constant 32 : index
      %get3A_448 = tpu.vector_load %arg12[%get3A_446, %get3A_447] {strides = array<i32>} : memref<100x128xf32, #tpu.memory_space<vmem>>, vector<1x16xf32>,
      %get3A_449 = vector.shape_cast %get3A_448 : vector<1x16xf32> to vector<16xf32>
      %add3A_450 = arith.addf %get3A_443, %get3A_449 : vector<16xf32>
      %add3A_451 = arith.addf %scan3A_408, %add3A_450 : vector<16xf32>
      %get3A_452 = arith.index_cast %mul3A_415 : i32 to index
      %get3A_453 = arith.constant 48 : index
      %get3A_454 = tpu.vector_load %arg12[%get3A_452, %get3A_453] {strides = array<i32>} : memref<100x128xf32, #tpu.memory_space<vmem>>, vector<1x16xf32>,
      %get3A_455 = vector.shape_cast %get3A_454 : vector<1x16xf32> to vector<16xf32>
      %add3A_456 = arith.constant 1 : i32
      %add3A_457 = arith.addi %mul3A_415, %add3A_456 : i32
      %get3A_458 = arith.index_cast %add3A_457 : i32 to index
      %get3A_459 = arith.constant 48 : index
      %get3A_460 = tpu.vector_load %arg12[%get3A_458, %get3A_459] {strides = array<i32>} : memref<100x128xf32, #tpu.memory_space<vmem>>, vector<1x16xf32>,
      %get3A_461 = vector.shape_cast %get3A_460 : vector<1x16xf32> to vector<16xf32>
      %add3A_462 = arith.addf %get3A_455, %get3A_461 : vector<16xf32>
      %add3A_463 = arith.addf %scan3A_409, %add3A_462 : vector<16xf32>
      %get3A_464 = arith.index_cast %mul3A_415 : i32 to index
      %get3A_465 = arith.constant 64 : index
      %get3A_466 = tpu.vector_load %arg12[%get3A_464, %get3A_465] {strides = array<i32>} : memref<100x128xf32, #tpu.memory_space<vmem>>, vector<1x16xf32>,
      %get3A_467 = vector.shape_cast %get3A_466 : vector<1x16xf32> to vector<16xf32>
      %add3A_468 = arith.constant 1 : i32
      %add3A_469 = arith.addi %mul3A_415, %add3A_468 : i32
      %get3A_470 = arith.index_cast %add3A_469 : i32 to index
      %get3A_471 = arith.constant 64 : index
      %get3A_472 = tpu.vector_load %arg12[%get3A_470, %get3A_471] {strides = array<i32>} : memref<100x128xf32, #tpu.memory_space<vmem>>, vector<1x16xf32>,
      %get3A_473 = vector.shape_cast %get3A_472 : vector<1x16xf32> to vector<16xf32>
      %add3A_474 = arith.addf %get3A_467, %get3A_473 : vector<16xf32>
      %add3A_475 = arith.addf %scan3A_410, %add3A_474 : vector<16xf32>
      %get3A_476 = arith.index_cast %mul3A_415 : i32 to index
      %get3A_477 = arith.constant 80 : index
      %get3A_478 = tpu.vector_load %arg12[%get3A_476, %get3A_477] {strides = array<i32>} : memref<100x128xf32, #tpu.memory_space<vmem>>, vector<1x16xf32>,
      %get3A_479 = vector.shape_cast %get3A_478 : vector<1x16xf32> to vector<16xf32>
      %add3A_480 = arith.constant 1 : i32
      %add3A_481 = arith.addi %mul3A_415, %add3A_480 : i32
      %get3A_482 = arith.index_cast %add3A_481 : i32 to index
      %get3A_483 = arith.constant 80 : index
      %get3A_484 = tpu.vector_load %arg12[%get3A_482, %get3A_483] {strides = array<i32>} : memref<100x128xf32, #tpu.memory_space<vmem>>, vector<1x16xf32>,
      %get3A_485 = vector.shape_cast %get3A_484 : vector<1x16xf32> to vector<16xf32>
      %add3A_486 = arith.addf %get3A_479, %get3A_485 : vector<16xf32>
      %add3A_487 = arith.addf %scan3A_411, %add3A_486 : vector<16xf32>
      %get3A_488 = arith.index_cast %mul3A_415 : i32 to index
      %get3A_489 = arith.constant 96 : index
      %get3A_490 = tpu.vector_load %arg12[%get3A_488, %get3A_489] {strides = array<i32>} : memref<100x128xf32, #tpu.memory_space<vmem>>, vector<1x16xf32>,
      %get3A_491 = vector.shape_cast %get3A_490 : vector<1x16xf32> to vector<16xf32>
      %add3A_492 = arith.constant 1 : i32
      %add3A_493 = arith.addi %mul3A_415, %add3A_492 : i32
      %get3A_494 = arith.index_cast %add3A_493 : i32 to index
      %get3A_495 = arith.constant 96 : index
      %get3A_496 = tpu.vector_load %arg12[%get3A_494, %get3A_495] {strides = array<i32>} : memref<100x128xf32, #tpu.memory_space<vmem>>, vector<1x16xf32>,
      %get3A_497 = vector.shape_cast %get3A_496 : vector<1x16xf32> to vector<16xf32>
      %add3A_498 = arith.addf %get3A_491, %get3A_497 : vector<16xf32>
      %add3A_499 = arith.addf %scan3A_412, %add3A_498 : vector<16xf32>
      %get3A_500 = arith.index_cast %mul3A_415 : i32 to index
      %get3A_501 = arith.constant 112 : index
      %get3A_502 = tpu.vector_load %arg12[%get3A_500, %get3A_501] {strides = array<i32>} : memref<100x128xf32, #tpu.memory_space<vmem>>, vector<1x16xf32>,
      %get3A_503 = vector.shape_cast %get3A_502 : vector<1x16xf32> to vector<16xf32>
      %add3A_504 = arith.constant 1 : i32
      %add3A_505 = arith.addi %mul3A_415, %add3A_504 : i32
      %get3A_506 = arith.index_cast %add3A_505 : i32 to index
      %get3A_507 = arith.constant 112 : index
      %get3A_508 = tpu.vector_load %arg12[%get3A_506, %get3A_507] {strides = array<i32>} : memref<100x128xf32, #tpu.memory_space<vmem>>, vector<1x16xf32>,
      %get3A_509 = vector.shape_cast %get3A_508 : vector<1x16xf32> to vector<16xf32>
      %add3A_510 = arith.addf %get3A_503, %get3A_509 : vector<16xf32>
      %add3A_511 = arith.addf %scan3A_413, %add3A_510 : vector<16xf32>
      scf.yield %add3A_427, %add3A_439, %add3A_451, %add3A_463, %add3A_475, %add3A_487, %add3A_499, %add3A_511 : vector<16xf32>, vector<16xf32>, vector<16xf32>, vector<16xf32>, vector<16xf32>, vector<16xf32>, vector<16xf32>, vector<16xf32>
    }
    %scan3A_354 = arith.constant 50 : i32
    %swap3A_355 = arith.constant 127 : i32
    %swap3A_356 = arith.index_cast %swap3A_355 : i32 to index
    %swap3A_357 = arith.constant 0 : index
    %swap3A_358 = tpu.vector_load %arg8[%swap3A_356, %swap3A_357] {strides = array<i32>} : memref<128x128xf32, #tpu.memory_space<vmem>>, vector<1x16xf32>,
    %swap3A_359 = vector.shape_cast %swap3A_358 : vector<1x16xf32> to vector<16xf32>
    %swap3A_360 = vector.shape_cast %scan3A_353#0 : vector<16xf32> to vector<1x16xf32>
    tpu.vector_store %arg8[%swap3A_356, %swap3A_357], %swap3A_360 {strides = array<i32>} : memref<128x128xf32, #tpu.memory_space<vmem>>, vector<1x16xf32>,
    %swap3A_361 = arith.constant 127 : i32
    %swap3A_362 = arith.index_cast %swap3A_361 : i32 to index
    %swap3A_363 = arith.constant 16 : index
    %swap3A_364 = tpu.vector_load %arg8[%swap3A_362, %swap3A_363] {strides = array<i32>} : memref<128x128xf32, #tpu.memory_space<vmem>>, vector<1x16xf32>,
    %swap3A_365 = vector.shape_cast %swap3A_364 : vector<1x16xf32> to vector<16xf32>
    %swap3A_366 = vector.shape_cast %scan3A_353#1 : vector<16xf32> to vector<1x16xf32>
    tpu.vector_store %arg8[%swap3A_362, %swap3A_363], %swap3A_366 {strides = array<i32>} : memref<128x128xf32, #tpu.memory_space<vmem>>, vector<1x16xf32>,
    %swap3A_367 = arith.constant 127 : i32
    %swap3A_368 = arith.index_cast %swap3A_367 : i32 to index
    %swap3A_369 = arith.constant 32 : index
    %swap3A_370 = tpu.vector_load %arg8[%swap3A_368, %swap3A_369] {strides = array<i32>} : memref<128x128xf32, #tpu.memory_space<vmem>>, vector<1x16xf32>,
    %swap3A_371 = vector.shape_cast %swap3A_370 : vector<1x16xf32> to vector<16xf32>
    %swap3A_372 = vector.shape_cast %scan3A_353#2 : vector<16xf32> to vector<1x16xf32>
    tpu.vector_store %arg8[%swap3A_368, %swap3A_369], %swap3A_372 {strides = array<i32>} : memref<128x128xf32, #tpu.memory_space<vmem>>, vector<1x16xf32>,
    %swap3A_373 = arith.constant 127 : i32
    %swap3A_374 = arith.index_cast %swap3A_373 : i32 to index
    %swap3A_375 = arith.constant 48 : index
    %swap3A_376 = tpu.vector_load %arg8[%swap3A_374, %swap3A_375] {strides = array<i32>} : memref<128x128xf32, #tpu.memory_space<vmem>>, vector<1x16xf32>,
    %swap3A_377 = vector.shape_cast %swap3A_376 : vector<1x16xf32> to vector<16xf32>
    %swap3A_378 = vector.shape_cast %scan3A_353#3 : vector<16xf32> to vector<1x16xf32>
    tpu.vector_store %arg8[%swap3A_374, %swap3A_375], %swap3A_378 {strides = array<i32>} : memref<128x128xf32, #tpu.memory_space<vmem>>, vector<1x16xf32>,
    %swap3A_379 = arith.constant 127 : i32
    %swap3A_380 = arith.index_cast %swap3A_379 : i32 to index
    %swap3A_381 = arith.constant 64 : index
    %swap3A_382 = tpu.vector_load %arg8[%swap3A_380, %swap3A_381] {strides = array<i32>} : memref<128x128xf32, #tpu.memory_space<vmem>>, vector<1x16xf32>,
    %swap3A_383 = vector.shape_cast %swap3A_382 : vector<1x16xf32> to vector<16xf32>
    %swap3A_384 = vector.shape_cast %scan3A_353#4 : vector<16xf32> to vector<1x16xf32>
    tpu.vector_store %arg8[%swap3A_380, %swap3A_381], %swap3A_384 {strides = array<i32>} : memref<128x128xf32, #tpu.memory_space<vmem>>, vector<1x16xf32>,
    %swap3A_385 = arith.constant 127 : i32
    %swap3A_386 = arith.index_cast %swap3A_385 : i32 to index
    %swap3A_387 = arith.constant 80 : index
    %swap3A_388 = tpu.vector_load %arg8[%swap3A_386, %swap3A_387] {strides = array<i32>} : memref<128x128xf32, #tpu.memory_space<vmem>>, vector<1x16xf32>,
    %swap3A_389 = vector.shape_cast %swap3A_388 : vector<1x16xf32> to vector<16xf32>
    %swap3A_390 = vector.shape_cast %scan3A_353#5 : vector<16xf32> to vector<1x16xf32>
    tpu.vector_store %arg8[%swap3A_386, %swap3A_387], %swap3A_390 {strides = array<i32>} : memref<128x128xf32, #tpu.memory_space<vmem>>, vector<1x16xf32>,
    %swap3A_391 = arith.constant 127 : i32
    %swap3A_392 = arith.index_cast %swap3A_391 : i32 to index
    %swap3A_393 = arith.constant 96 : index
    %swap3A_394 = tpu.vector_load %arg8[%swap3A_392, %swap3A_393] {strides = array<i32>} : memref<128x128xf32, #tpu.memory_space<vmem>>, vector<1x16xf32>,
    %swap3A_395 = vector.shape_cast %swap3A_394 : vector<1x16xf32> to vector<16xf32>
    %swap3A_396 = vector.shape_cast %scan3A_353#6 : vector<16xf32> to vector<1x16xf32>
    tpu.vector_store %arg8[%swap3A_392, %swap3A_393], %swap3A_396 {strides = array<i32>} : memref<128x128xf32, #tpu.memory_space<vmem>>, vector<1x16xf32>,
    %swap3A_397 = arith.constant 127 : i32
    %swap3A_398 = arith.index_cast %swap3A_397 : i32 to index
    %swap3A_399 = arith.constant 112 : index
    %swap3A_400 = tpu.vector_load %arg8[%swap3A_398, %swap3A_399] {strides = array<i32>} : memref<128x128xf32, #tpu.memory_space<vmem>>, vector<1x16xf32>,
    %swap3A_401 = vector.shape_cast %swap3A_400 : vector<1x16xf32> to vector<16xf32>
    %swap3A_402 = vector.shape_cast %scan3A_353#7 : vector<16xf32> to vector<1x16xf32>
    tpu.vector_store %arg8[%swap3A_398, %swap3A_399], %swap3A_402 {strides = array<i32>} : memref<128x128xf32, #tpu.memory_space<vmem>>, vector<1x16xf32>,
    %mul3A_403 = arith.constant 128 : i32
    %mul3A_404 = arith.muli %add3A, %mul3A_403 : i32
    "tpu.region"() ({
      %run_scoped3A = tpu.sem_alloc : memref<!tpu.dma_semaphore, #tpu.memory_space<semaphore_mem>>
      %dma_start3A_405 = arith.constant 0 : i32
      %dma_start3A_406 = tpu.memref_slice %arg5[%mul3A_404, %dma_start3A_405] : memref<4096x128xf32, #tpu.memory_space<hbm>> -> memref<128x128xf32, #tpu.memory_space<hbm>>
      %dma_start3A_407 = arith.constant 0 : i32
      %dma_start3A_408 = tpu.memref_slice %arg5[%mul3A_404, %dma_start3A_407] : memref<4096x128xf32, #tpu.memory_space<hbm>> -> memref<128x128xf32, #tpu.memory_space<hbm>>
      tpu.enqueue_dma source(%arg8 : memref<128x128xf32, #tpu.memory_space<vmem>>) target(%dma_start3A_408 : memref<128x128xf32, #tpu.memory_space<hbm>>) target_semaphore(%run_scoped3A : memref<!tpu.dma_semaphore, #tpu.memory_space<semaphore_mem>>)
      %dma_wait3A_409 = arith.constant 0 : i32
      %dma_wait3A_410 = tpu.memref_slice %arg5[%mul3A_404, %dma_wait3A_409] : memref<4096x128xf32, #tpu.memory_space<hbm>> -> memref<128x128xf32, #tpu.memory_space<hbm>>
      %dma_wait3A_411 = arith.constant 0 : i32
      %dma_wait3A_412 = tpu.memref_slice %arg5[%mul3A_404, %dma_wait3A_411] : memref<4096x128xf32, #tpu.memory_space<hbm>> -> memref<128x128xf32, #tpu.memory_space<hbm>>
      tpu.wait_dma2 semaphore(%run_scoped3A : memref<!tpu.dma_semaphore, #tpu.memory_space<semaphore_mem>>) src(%arg8 : memref<128x128xf32, #tpu.memory_space<vmem>>) dst(%dma_wait3A_412 : memref<128x128xf32, #tpu.memory_space<hbm>>)
      tpu.yield
    }) : () -> ()
    return
  }
}

</mosaic_0001>

<sc_bundles>
// kernel: kernel.3.cloned.1.call-start
scs
__scs_entry_jumppad:
0x0: {  	(pc) =	sbr.rel $0x88, $3  }
0x1: {  	(tag) =	ssettag $0x0;
	lr =	simm.s32 $0x1  }
0x2: {  	[smem:$0x3F9E] =	sst lr;
	_ =	strace $0xD0000000  }
0x3: {  	_ = 	snop  }
0x4: {  	_ = 	snop  }
0x5: {  	_ = 	snop  }
0x6: {  	_ = 	snop  }
0x7: {  	_ = 	snop  }
__scs_overlays_trampoline_lowered:
0x8: {  	[smem:$0x3FAD] =	sst s0  }
0x9: {  	[smem:$0x3FAE] =	sst s1  }
0xa: {  	[smem:$0x3FAF] =	sst s2  }
0xb: {  	[smem:$0x3FB0] =	sst s3  }
0xc: {  	[smem:$0x3FB1] =	sst s4  }
0xd: {  	[smem:$0x3FB2] =	sst s5  }
0xe: {  	[smem:$0x3FB3] =	sst s6  }
0xf: {  	[smem:$0x3FB4] =	sst s7  }
0x10: {  	[smem:$0x3FB5] =	sst s8  }
0x11: {  	[smem:$0x3FB6] =	sst s9;
	s0 =	simm.s32 @!p0 $0x0  }
0x12: {  	s1 =	sld [smem:$0x3F9C];
	s0 =	simm.s32 @p0 $0x1  }
0x13: {  	[smem:$0x3FB7] =	sst s0;
	s0 =	simm.s32 @!p1 $0x0  }
0x14: {  	s2 =	sld [smem:$0x3F9B];
	s0 =	simm.s32 @p1 $0x1  }
0x15: {  	[smem:$0x3FB8] =	sst s0;
	s0 =	simm.s32 @!p2 $0x0  }
0x16: {  	s3 =	sld [smem:$0x3FDB];
	s0 =	simm.s32 @p2 $0x1  }
0x17: {  	s4 =	simm.s32 $0x1BF5;
	[smem:$0x3FBA] =	sst s0  }
0x18: {  	s0 =	sld [smem:$0x3F9D];
	_ =	swait.ge [sflag:s4], $0x0  }
0x19: {  	s7 =	sld [smem:$0x3F9E]  }
0x1a: {  	s8 =	sadd.s32 $0xFFFFE003, lr  }
0x1b: {  	s9 =	sadd.s32 $0xFFFFFEF7, lr;
	s5 =	simm.s32 $0xFFFFFFFF;
	p2 =	slt.u32 s8, $0xFFFFF086  }
0x1c: {  	p1 =	slt.u32 s9, $0xF7A;
	s5 =	simm.s32 @!p2 $0x0  }
0x1d: {  	s5 =	simm.s32 @p1 $0x1;
	p0 =	seq.s32 s7, s2  }
0x1e: {  	s7 =	smul.u32 @!p0 $0xF7A, s2;
	p2 =	seq.s32 @!p0 s5, $0x0  }
0x1f: {  	s9 =	smul.u32 $0xF7A, s1;
	s8 =	simm.s32 @!p0 $0x1BF5;
	p2 =	por !p2, p0  }
0x20: {  	[sflag:s8] =	ssyncset.s32 @!p0 $0xFFFFF086;
	s6 =	sadd.s32 @!p0 s3, s7;
	s7 =	simm.s32 @!p0 $0x108  }
0x21: {  	s3 =	sadd.s32 s3, s9;
	s6 =	sadd.s32 @!p0 $0x88, s6;
	s7 =	simm.s32 @p2 $0x1082  }
0x22: {  	[simem:s7], [sflag:s8] =	dma.local @!p0 [hbm:s6], $0xF7A  }
0x23: {  	s9 =	sor.u32 $0xD0000000, s2;
	s6 =	simm.s32 $0x108;
	_ =	swait.ge @!p0 [sflag:s8], $0x0  }
0x24: {  	s3 =	sadd.s32 $0x88, s3;
	s6 =	simm.s32 @!p1 $0x1082;
	[sflag:s4] =	ssyncset.s32 $0xFFFFF086  }
0x25: {  	[simem:s6], [sflag:s4] =	dma.local [hbm:s3], $0xF7A  }
0x26: {  	[smem:$0x3F9E] =	sst s1;
	(tag) =	ssettag s2;
	_ =	strace s9  }
0x27: {  	s1 =	sld [smem:$0x3FAE]  }
0x28: {  	s2 =	sld [smem:$0x3FAF]  }
0x29: {  	s4 =	sld [smem:$0x3FB1]  }
0x2a: {  	p0 =	seq.s32 s5, $0x0;
	s5 =	sld [smem:$0x3FB2]  }
0x2b: {  	s6 =	sld [smem:$0x3FB3]  }
0x2c: {  	s7 =	sld [smem:$0x3FB4]  }
0x2d: {  	s3 =	simm.s32 $0x108;
	s8 =	sld [smem:$0x3FB5]  }
0x2e: {  	s3 =	simm.s32 @!p0 $0x1082;
	s9 =	sld [smem:$0x3FB6]  }
0x2f: {  	lr =	sadd.s32 s0, s3;
	s0 =	sld [smem:$0x3FAD]  }
0x30: {  	s3 =	sld [smem:$0x3FB0]  }
0x31: {  	[smem:$0x3FB9] =	sst s10  }
0x32: {  	s10 =	sld [smem:$0x3FB7];
	_ =	sdelay $0x3  }
0x33: {  	p0 =	seq.s32 s10, $0x1;
	s10 =	sld [smem:$0x3FB9];
	_ =	sdelay $0x3  }
0x34: {  	[smem:$0x3FB9] =	sst s10  }
0x35: {  	s10 =	sld [smem:$0x3FB8];
	_ =	sdelay $0x3  }
0x36: {  	p1 =	seq.s32 s10, $0x1;
	s10 =	sld [smem:$0x3FB9];
	_ =	sdelay $0x3  }
0x37: {  	[smem:$0x3FB9] =	sst s10  }
0x38: {  	s10 =	sld [smem:$0x3FBA]  }
0x39: {  	_ = 	snop;
	(pc) =	sbr.ind lr, $3  }
0x3a: {  	_ = 	snop  }
0x3b: {  	_ = 	snop  }
0x3c: {  	p2 =	seq.s32 s10, $0x1;
	s10 =	sld [smem:$0x3FB9]  }
0x3d: {  	_ =	shalt  }
0x3e: {  	_ =	shalt  }
0x3f: {  	_ =	shalt  }
0x40: {  	_ =	shalt  }
0x41: {  	_ =	shalt  }
0x42: {  	_ =	shalt  }
0x43: {  	_ =	shalt  }
0x44: {  	_ =	shalt  }
0x45: {  	_ =	shalt  }
0x46: {  	_ =	shalt  }
0x47: {  	_ =	shalt  }
0x48: {  	_ =	shalt  }
0x49: {  	_ =	shalt  }
0x4a: {  	_ =	shalt  }
0x4b: {  	_ =	shalt  }
0x4c: {  	_ =	shalt  }
0x4d: {  	_ =	shalt  }
0x4e: {  	_ =	shalt  }
0x4f: {  	_ =	shalt  }
0x50: {  	_ =	shalt  }
0x51: {  	_ =	shalt  }
0x52: {  	_ =	shalt  }
0x53: {  	_ =	shalt  }
0x54: {  	_ =	shalt  }
0x55: {  	_ =	shalt  }
0x56: {  	_ =	shalt  }
0x57: {  	_ =	shalt  }
0x58: {  	_ =	shalt  }
0x59: {  	_ =	shalt  }
0x5a: {  	_ =	shalt  }
0x5b: {  	_ =	shalt  }
0x5c: {  	_ =	shalt  }
0x5d: {  	_ =	shalt  }
0x5e: {  	_ =	shalt  }
0x5f: {  	_ =	shalt  }
0x60: {  	_ =	shalt  }
0x61: {  	_ =	shalt  }
0x62: {  	_ =	shalt  }
0x63: {  	_ =	shalt  }
0x64: {  	_ =	shalt  }
0x65: {  	_ =	shalt  }
0x66: {  	_ =	shalt  }
0x67: {  	_ =	shalt  }
0x68: {  	_ =	shalt  }
0x69: {  	_ =	shalt  }
0x6a: {  	_ =	shalt  }
0x6b: {  	_ =	shalt  }
0x6c: {  	_ =	shalt  }
0x6d: {  	_ =	shalt  }
0x6e: {  	_ =	shalt  }
0x6f: {  	_ =	shalt  }
0x70: {  	_ =	shalt  }
0x71: {  	_ =	shalt  }
0x72: {  	_ =	shalt  }
0x73: {  	_ =	shalt  }
0x74: {  	_ =	shalt  }
0x75: {  	_ =	shalt  }
0x76: {  	_ =	shalt  }
0x77: {  	_ =	shalt  }
0x78: {  	_ =	shalt  }
0x79: {  	_ =	shalt  }
0x7a: {  	_ =	shalt  }
0x7b: {  	_ =	shalt  }
0x7c: {  	_ =	shalt  }
0x7d: {  	_ =	shalt  }
0x7e: {  	_ =	shalt  }
0x7f: {  	_ =	shalt  }
0x80: {  	_ =	shalt  }
0x81: {  	_ =	shalt  }
0x82: {  	_ =	shalt  }
0x83: {  	_ =	shalt  }
0x84: {  	_ =	shalt  }
0x85: {  	_ =	shalt  }
0x86: {  	_ =	shalt  }
0x87: {  	_ =	shalt  }
.Lfunc_end0:
.L_simem_size_0:
called_computation_lowered:
.L_overlay_start_0:
0x88: {  	s2 =	sld [smem:$0x3FD9]  }
0x89: {  	s3 =	sld [smem:$0x3FFE];
	_ =	sdelay $0x1  }
0x8a: {  	s1 =	srdreg.scid  }
0x8b: {  	s0 =	sand.u32 $0x1, s1  }
0x8c: {  	s17 =	sshll.u32 s0, $0xA;
	s2 =	sadd.s32 s3, s2  }
0x8d: {  	s2 =	sadd.s32 s2, s17  }
0x8e: {  	[smem:$0x3FC5] =	sst s2  }
0x8f: {  	_ = 	snop  }
0x90: {  	s2 =	sld [smem:$0x3FC8]  }
0x91: {  	s18 =	sld [smem:$0x3FC7]  }
0x92: {  	s4 =	sld [smem:$0x3FD0];
	(tm) =	ssettm $0x1  }
0x93: {  	s5 =	sld [smem:$0x3FFB];
	_ =	sdelay $0x3  }
0x94: {  	_ =	strace s5  }
0x95: {  	s5 =	sld [smem:$0x3FFC];
	_ =	sdelay $0x3  }
0x96: {  	_ =	strace s5  }
0x97: {  	s5 =	sld [smem:$0x3FFD];
	_ =	sdelay $0x3  }
0x98: {  	_ =	strace s5  }
0x99: {  	_ =	strace $0x8FFFFFFF  }
0x9a: {  	s19 =	sld [smem:$0x3FDB];
	_ =	sdelay $0x1  }
0x9b: {  	s6 =	simm.s32 $_scs_section_size  }
0x9c: {  	s7 =	simm.s32 $_size__tile_overlayer_lowered;
	s8 =	simm.s32 $_tile_overlayer_lowered  }
0x9d: {  	s22 =	simm.s32 $0x1BFF;
	s21 =	sshll.u32 s8, $0x1;
	s5 =	sadd.s32 s6, s19  }
0x9e: {  	s9 =	simm.s32 $0x0;
	s20 =	sshll.u32 s7, $0x1;
	s7 =	sadd.s32 s21, s5  }
0x9f: {  	[timem:s9], [sflag:s22] =	dma.local [hbm:s7], s20  }
0xa0: {  	_ =	swait.ge [sflag:s22], s20  }
0xa1: {  	s6 =	ssub.s32 $0x0, s20;
	[sflag:s22] =	ssyncset.done $0x0  }
0xa2: {  	[sflag:s22] =	ssyncadd.s32 s6;
	_ =	sdelay $0x1  }
0xa3: {  	s23 =	simm.s32 $0x1B8B  }
0xa4: {  	_ =	swait.ge [sflag:s23], $0x1  }
0xa5: {  	[sflag:s23] =	ssyncset.done $0x0  }
0xa6: {  	s25 =	simm.s32 $0x1B8E;
	s24 =	sld [smem:$0x3FFE];
	[sflag:s23] =	ssyncadd.s32 $0xFFFFFFFF  }
0xa7: {  	s26 =	simm.s32 $execute0_lowered;
	[smem:$0x3FD2] =	sst s25  }
0xa8: {  	s7 =	sshll.u32 s26, $0x1;
	_ =	strace $0x80000046;
	[dreg:$0x1] =	wrdreg $0xFFFFFFFF  }
0xa9: {  	s28 =	simm.s32 $_size_execute0_lowered;
	s5 =	sadd.s32 s5, s7;
	[dreg:$0x0] =	wrdreg $0x0  }
0xaa: {  	s7 =	sshll.u32 s28, $0x1;
	[dreg:$0x2] =	wrdreg s5  }
0xab: {  	[dreg:$0x3] =	wrdreg s7  }
0xac: {  	[dreg:$0x4] =	wrdreg $0xC0  }
0xad: {  	_ =	task [dreg:s9], $0x5FFFF  }
0xae: {  	[dreg:$0x1] =	wrdreg $0xFFFFFFFF  }
0xaf: {  	[dreg:$0x0] =	wrdreg $0x60  }
0xb0: {  	[dreg:$0x2] =	wrdreg s24  }
0xb1: {  	[dreg:$0x3] =	wrdreg s2  }
0xb2: {  	[dreg:$0x4] =	wrdreg s18  }
0xb3: {  	[dreg:$0x5] =	wrdreg s4  }
0xb4: {  	[dreg:$0x6] =	wrdreg $0x9  }
0xb5: {  	_ =	task.clear_ibuf [dreg:s9], $0x7FFFF;
	_ =	strace $0x90000046  }
0xb6: {  	s29 =	simm.s32 $0x9;
	_ =	strace $0x80000048  }
0xb7: {  	_ =	swait.ge [sflag:s29], $0x1  }
0xb8: {  	[sflag:s29] =	ssyncadd.s32 $0xFFFFFFFF  }
0xb9: {  	_ =	strace $0x90000048  }
0xba: {  	_ =	sfence  }
0xbb: {  	s30 =	sld [smem:$0x0];
	_ =	sdelay $0x2  }
0xbc: {  	s31 =	sshll.u32 s1, $0xD;
	s1 =	sshrl.u32 s1, $0x2  }
0xbd: {  	s3 =	sand.u32 $0x4000, s31;
	s1 =	sadd.s32 s1, s30  }
0xbe: {  	s0 =	sor.u32 s3, s0;
	s1 =	sshll.u32 s1, $0x11  }
0xbf: {  	s0 =	sor.u32 s1, s0  }
0xc0: {  	s0 =	sadd.s32 $0x8F2B, s0  }
0xc1: {  	[sflag:s0] =	ssyncadd.remote.s32 $0x1  }
0xc2: {  	_ =	sfence.sel $0xFFFF  }
0xc3: {  	[dreg:$0x0] =	wrdreg $0xFFFFFFFF;
	(pc) =	sbr.abs _section_cstart, $3  }
0xc4: {  	[dreg:$0x1] =	wrdreg $0xFFFFFFFF  }
0xc5: {  	_ =	task.clear_ibuf [dreg:s9], $0x2FFFF;
	_ =	strace $0x9FFFFFFF  }
0xc6: {  	(tm) =	ssettm $0x7FFFFFFF  }
0xc7: {  	_ =	shalt  }
tec
execute0_lowered:
.L_overlay_start_1:
0x0: {  	(tag) =	ssettag $0x1  }
0x1: {  	s0 =	rddreg [dreg:$0x0]  }
0x2: {  	s2 =	rddreg [dreg:$0x1];
	s1 =	srdreg.scid  }
0x3: {  	s3 =	rddreg [dreg:$0x3];
	s4 =	stileid.u32  }
0x4: {  	s8 =	simm.s32 $0x9;
	s10 =	simm.s32 $0x40;
	s11 =	simm.s32 $0x8080  }
0x5: {  	s12 =	simm.s32 $0x24;
	s13 =	simm.s32 $0xA080;
	s15 =	simm.s32 $0xB480  }
0x6: {  	s17 =	simm.s32 $0xD480;
	s19 =	simm.s32 $0xE880;
	s21 =	simm.s32 $0x10880  }
0x7: {  	s23 =	simm.s32 $0x11C80;
	s24 =	simm.s32 $0x1C0;
	s25 =	simm.s32 $0x13C80  }
0x8: {  	s28 =	simm.s32 $0x5;
	s29 =	simm.s32 $0x2;
	s30 =	simm.s32 $0x6  }
0x9: {  	s31 =	simm.s32 $0x3;
	s9 =	simm.s32 $0x4080;
	s14 =	simm.s32 $0x0  }
0xa: {  	s1 =	sand.u32 $0x1, s1;
	s6 =	sshll.u32 s4, $0xB;
	s4 =	simm.s32 $0x0  }
0xb: {  	s5 =	sshll.u32 s1, $0xF;
	s1 =	ssub.s32 $0x2, s1;
	[smem:$0x7FF] =	sst s4  }
0xc: {  	s6 =	sor.u32 s6, s5;
	s26 =	sshrl.u32 s1, $0x1;
	_ =	strace $0x80000047  }
0xd: {  	s0 =	sadd.s32 s6, s0;
	s1 =	ssub.s32 s1, s26;
	s6 =	sadd.s32 s3, s6  }
0xe: {  	s26 =	simm.s32 $0x1;
	s3 =	simm.s32 $0x8;
	s5 =	sadd.s32 $0x400, s0  }
0xf: {  	s7 =	smax.u32 s1, $0x1;
	s0 =	simm.s32 $0x7;
	s1 =	simm.s32 $0x4  }
.LBB2_1:
0x10: {  	[tilespmem:s4], [sflag:$0x9] =	stream.linear.gather [hbm4b:s5+s4], $0x4000, $0x38;
	[tilespmem:$0x15080] =	vst v63  }
0x11: {  	_ =	swait.ge [sflag:s8], $0x4000  }
0x12: {  	[sflag:s8] =	ssyncset.done $0x0  }
0x13: {  	[sflag:s8] =	ssyncadd.s32 $0xFFFFC000  }
0x14: {  	s18 =	simm.s32 $0x4000;
	s16 =	rddreg [dreg:$0x2]  }
0x15: {  	[tilespmem:s18], [sflag:$0x9] =	stream.linear.gather [hbm4b:s16+s4], $0x80, $0x38;
	[tilespmem:$0x15080] =	vst v63  }
0x16: {  	_ =	swait.ge [sflag:s8], $0x80  }
0x17: {  	[sflag:s8] =	ssyncset.done $0x0  }
0x18: {  	[sflag:s8] =	ssyncadd.s32 $0xFFFFFF80  }
0x19: {  	v6 =	vld [tilespmem:$0x4000]  }
0x1a: {  	v4 =	vld [tilespmem:$0x4010]  }
0x1b: {  	v5 =	vld [tilespmem:$0x4020]  }
0x1c: {  	v3 =	vld [tilespmem:$0x4030]  }
0x1d: {  	v2 =	vld [tilespmem:$0x4040]  }
0x1e: {  	v1 =	vld [tilespmem:$0x4050]  }
0x1f: {  	v0 =	vld [tilespmem:$0x4060]  }
0x20: {  	v7 =	vld [tilespmem:$0x4070];
	[tilespmem:s11], [sflag:$0x1] =	stream.indirect.gather [hbm4b:s2+s10], $0x80, s4, s10, $0xb8  }
0x21: {  	_ = 	snop  }
0x22: {  	[tilespmem:s13], [sflag:$0x5] =	stream.indirect.gather [hbm4b:s2+s12], $0x80, s10, s12, $0xb8;
	[tilespmem:$0x15080] =	vst v63  }
0x23: {  	s20 =	simm.s32 $0x80  }
0x24: {  	[tilespmem:s15], [sflag:$0x2] =	stream.indirect.gather [hbm4b:s2+s10], $0x80, s20, s10, $0xb8;
	[tilespmem:$0x15080] =	vst v63  }
0x25: {  	s22 =	simm.s32 $0xC0  }
0x26: {  	[tilespmem:s17], [sflag:$0x6] =	stream.indirect.gather [hbm4b:s2+s12], $0x80, s22, s12, $0xb8;
	[tilespmem:$0x15080] =	vst v63  }
0x27: {  	s18 =	simm.s32 $0x100  }
0x28: {  	[tilespmem:s19], [sflag:$0x3] =	stream.indirect.gather [hbm4b:s2+s10], $0x80, s18, s10, $0xb8;
	[tilespmem:$0x15080] =	vst v63  }
0x29: {  	s20 =	simm.s32 $0x140  }
0x2a: {  	[tilespmem:s21], [sflag:$0x7] =	stream.indirect.gather [hbm4b:s2+s12], $0x80, s20, s12, $0xb8;
	[tilespmem:$0x15080] =	vst v63  }
0x2b: {  	s22 =	simm.s32 $0x180  }
0x2c: {  	[tilespmem:s23], [sflag:$0x4] =	stream.indirect.gather [hbm4b:s2+s10], $0x80, s22, s10, $0xb8;
	[tilespmem:$0x15080] =	vst v63  }
0x2d: {  	s16 =	simm.s32 $0x0  }
0x2e: {  	[tilespmem:s25], [sflag:$0x8] =	stream.indirect.gather [hbm4b:s2+s12], $0x80, s24, s12, $0xb8;
	[tilespmem:$0x15080] =	vst v63  }
.LBB2_2:
0x2f: {  	_ =	swait.ge [sflag:s26], $0x2000  }
0x30: {  	[sflag:s26] =	ssyncset.done $0x0  }
0x31: {  	[sflag:s26] =	ssyncadd.s32 $0xFFFFE000  }
0x32: {  	_ =	swait.ge [sflag:s28], $0x1200  }
0x33: {  	[sflag:s28] =	ssyncset.done $0x0  }
0x34: {  	s20 =	simm.s32 $0x0;
	[sflag:s28] =	ssyncadd.s32 $0xFFFFEE00  }
0x35: {  	v8 =	vld [tilespmem:s20+$0x80F0]  }
0x36: {  	v9 =	vld [tilespmem:s20+$0x8170]  }
0x37: {  	v10 =	vld [tilespmem:s20+$0x8080]  }
0x38: {  	v11 =	vld [tilespmem:s20+$0x8100]  }
0x39: {  	v12 =	vld [tilespmem:s20+$0x8090]  }
0x3a: {  	v13 =	vld [tilespmem:s20+$0x8110]  }
0x3b: {  	v14 =	vld [tilespmem:s20+$0x80A0]  }
0x3c: {  	v15 =	vld [tilespmem:s20+$0x8120]  }
0x3d: {  	v16 =	vld [tilespmem:s20+$0x80B0]  }
0x3e: {  	v18 =	vld [tilespmem:s20+$0x8130]  }
0x3f: {  	v21 =	vld [tilespmem:s20+$0x80C0]  }
0x40: {  	v22 =	vld [tilespmem:s20+$0x8140];
	_ =	sdelay $0x1  }
0x41: {  	v8 =	vadd.f32 v9, v8;
	v9 =	vadd.f32 v11, v10  }
0x42: {  	v17 =	vld [tilespmem:s20+$0x80D0];
	v11 =	vadd.f32 v13, v12;
	v13 =	vadd.f32 v18, v16  }
0x43: {  	v19 =	vld [tilespmem:s20+$0x8150];
	v12 =	vadd.f32 v15, v14  }
0x44: {  	v20 =	vld [tilespmem:s20+$0x8160];
	v21 =	vadd.f32 v22, v21;
	v8 =	vadd.f32 v8, v7  }
0x45: {  	s18 =	simm.s32 $0x100;
	v18 =	vld [tilespmem:s20+$0x80E0];
	v10 =	vadd.f32 v9, v6;
	v11 =	vadd.f32 v11, v4  }
0x46: {  	v16 =	vld [tilespmem:s18+$0x80F0];
	s20 =	simm.s32 $0x800;
	v15 =	vmovc v2;
	v14 =	vmovc v1;
	v9 =	vadd.f32 v12, v5;
	v12 =	vadd.f32 v13, v3;
	v13 =	vmov v0  }
.LBB2_3:
0x47: {  	p0 =	sne.s32 s20, $0xC400;
	v22 =	vld [tilespmem:s18+$0x8170]  }
0x48: {  	v23 =	vld [tilespmem:s18+$0x8080];
	v15 =	vadd.f32 v21, v15;
	v17 =	vadd.f32 v19, v17  }
0x49: {  	v19 =	vld [tilespmem:s18+$0x8100]  }
0x4a: {  	v21 =	vld [tilespmem:s18+$0x8090];
	v14 =	vadd.f32 v17, v14;
	v17 =	vadd.f32 v20, v18  }
0x4b: {  	v18 =	vld [tilespmem:s18+$0x8110]  }
0x4c: {  	v20 =	vld [tilespmem:s18+$0x80A0];
	v16 =	vadd.f32 v22, v16;
	v13 =	vadd.f32 v17, v13  }
0x4d: {  	v17 =	vld [tilespmem:s18+$0x8120]  }
0x4e: {  	v19 =	vadd.f32 v19, v23;
	v22 =	vld [tilespmem:s18+$0x80B0];
	v8 =	vadd.f32 v16, v8  }
0x4f: {  	v16 =	vld [tilespmem:s18+$0x8130]  }
0x50: {  	v10 =	vadd.f32 v19, v10;
	v18 =	vadd.f32 v18, v21;
	v21 =	vld [tilespmem:s18+$0x80C0]  }
0x51: {  	v23 =	vld [tilespmem:s18+$0x8140]  }
.Ltmp0:
0x52: {  	v11 =	vadd.f32 v18, v11;
	v18 =	vadd.f32 v17, v20;
	v17 =	vld [tilespmem:s18+$0x80D0];
	(pc) =	sbr.rel @p0 .LBB2_3-.Ltmp0, $4  }
0x53: {  	v19 =	vld [tilespmem:s18+$0x8150]  }
0x54: {  	v9 =	vadd.f32 v18, v9;
	v22 =	vadd.f32 v16, v22;
	v18 =	vld [tilespmem:s18+$0x80E0]  }
0x55: {  	v20 =	vld [tilespmem:s18+$0x8160];
	s18 =	sshra.s32 s20, $0x2  }
0x56: {  	s20 =	sadd.s32 $0x400, s20;
	v16 =	vld [tilespmem:s18+$0x80F0];
	v12 =	vadd.f32 v22, v12;
	v21 =	vadd.f32 v23, v21  }
0x57: {  	v22 =	vld [tilespmem:s18+$0x8080]  }
0x58: {  	v23 =	vld [tilespmem:s18+$0x8100]  }
0x59: {  	v24 =	vld [tilespmem:s18+$0x8090]  }
0x5a: {  	v25 =	vld [tilespmem:s18+$0x8110]  }
0x5b: {  	v26 =	vld [tilespmem:s18+$0x80A0]  }
0x5c: {  	v27 =	vld [tilespmem:s18+$0x8120]  }
0x5d: {  	v28 =	vld [tilespmem:s18+$0x80B0]  }
0x5e: {  	v29 =	vld [tilespmem:s18+$0x8130]  }
0x5f: {  	v30 =	vld [tilespmem:s18+$0x80C0]  }
0x60: {  	v31 =	vld [tilespmem:s18+$0x8140]  }
0x61: {  	v17 =	vadd.f32 v19, v17;
	v19 =	vld [tilespmem:s18+$0x80D0]  }
0x62: {  	v15 =	vadd.f32 v21, v15;
	v21 =	vld [tilespmem:s18+$0x80E0];
	v18 =	vadd.f32 v20, v18  }
0x63: {  	v20 =	vld [tilespmem:s18+$0x8150];
	v14 =	vadd.f32 v17, v14;
	v17 =	vadd.f32 v23, v22  }
0x64: {  	v13 =	vadd.f32 v18, v13;
	v18 =	vadd.f32 v25, v24;
	v22 =	vld [tilespmem:s18+$0x8160]  }
0x65: {  	v23 =	vld [tilespmem:s18+$0x8170];
	v10 =	vadd.f32 v17, v10;
	v17 =	vadd.f32 v27, v26  }
0x66: {  	s18 =	sshll.u32 s16, $0x9;
	v11 =	vadd.f32 v18, v11;
	v18 =	vadd.f32 v29, v28  }
0x67: {  	v9 =	vadd.f32 v17, v9;
	v17 =	vadd.f32 v31, v30;
	[tilespmem:s18+$0x4080] =	vst v10  }
0x68: {  	v10 =	vadd.f32 v18, v12;
	v12 =	vadd.f32 v20, v19;
	[tilespmem:s18+$0x4090] =	vst v11  }
0x69: {  	v11 =	vadd.f32 v17, v15;
	v15 =	vadd.f32 v22, v21;
	[tilespmem:s18+$0x40A0] =	vst v9  }
0x6a: {  	v9 =	vadd.f32 v23, v16;
	v12 =	vadd.f32 v12, v14;
	[tilespmem:s18+$0x40B0] =	vst v10  }
0x6b: {  	v10 =	vadd.f32 v15, v13;
	[tilespmem:s18+$0x40C0] =	vst v11  }
0x6c: {  	v8 =	vadd.f32 v9, v8;
	[tilespmem:s18+$0x40D0] =	vst v12  }
0x6d: {  	[tilespmem:s18+$0x40E0] =	vst v10  }
0x6e: {  	s20 =	sadd.s32 $0x200, s18;
	[tilespmem:s18+$0x40F0] =	vst v8  }
0x6f: {  	[tilespmem:s11], [sflag:$0x1] =	stream.indirect.gather [hbm4b:s2+s10], $0x80, s20, s10, $0xb8;
	[tilespmem:$0x15080] =	vst v63  }
0x70: {  	s22 =	sadd.s32 $0x240, s18  }
0x71: {  	[tilespmem:s13], [sflag:$0x5] =	stream.indirect.gather [hbm4b:s2+s12], $0x80, s22, s12, $0xb8;
	[tilespmem:$0x15080] =	vst v63  }
0x72: {  	_ =	swait.ge [sflag:s29], $0x2000  }
0x73: {  	[sflag:s29] =	ssyncset.done $0x0  }
0x74: {  	[sflag:s29] =	ssyncadd.s32 $0xFFFFE000  }
0x75: {  	_ =	swait.ge [sflag:s30], $0x1200  }
0x76: {  	[sflag:s30] =	ssyncset.done $0x0  }
0x77: {  	s22 =	simm.s32 $0x0;
	[sflag:s30] =	ssyncadd.s32 $0xFFFFEE00  }
0x78: {  	v8 =	vld [tilespmem:s22+$0xB4F0]  }
0x79: {  	v9 =	vld [tilespmem:s22+$0xB570]  }
0x7a: {  	v10 =	vld [tilespmem:s22+$0xB480]  }
0x7b: {  	v11 =	vld [tilespmem:s22+$0xB500]  }
0x7c: {  	v12 =	vld [tilespmem:s22+$0xB490]  }
0x7d: {  	v13 =	vld [tilespmem:s22+$0xB510]  }
0x7e: {  	v14 =	vld [tilespmem:s22+$0xB4A0]  }
0x7f: {  	v15 =	vld [tilespmem:s22+$0xB520]  }
0x80: {  	v16 =	vld [tilespmem:s22+$0xB4B0]  }
0x81: {  	v18 =	vld [tilespmem:s22+$0xB530]  }
0x82: {  	v21 =	vld [tilespmem:s22+$0xB4C0]  }
0x83: {  	v22 =	vld [tilespmem:s22+$0xB540];
	_ =	sdelay $0x1  }
0x84: {  	v8 =	vadd.f32 v9, v8;
	v9 =	vadd.f32 v11, v10  }
0x85: {  	v17 =	vld [tilespmem:s22+$0xB4D0];
	v11 =	vadd.f32 v13, v12;
	v13 =	vadd.f32 v18, v16  }
0x86: {  	v19 =	vld [tilespmem:s22+$0xB550];
	v12 =	vadd.f32 v15, v14  }
0x87: {  	v20 =	vld [tilespmem:s22+$0xB560];
	v21 =	vadd.f32 v22, v21;
	v8 =	vadd.f32 v8, v7  }
0x88: {  	s20 =	simm.s32 $0x100;
	v18 =	vld [tilespmem:s22+$0xB4E0];
	v10 =	vadd.f32 v9, v6;
	v11 =	vadd.f32 v11, v4  }
0x89: {  	v16 =	vld [tilespmem:s20+$0xB4F0];
	s22 =	simm.s32 $0x800;
	v15 =	vmovc v2;
	v14 =	vmovc v1;
	v9 =	vadd.f32 v12, v5;
	v12 =	vadd.f32 v13, v3;
	v13 =	vmov v0  }
.LBB2_5:
0x8a: {  	p0 =	sne.s32 s22, $0xC400;
	v22 =	vld [tilespmem:s20+$0xB570]  }
0x8b: {  	v23 =	vld [tilespmem:s20+$0xB480];
	v15 =	vadd.f32 v21, v15;
	v17 =	vadd.f32 v19, v17  }
0x8c: {  	v19 =	vld [tilespmem:s20+$0xB500]  }
0x8d: {  	v21 =	vld [tilespmem:s20+$0xB490];
	v14 =	vadd.f32 v17, v14;
	v17 =	vadd.f32 v20, v18  }
0x8e: {  	v18 =	vld [tilespmem:s20+$0xB510]  }
0x8f: {  	v20 =	vld [tilespmem:s20+$0xB4A0];
	v16 =	vadd.f32 v22, v16;
	v13 =	vadd.f32 v17, v13  }
0x90: {  	v17 =	vld [tilespmem:s20+$0xB520]  }
0x91: {  	v19 =	vadd.f32 v19, v23;
	v22 =	vld [tilespmem:s20+$0xB4B0];
	v8 =	vadd.f32 v16, v8  }
0x92: {  	v16 =	vld [tilespmem:s20+$0xB530]  }
0x93: {  	v10 =	vadd.f32 v19, v10;
	v18 =	vadd.f32 v18, v21;
	v21 =	vld [tilespmem:s20+$0xB4C0]  }
0x94: {  	v23 =	vld [tilespmem:s20+$0xB540]  }
.Ltmp1:
0x95: {  	v11 =	vadd.f32 v18, v11;
	v18 =	vadd.f32 v17, v20;
	v17 =	vld [tilespmem:s20+$0xB4D0];
	(pc) =	sbr.rel @p0 .LBB2_5-.Ltmp1, $4  }
0x96: {  	v19 =	vld [tilespmem:s20+$0xB550]  }
0x97: {  	v9 =	vadd.f32 v18, v9;
	v22 =	vadd.f32 v16, v22;
	v18 =	vld [tilespmem:s20+$0xB4E0]  }
0x98: {  	v20 =	vld [tilespmem:s20+$0xB560];
	s20 =	sshra.s32 s22, $0x2  }
0x99: {  	s22 =	sadd.s32 $0x400, s22;
	v16 =	vld [tilespmem:s20+$0xB4F0];
	v12 =	vadd.f32 v22, v12;
	v21 =	vadd.f32 v23, v21  }
0x9a: {  	v22 =	vld [tilespmem:s20+$0xB480]  }
0x9b: {  	v23 =	vld [tilespmem:s20+$0xB500]  }
0x9c: {  	v24 =	vld [tilespmem:s20+$0xB490]  }
0x9d: {  	v25 =	vld [tilespmem:s20+$0xB510]  }
0x9e: {  	v26 =	vld [tilespmem:s20+$0xB4A0]  }
0x9f: {  	v27 =	vld [tilespmem:s20+$0xB520]  }
0xa0: {  	v28 =	vld [tilespmem:s20+$0xB4B0]  }
0xa1: {  	v29 =	vld [tilespmem:s20+$0xB530]  }
0xa2: {  	v30 =	vld [tilespmem:s20+$0xB4C0]  }
0xa3: {  	v31 =	vld [tilespmem:s20+$0xB540]  }
0xa4: {  	v17 =	vadd.f32 v19, v17;
	v19 =	vld [tilespmem:s20+$0xB4D0]  }
0xa5: {  	v15 =	vadd.f32 v21, v15;
	v21 =	vld [tilespmem:s20+$0xB4E0];
	v18 =	vadd.f32 v20, v18  }
0xa6: {  	v20 =	vld [tilespmem:s20+$0xB550];
	v14 =	vadd.f32 v17, v14;
	v17 =	vadd.f32 v23, v22  }
0xa7: {  	v13 =	vadd.f32 v18, v13;
	v18 =	vadd.f32 v25, v24;
	v22 =	vld [tilespmem:s20+$0xB560]  }
0xa8: {  	v23 =	vld [tilespmem:s20+$0xB570];
	v10 =	vadd.f32 v17, v10;
	v17 =	vadd.f32 v27, v26  }
0xa9: {  	v11 =	vadd.f32 v18, v11;
	v18 =	vadd.f32 v29, v28  }
0xaa: {  	v9 =	vadd.f32 v17, v9;
	v17 =	vadd.f32 v31, v30;
	[tilespmem:s18+$0x4100] =	vst v10  }
0xab: {  	v10 =	vadd.f32 v18, v12;
	v12 =	vadd.f32 v20, v19;
	[tilespmem:s18+$0x4110] =	vst v11  }
0xac: {  	v11 =	vadd.f32 v17, v15;
	v15 =	vadd.f32 v22, v21;
	[tilespmem:s18+$0x4120] =	vst v9  }
0xad: {  	v9 =	vadd.f32 v23, v16;
	v12 =	vadd.f32 v12, v14;
	[tilespmem:s18+$0x4130] =	vst v10  }
0xae: {  	v10 =	vadd.f32 v15, v13;
	[tilespmem:s18+$0x4140] =	vst v11  }
0xaf: {  	v8 =	vadd.f32 v9, v8;
	[tilespmem:s18+$0x4150] =	vst v12  }
0xb0: {  	[tilespmem:s18+$0x4160] =	vst v10  }
0xb1: {  	s22 =	sadd.s32 $0x280, s18;
	[tilespmem:s18+$0x4170] =	vst v8  }
0xb2: {  	[tilespmem:s15], [sflag:$0x2] =	stream.indirect.gather [hbm4b:s2+s10], $0x80, s22, s10, $0xb8;
	[tilespmem:$0x15080] =	vst v63  }
0xb3: {  	s22 =	sadd.s32 $0x2C0, s18  }
0xb4: {  	[tilespmem:s17], [sflag:$0x6] =	stream.indirect.gather [hbm4b:s2+s12], $0x80, s22, s12, $0xb8;
	[tilespmem:$0x15080] =	vst v63  }
0xb5: {  	_ =	swait.ge [sflag:s31], $0x2000  }
0xb6: {  	[sflag:s31] =	ssyncset.done $0x0  }
0xb7: {  	[sflag:s31] =	ssyncadd.s32 $0xFFFFE000  }
0xb8: {  	_ =	swait.ge [sflag:s0], $0x1200  }
0xb9: {  	[sflag:s0] =	ssyncset.done $0x0  }
0xba: {  	s22 =	simm.s32 $0x0;
	[sflag:s0] =	ssyncadd.s32 $0xFFFFEE00  }
0xbb: {  	v8 =	vld [tilespmem:s22+$0xE8F0]  }
0xbc: {  	v9 =	vld [tilespmem:s22+$0xE970]  }
0xbd: {  	v10 =	vld [tilespmem:s22+$0xE880]  }
0xbe: {  	v11 =	vld [tilespmem:s22+$0xE900]  }
0xbf: {  	v12 =	vld [tilespmem:s22+$0xE890]  }
0xc0: {  	v13 =	vld [tilespmem:s22+$0xE910]  }
0xc1: {  	v14 =	vld [tilespmem:s22+$0xE8A0]  }
0xc2: {  	v15 =	vld [tilespmem:s22+$0xE920]  }
0xc3: {  	v16 =	vld [tilespmem:s22+$0xE8B0]  }
0xc4: {  	v18 =	vld [tilespmem:s22+$0xE930]  }
0xc5: {  	v21 =	vld [tilespmem:s22+$0xE8C0]  }
0xc6: {  	v22 =	vld [tilespmem:s22+$0xE940];
	_ =	sdelay $0x1  }
0xc7: {  	v8 =	vadd.f32 v9, v8;
	v9 =	vadd.f32 v11, v10  }
0xc8: {  	v17 =	vld [tilespmem:s22+$0xE8D0];
	v11 =	vadd.f32 v13, v12;
	v13 =	vadd.f32 v18, v16  }
0xc9: {  	v19 =	vld [tilespmem:s22+$0xE950];
	v12 =	vadd.f32 v15, v14  }
0xca: {  	v20 =	vld [tilespmem:s22+$0xE960];
	v21 =	vadd.f32 v22, v21;
	v8 =	vadd.f32 v8, v7  }
0xcb: {  	s20 =	simm.s32 $0x100;
	v18 =	vld [tilespmem:s22+$0xE8E0];
	v10 =	vadd.f32 v9, v6;
	v11 =	vadd.f32 v11, v4  }
0xcc: {  	v16 =	vld [tilespmem:s20+$0xE8F0];
	s22 =	simm.s32 $0x800;
	v15 =	vmovc v2;
	v14 =	vmovc v1;
	v9 =	vadd.f32 v12, v5;
	v12 =	vadd.f32 v13, v3;
	v13 =	vmov v0  }
.LBB2_7:
0xcd: {  	p0 =	sne.s32 s22, $0xC400;
	v22 =	vld [tilespmem:s20+$0xE970]  }
0xce: {  	v23 =	vld [tilespmem:s20+$0xE880];
	v15 =	vadd.f32 v21, v15;
	v17 =	vadd.f32 v19, v17  }
0xcf: {  	v19 =	vld [tilespmem:s20+$0xE900]  }
0xd0: {  	v21 =	vld [tilespmem:s20+$0xE890];
	v14 =	vadd.f32 v17, v14;
	v17 =	vadd.f32 v20, v18  }
0xd1: {  	v18 =	vld [tilespmem:s20+$0xE910]  }
0xd2: {  	v20 =	vld [tilespmem:s20+$0xE8A0];
	v16 =	vadd.f32 v22, v16;
	v13 =	vadd.f32 v17, v13  }
0xd3: {  	v17 =	vld [tilespmem:s20+$0xE920]  }
0xd4: {  	v19 =	vadd.f32 v19, v23;
	v22 =	vld [tilespmem:s20+$0xE8B0];
	v8 =	vadd.f32 v16, v8  }
0xd5: {  	v16 =	vld [tilespmem:s20+$0xE930]  }
0xd6: {  	v10 =	vadd.f32 v19, v10;
	v18 =	vadd.f32 v18, v21;
	v21 =	vld [tilespmem:s20+$0xE8C0]  }
0xd7: {  	v23 =	vld [tilespmem:s20+$0xE940]  }
.Ltmp2:
0xd8: {  	v11 =	vadd.f32 v18, v11;
	v18 =	vadd.f32 v17, v20;
	v17 =	vld [tilespmem:s20+$0xE8D0];
	(pc) =	sbr.rel @p0 .LBB2_7-.Ltmp2, $4  }
0xd9: {  	v19 =	vld [tilespmem:s20+$0xE950]  }
0xda: {  	v9 =	vadd.f32 v18, v9;
	v22 =	vadd.f32 v16, v22;
	v18 =	vld [tilespmem:s20+$0xE8E0]  }
0xdb: {  	v20 =	vld [tilespmem:s20+$0xE960];
	s20 =	sshra.s32 s22, $0x2  }
0xdc: {  	s22 =	sadd.s32 $0x400, s22;
	v16 =	vld [tilespmem:s20+$0xE8F0];
	v12 =	vadd.f32 v22, v12;
	v21 =	vadd.f32 v23, v21  }
0xdd: {  	v22 =	vld [tilespmem:s20+$0xE880]  }
0xde: {  	v23 =	vld [tilespmem:s20+$0xE900]  }
0xdf: {  	v24 =	vld [tilespmem:s20+$0xE890]  }
0xe0: {  	v25 =	vld [tilespmem:s20+$0xE910]  }
0xe1: {  	v26 =	vld [tilespmem:s20+$0xE8A0]  }
0xe2: {  	v27 =	vld [tilespmem:s20+$0xE920]  }
0xe3: {  	v28 =	vld [tilespmem:s20+$0xE8B0]  }
0xe4: {  	v29 =	vld [tilespmem:s20+$0xE930]  }
0xe5: {  	v30 =	vld [tilespmem:s20+$0xE8C0]  }
0xe6: {  	v31 =	vld [tilespmem:s20+$0xE940]  }
0xe7: {  	v17 =	vadd.f32 v19, v17;
	v19 =	vld [tilespmem:s20+$0xE8D0]  }
0xe8: {  	v15 =	vadd.f32 v21, v15;
	v21 =	vld [tilespmem:s20+$0xE8E0];
	v18 =	vadd.f32 v20, v18  }
0xe9: {  	v20 =	vld [tilespmem:s20+$0xE950];
	v14 =	vadd.f32 v17, v14;
	v17 =	vadd.f32 v23, v22  }
0xea: {  	v13 =	vadd.f32 v18, v13;
	v18 =	vadd.f32 v25, v24;
	v22 =	vld [tilespmem:s20+$0xE960]  }
0xeb: {  	v23 =	vld [tilespmem:s20+$0xE970];
	v10 =	vadd.f32 v17, v10;
	v17 =	vadd.f32 v27, v26  }
0xec: {  	v11 =	vadd.f32 v18, v11;
	v18 =	vadd.f32 v29, v28  }
0xed: {  	v9 =	vadd.f32 v17, v9;
	v17 =	vadd.f32 v31, v30;
	[tilespmem:s18+$0x4180] =	vst v10  }
0xee: {  	v10 =	vadd.f32 v18, v12;
	v12 =	vadd.f32 v20, v19;
	[tilespmem:s18+$0x4190] =	vst v11  }
0xef: {  	v11 =	vadd.f32 v17, v15;
	v15 =	vadd.f32 v22, v21;
	[tilespmem:s18+$0x41A0] =	vst v9  }
0xf0: {  	v9 =	vadd.f32 v23, v16;
	v12 =	vadd.f32 v12, v14;
	[tilespmem:s18+$0x41B0] =	vst v10  }
0xf1: {  	v10 =	vadd.f32 v15, v13;
	[tilespmem:s18+$0x41C0] =	vst v11  }
0xf2: {  	v8 =	vadd.f32 v9, v8;
	[tilespmem:s18+$0x41D0] =	vst v12  }
0xf3: {  	[tilespmem:s18+$0x41E0] =	vst v10  }
0xf4: {  	s22 =	sadd.s32 $0x300, s18;
	[tilespmem:s18+$0x41F0] =	vst v8  }
0xf5: {  	[tilespmem:s19], [sflag:$0x3] =	stream.indirect.gather [hbm4b:s2+s10], $0x80, s22, s10, $0xb8;
	[tilespmem:$0x15080] =	vst v63  }
0xf6: {  	s22 =	sadd.s32 $0x340, s18  }
0xf7: {  	[tilespmem:s21], [sflag:$0x7] =	stream.indirect.gather [hbm4b:s2+s12], $0x80, s22, s12, $0xb8;
	[tilespmem:$0x15080] =	vst v63  }
0xf8: {  	_ =	swait.ge [sflag:s1], $0x2000  }
0xf9: {  	[sflag:s1] =	ssyncset.done $0x0  }
0xfa: {  	[sflag:s1] =	ssyncadd.s32 $0xFFFFE000  }
0xfb: {  	_ =	swait.ge [sflag:s3], $0x1200  }
0xfc: {  	[sflag:s3] =	ssyncset.done $0x0  }
0xfd: {  	s22 =	simm.s32 $0x0;
	[sflag:s3] =	ssyncadd.s32 $0xFFFFEE00  }
0xfe: {  	v8 =	vld [tilespmem:s22+$0x11CF0]  }
0xff: {  	v9 =	vld [tilespmem:s22+$0x11D70]  }
0x100: {  	v10 =	vld [tilespmem:s22+$0x11C80]  }
0x101: {  	v11 =	vld [tilespmem:s22+$0x11D00]  }
0x102: {  	v12 =	vld [tilespmem:s22+$0x11C90]  }
0x103: {  	v13 =	vld [tilespmem:s22+$0x11D10]  }
0x104: {  	v14 =	vld [tilespmem:s22+$0x11CA0]  }
0x105: {  	v15 =	vld [tilespmem:s22+$0x11D20]  }
0x106: {  	v16 =	vld [tilespmem:s22+$0x11CB0]  }
0x107: {  	v18 =	vld [tilespmem:s22+$0x11D30]  }
0x108: {  	v21 =	vld [tilespmem:s22+$0x11CC0]  }
0x109: {  	v22 =	vld [tilespmem:s22+$0x11D40];
	_ =	sdelay $0x1  }
0x10a: {  	v8 =	vadd.f32 v9, v8;
	v9 =	vadd.f32 v11, v10  }
0x10b: {  	v17 =	vld [tilespmem:s22+$0x11CD0];
	v11 =	vadd.f32 v13, v12;
	v13 =	vadd.f32 v18, v16  }
0x10c: {  	v19 =	vld [tilespmem:s22+$0x11D50];
	v12 =	vadd.f32 v15, v14  }
0x10d: {  	v20 =	vld [tilespmem:s22+$0x11D60];
	v21 =	vadd.f32 v22, v21;
	v8 =	vadd.f32 v8, v7  }
0x10e: {  	s20 =	simm.s32 $0x100;
	v18 =	vld [tilespmem:s22+$0x11CE0];
	v10 =	vadd.f32 v9, v6;
	v11 =	vadd.f32 v11, v4  }
0x10f: {  	v16 =	vld [tilespmem:s20+$0x11CF0];
	s22 =	simm.s32 $0x800;
	v15 =	vmovc v2;
	v14 =	vmovc v1;
	v9 =	vadd.f32 v12, v5;
	v12 =	vadd.f32 v13, v3;
	v13 =	vmov v0  }
.LBB2_9:
0x110: {  	p0 =	sne.s32 s22, $0xC400;
	v22 =	vld [tilespmem:s20+$0x11D70]  }
0x111: {  	v23 =	vld [tilespmem:s20+$0x11C80];
	v15 =	vadd.f32 v21, v15;
	v17 =	vadd.f32 v19, v17  }
0x112: {  	v19 =	vld [tilespmem:s20+$0x11D00]  }
0x113: {  	v21 =	vld [tilespmem:s20+$0x11C90];
	v14 =	vadd.f32 v17, v14;
	v17 =	vadd.f32 v20, v18  }
0x114: {  	v18 =	vld [tilespmem:s20+$0x11D10]  }
0x115: {  	v20 =	vld [tilespmem:s20+$0x11CA0];
	v16 =	vadd.f32 v22, v16;
	v13 =	vadd.f32 v17, v13  }
0x116: {  	v17 =	vld [tilespmem:s20+$0x11D20]  }
0x117: {  	v19 =	vadd.f32 v19, v23;
	v22 =	vld [tilespmem:s20+$0x11CB0];
	v8 =	vadd.f32 v16, v8  }
0x118: {  	v16 =	vld [tilespmem:s20+$0x11D30]  }
0x119: {  	v10 =	vadd.f32 v19, v10;
	v18 =	vadd.f32 v18, v21;
	v21 =	vld [tilespmem:s20+$0x11CC0]  }
0x11a: {  	v23 =	vld [tilespmem:s20+$0x11D40]  }
.Ltmp3:
0x11b: {  	v11 =	vadd.f32 v18, v11;
	v18 =	vadd.f32 v17, v20;
	v17 =	vld [tilespmem:s20+$0x11CD0];
	(pc) =	sbr.rel @p0 .LBB2_9-.Ltmp3, $4  }
0x11c: {  	v19 =	vld [tilespmem:s20+$0x11D50]  }
0x11d: {  	v9 =	vadd.f32 v18, v9;
	v22 =	vadd.f32 v16, v22;
	v18 =	vld [tilespmem:s20+$0x11CE0]  }
0x11e: {  	v20 =	vld [tilespmem:s20+$0x11D60];
	s20 =	sshra.s32 s22, $0x2  }
0x11f: {  	s22 =	sadd.s32 $0x400, s22;
	v16 =	vld [tilespmem:s20+$0x11CF0];
	v12 =	vadd.f32 v22, v12;
	v21 =	vadd.f32 v23, v21  }
0x120: {  	v22 =	vld [tilespmem:s20+$0x11C80]  }
0x121: {  	v23 =	vld [tilespmem:s20+$0x11D00]  }
0x122: {  	v24 =	vld [tilespmem:s20+$0x11C90]  }
0x123: {  	v25 =	vld [tilespmem:s20+$0x11D10]  }
0x124: {  	v26 =	vld [tilespmem:s20+$0x11CA0]  }
0x125: {  	v27 =	vld [tilespmem:s20+$0x11D20]  }
0x126: {  	v28 =	vld [tilespmem:s20+$0x11CB0]  }
0x127: {  	v29 =	vld [tilespmem:s20+$0x11D30]  }
0x128: {  	v30 =	vld [tilespmem:s20+$0x11CC0]  }
0x129: {  	v31 =	vld [tilespmem:s20+$0x11D40]  }
0x12a: {  	v48 =	vld [tilespmem:s20+$0x11CD0];
	v17 =	vadd.f32 v19, v17  }
0x12b: {  	v49 =	vld [tilespmem:s20+$0x11D50];
	v15 =	vadd.f32 v21, v15;
	v18 =	vadd.f32 v20, v18  }
0x12c: {  	v51 =	vld [tilespmem:s20+$0x11CE0];
	v14 =	vadd.f32 v17, v14;
	v50 =	vadd.f32 v23, v22  }
0x12d: {  	v53 =	vld [tilespmem:s20+$0x11D60];
	v13 =	vadd.f32 v18, v13;
	v52 =	vadd.f32 v25, v24  }
0x12e: {  	v55 =	vld [tilespmem:s20+$0x11D70];
	v54 =	vadd.f32 v27, v26;
	v10 =	vadd.f32 v50, v10  }
0x12f: {  	v56 =	vadd.f32 v29, v28;
	v11 =	vadd.f32 v52, v11  }
0x130: {  	v57 =	vadd.f32 v31, v30;
	v9 =	vadd.f32 v54, v9;
	[tilespmem:s18+$0x4200] =	vst v10  }
0x131: {  	v59 =	vadd.f32 v49, v48;
	v58 =	vadd.f32 v56, v12;
	[tilespmem:s18+$0x4210] =	vst v11  }
0x132: {  	v61 =	vadd.f32 v53, v51;
	v60 =	vadd.f32 v57, v15;
	[tilespmem:s18+$0x4220] =	vst v9  }
0x133: {  	v62 =	vadd.f32 v55, v16;
	v12 =	vadd.f32 v59, v14;
	[tilespmem:s18+$0x4230] =	vst v58  }
0x134: {  	s16 =	sadd.s32 $0x1, s16;
	v63 =	vadd.f32 v61, v13;
	[tilespmem:s18+$0x4240] =	vst v60  }
0x135: {  	p0 =	sne.s32 s16, $0x1F;
	v8 =	vadd.f32 v62, v8;
	[tilespmem:s18+$0x4250] =	vst v12  }
.Ltmp4:
0x136: {  	[tilespmem:s18+$0x4260] =	vst v63;
	(pc) =	sbr.rel @p0 .LBB2_2-.Ltmp4, $4  }
0x137: {  	s22 =	sadd.s32 $0x380, s18;
	[tilespmem:s18+$0x4270] =	vst v8  }
0x138: {  	[tilespmem:s23], [sflag:$0x4] =	stream.indirect.gather [hbm4b:s2+s10], $0x80, s22, s10, $0xb8;
	[tilespmem:$0x15080] =	vst v63  }
0x139: {  	s22 =	sadd.s32 $0x3C0, s18  }
0x13a: {  	[tilespmem:s25], [sflag:$0x8] =	stream.indirect.gather [hbm4b:s2+s12], $0x80, s22, s12, $0xb8;
	[tilespmem:$0x15080] =	vst v63  }
0x13b: {  	_ =	swait.ge [sflag:s26], $0x2000  }
0x13c: {  	[sflag:s26] =	ssyncset.done $0x0  }
0x13d: {  	[sflag:s26] =	ssyncadd.s32 $0xFFFFE000  }
0x13e: {  	_ =	swait.ge [sflag:s28], $0x1200  }
0x13f: {  	[sflag:s28] =	ssyncset.done $0x0  }
0x140: {  	s18 =	simm.s32 $0x0;
	[sflag:s28] =	ssyncadd.s32 $0xFFFFEE00  }
0x141: {  	v8 =	vld [tilespmem:s18+$0x80F0]  }
0x142: {  	v9 =	vld [tilespmem:s18+$0x8170]  }
0x143: {  	v10 =	vld [tilespmem:s18+$0x8080]  }
0x144: {  	v11 =	vld [tilespmem:s18+$0x8100]  }
0x145: {  	v12 =	vld [tilespmem:s18+$0x8090]  }
0x146: {  	v13 =	vld [tilespmem:s18+$0x8110]  }
0x147: {  	v14 =	vld [tilespmem:s18+$0x80A0]  }
0x148: {  	v15 =	vld [tilespmem:s18+$0x8120]  }
0x149: {  	v16 =	vld [tilespmem:s18+$0x80B0]  }
0x14a: {  	v18 =	vld [tilespmem:s18+$0x8130]  }
0x14b: {  	v21 =	vld [tilespmem:s18+$0x80C0]  }
0x14c: {  	v22 =	vld [tilespmem:s18+$0x8140];
	_ =	sdelay $0x1  }
0x14d: {  	v8 =	vadd.f32 v9, v8;
	v9 =	vadd.f32 v11, v10  }
0x14e: {  	v17 =	vld [tilespmem:s18+$0x80D0];
	v11 =	vadd.f32 v13, v12;
	v13 =	vadd.f32 v18, v16  }
0x14f: {  	v19 =	vld [tilespmem:s18+$0x8150];
	v12 =	vadd.f32 v15, v14  }
0x150: {  	v20 =	vld [tilespmem:s18+$0x8160];
	v21 =	vadd.f32 v22, v21;
	v8 =	vadd.f32 v8, v7  }
0x151: {  	s16 =	simm.s32 $0x100;
	v18 =	vld [tilespmem:s18+$0x80E0];
	v10 =	vadd.f32 v9, v6;
	v11 =	vadd.f32 v11, v4  }
0x152: {  	v16 =	vld [tilespmem:s16+$0x80F0];
	s18 =	simm.s32 $0x800;
	v15 =	vmovc v2;
	v14 =	vmovc v1;
	v9 =	vadd.f32 v12, v5;
	v12 =	vadd.f32 v13, v3;
	v13 =	vmov v0  }
.LBB2_12:
0x153: {  	p0 =	sne.s32 s18, $0xC400;
	v22 =	vld [tilespmem:s16+$0x8170]  }
0x154: {  	v23 =	vld [tilespmem:s16+$0x8080];
	v15 =	vadd.f32 v21, v15;
	v17 =	vadd.f32 v19, v17  }
0x155: {  	v19 =	vld [tilespmem:s16+$0x8100]  }
0x156: {  	v21 =	vld [tilespmem:s16+$0x8090];
	v14 =	vadd.f32 v17, v14;
	v17 =	vadd.f32 v20, v18  }
0x157: {  	v18 =	vld [tilespmem:s16+$0x8110]  }
0x158: {  	v20 =	vld [tilespmem:s16+$0x80A0];
	v16 =	vadd.f32 v22, v16;
	v13 =	vadd.f32 v17, v13  }
0x159: {  	v17 =	vld [tilespmem:s16+$0x8120]  }
0x15a: {  	v19 =	vadd.f32 v19, v23;
	v22 =	vld [tilespmem:s16+$0x80B0];
	v8 =	vadd.f32 v16, v8  }
0x15b: {  	v16 =	vld [tilespmem:s16+$0x8130]  }
0x15c: {  	v10 =	vadd.f32 v19, v10;
	v18 =	vadd.f32 v18, v21;
	v21 =	vld [tilespmem:s16+$0x80C0]  }
0x15d: {  	v23 =	vld [tilespmem:s16+$0x8140]  }
.Ltmp5:
0x15e: {  	v11 =	vadd.f32 v18, v11;
	v18 =	vadd.f32 v17, v20;
	v17 =	vld [tilespmem:s16+$0x80D0];
	(pc) =	sbr.rel @p0 .LBB2_12-.Ltmp5, $4  }
0x15f: {  	v19 =	vld [tilespmem:s16+$0x8150]  }
0x160: {  	v9 =	vadd.f32 v18, v9;
	v22 =	vadd.f32 v16, v22;
	v18 =	vld [tilespmem:s16+$0x80E0]  }
0x161: {  	v20 =	vld [tilespmem:s16+$0x8160];
	s16 =	sshra.s32 s18, $0x2  }
0x162: {  	s18 =	sadd.s32 $0x400, s18;
	v16 =	vld [tilespmem:s16+$0x80F0];
	v12 =	vadd.f32 v22, v12;
	v21 =	vadd.f32 v23, v21  }
0x163: {  	v22 =	vld [tilespmem:s16+$0x8080]  }
0x164: {  	v23 =	vld [tilespmem:s16+$0x8100]  }
0x165: {  	v24 =	vld [tilespmem:s16+$0x8090]  }
0x166: {  	v25 =	vld [tilespmem:s16+$0x8110]  }
0x167: {  	v26 =	vld [tilespmem:s16+$0x80A0]  }
0x168: {  	v27 =	vld [tilespmem:s16+$0x8120]  }
0x169: {  	v28 =	vld [tilespmem:s16+$0x80B0]  }
0x16a: {  	v29 =	vld [tilespmem:s16+$0x8130]  }
0x16b: {  	v30 =	vld [tilespmem:s16+$0x80C0]  }
0x16c: {  	v31 =	vld [tilespmem:s16+$0x8140]  }
0x16d: {  	v17 =	vadd.f32 v19, v17;
	v19 =	vld [tilespmem:s16+$0x80D0]  }
0x16e: {  	v15 =	vadd.f32 v21, v15;
	v21 =	vld [tilespmem:s16+$0x80E0];
	v18 =	vadd.f32 v20, v18  }
0x16f: {  	v20 =	vld [tilespmem:s16+$0x8150];
	v14 =	vadd.f32 v17, v14;
	v17 =	vadd.f32 v23, v22  }
0x170: {  	v13 =	vadd.f32 v18, v13;
	v18 =	vadd.f32 v25, v24;
	v22 =	vld [tilespmem:s16+$0x8160]  }
0x171: {  	v23 =	vld [tilespmem:s16+$0x8170];
	v10 =	vadd.f32 v17, v10;
	v17 =	vadd.f32 v27, v26  }
0x172: {  	v11 =	vadd.f32 v18, v11;
	v18 =	vadd.f32 v29, v28  }
0x173: {  	v9 =	vadd.f32 v17, v9;
	v17 =	vadd.f32 v31, v30;
	[tilespmem:$0x7E80] =	vst v10  }
0x174: {  	v10 =	vadd.f32 v18, v12;
	v12 =	vadd.f32 v20, v19;
	[tilespmem:$0x7E90] =	vst v11  }
0x175: {  	v11 =	vadd.f32 v17, v15;
	v15 =	vadd.f32 v22, v21;
	[tilespmem:$0x7EA0] =	vst v9  }
0x176: {  	v9 =	vadd.f32 v23, v16;
	v12 =	vadd.f32 v12, v14;
	[tilespmem:$0x7EB0] =	vst v10  }
0x177: {  	v10 =	vadd.f32 v15, v13;
	[tilespmem:$0x7EC0] =	vst v11  }
0x178: {  	v8 =	vadd.f32 v9, v8;
	[tilespmem:$0x7ED0] =	vst v12  }
0x179: {  	[tilespmem:$0x7EE0] =	vst v10  }
0x17a: {  	[tilespmem:$0x7EF0] =	vst v8  }
0x17b: {  	_ =	swait.ge [sflag:s29], $0x2000  }
0x17c: {  	[sflag:s29] =	ssyncset.done $0x0  }
0x17d: {  	[sflag:s29] =	ssyncadd.s32 $0xFFFFE000  }
0x17e: {  	_ =	swait.ge [sflag:s30], $0x1200  }
0x17f: {  	[sflag:s30] =	ssyncset.done $0x0  }
0x180: {  	s18 =	simm.s32 $0x0;
	[sflag:s30] =	ssyncadd.s32 $0xFFFFEE00  }
0x181: {  	v8 =	vld [tilespmem:s18+$0xB4F0]  }
0x182: {  	v9 =	vld [tilespmem:s18+$0xB570]  }
0x183: {  	v10 =	vld [tilespmem:s18+$0xB480]  }
0x184: {  	v11 =	vld [tilespmem:s18+$0xB500]  }
0x185: {  	v12 =	vld [tilespmem:s18+$0xB490]  }
0x186: {  	v13 =	vld [tilespmem:s18+$0xB510]  }
0x187: {  	v14 =	vld [tilespmem:s18+$0xB4A0]  }
0x188: {  	v15 =	vld [tilespmem:s18+$0xB520]  }
0x189: {  	v16 =	vld [tilespmem:s18+$0xB4B0]  }
0x18a: {  	v18 =	vld [tilespmem:s18+$0xB530]  }
0x18b: {  	v21 =	vld [tilespmem:s18+$0xB4C0]  }
0x18c: {  	v22 =	vld [tilespmem:s18+$0xB540];
	_ =	sdelay $0x1  }
0x18d: {  	v8 =	vadd.f32 v9, v8;
	v9 =	vadd.f32 v11, v10  }
0x18e: {  	v17 =	vld [tilespmem:s18+$0xB4D0];
	v11 =	vadd.f32 v13, v12;
	v13 =	vadd.f32 v18, v16  }
0x18f: {  	v19 =	vld [tilespmem:s18+$0xB550];
	v12 =	vadd.f32 v15, v14  }
0x190: {  	v20 =	vld [tilespmem:s18+$0xB560];
	v21 =	vadd.f32 v22, v21;
	v8 =	vadd.f32 v8, v7  }
0x191: {  	s16 =	simm.s32 $0x100;
	v18 =	vld [tilespmem:s18+$0xB4E0];
	v10 =	vadd.f32 v9, v6;
	v11 =	vadd.f32 v11, v4  }
0x192: {  	v16 =	vld [tilespmem:s16+$0xB4F0];
	s18 =	simm.s32 $0x800;
	v15 =	vmovc v2;
	v14 =	vmovc v1;
	v9 =	vadd.f32 v12, v5;
	v12 =	vadd.f32 v13, v3;
	v13 =	vmov v0  }
.LBB2_14:
0x193: {  	p0 =	sne.s32 s18, $0xC400;
	v22 =	vld [tilespmem:s16+$0xB570]  }
0x194: {  	v23 =	vld [tilespmem:s16+$0xB480];
	v15 =	vadd.f32 v21, v15;
	v17 =	vadd.f32 v19, v17  }
0x195: {  	v19 =	vld [tilespmem:s16+$0xB500]  }
0x196: {  	v21 =	vld [tilespmem:s16+$0xB490];
	v14 =	vadd.f32 v17, v14;
	v17 =	vadd.f32 v20, v18  }
0x197: {  	v18 =	vld [tilespmem:s16+$0xB510]  }
0x198: {  	v20 =	vld [tilespmem:s16+$0xB4A0];
	v16 =	vadd.f32 v22, v16;
	v13 =	vadd.f32 v17, v13  }
0x199: {  	v17 =	vld [tilespmem:s16+$0xB520]  }
0x19a: {  	v19 =	vadd.f32 v19, v23;
	v22 =	vld [tilespmem:s16+$0xB4B0];
	v8 =	vadd.f32 v16, v8  }
0x19b: {  	v16 =	vld [tilespmem:s16+$0xB530]  }
0x19c: {  	v10 =	vadd.f32 v19, v10;
	v18 =	vadd.f32 v18, v21;
	v21 =	vld [tilespmem:s16+$0xB4C0]  }
0x19d: {  	v23 =	vld [tilespmem:s16+$0xB540]  }
.Ltmp6:
0x19e: {  	v11 =	vadd.f32 v18, v11;
	v18 =	vadd.f32 v17, v20;
	v17 =	vld [tilespmem:s16+$0xB4D0];
	(pc) =	sbr.rel @p0 .LBB2_14-.Ltmp6, $4  }
0x19f: {  	v19 =	vld [tilespmem:s16+$0xB550]  }
0x1a0: {  	v9 =	vadd.f32 v18, v9;
	v22 =	vadd.f32 v16, v22;
	v18 =	vld [tilespmem:s16+$0xB4E0]  }
0x1a1: {  	v20 =	vld [tilespmem:s16+$0xB560];
	s16 =	sshra.s32 s18, $0x2  }
0x1a2: {  	s18 =	sadd.s32 $0x400, s18;
	v16 =	vld [tilespmem:s16+$0xB4F0];
	v12 =	vadd.f32 v22, v12;
	v21 =	vadd.f32 v23, v21  }
0x1a3: {  	v22 =	vld [tilespmem:s16+$0xB480]  }
0x1a4: {  	v23 =	vld [tilespmem:s16+$0xB500]  }
0x1a5: {  	v24 =	vld [tilespmem:s16+$0xB490]  }
0x1a6: {  	v25 =	vld [tilespmem:s16+$0xB510]  }
0x1a7: {  	v26 =	vld [tilespmem:s16+$0xB4A0]  }
0x1a8: {  	v27 =	vld [tilespmem:s16+$0xB520]  }
0x1a9: {  	v28 =	vld [tilespmem:s16+$0xB4B0]  }
0x1aa: {  	v29 =	vld [tilespmem:s16+$0xB530]  }
0x1ab: {  	v30 =	vld [tilespmem:s16+$0xB4C0]  }
0x1ac: {  	v31 =	vld [tilespmem:s16+$0xB540]  }
0x1ad: {  	v17 =	vadd.f32 v19, v17;
	v19 =	vld [tilespmem:s16+$0xB4D0]  }
0x1ae: {  	v15 =	vadd.f32 v21, v15;
	v21 =	vld [tilespmem:s16+$0xB4E0];
	v18 =	vadd.f32 v20, v18  }
0x1af: {  	v20 =	vld [tilespmem:s16+$0xB550];
	v14 =	vadd.f32 v17, v14;
	v17 =	vadd.f32 v23, v22  }
0x1b0: {  	v13 =	vadd.f32 v18, v13;
	v18 =	vadd.f32 v25, v24;
	v22 =	vld [tilespmem:s16+$0xB560]  }
0x1b1: {  	v23 =	vld [tilespmem:s16+$0xB570];
	v10 =	vadd.f32 v17, v10;
	v17 =	vadd.f32 v27, v26  }
0x1b2: {  	v11 =	vadd.f32 v18, v11;
	v18 =	vadd.f32 v29, v28  }
0x1b3: {  	v9 =	vadd.f32 v17, v9;
	v17 =	vadd.f32 v31, v30;
	[tilespmem:$0x7F00] =	vst v10  }
0x1b4: {  	v10 =	vadd.f32 v18, v12;
	v12 =	vadd.f32 v20, v19;
	[tilespmem:$0x7F10] =	vst v11  }
0x1b5: {  	v11 =	vadd.f32 v17, v15;
	v15 =	vadd.f32 v22, v21;
	[tilespmem:$0x7F20] =	vst v9  }
0x1b6: {  	v9 =	vadd.f32 v23, v16;
	v12 =	vadd.f32 v12, v14;
	[tilespmem:$0x7F30] =	vst v10  }
0x1b7: {  	v10 =	vadd.f32 v15, v13;
	[tilespmem:$0x7F40] =	vst v11  }
0x1b8: {  	v8 =	vadd.f32 v9, v8;
	[tilespmem:$0x7F50] =	vst v12  }
0x1b9: {  	[tilespmem:$0x7F60] =	vst v10  }
0x1ba: {  	[tilespmem:$0x7F70] =	vst v8  }
0x1bb: {  	_ =	swait.ge [sflag:s31], $0x2000  }
0x1bc: {  	[sflag:s31] =	ssyncset.done $0x0  }
0x1bd: {  	[sflag:s31] =	ssyncadd.s32 $0xFFFFE000  }
0x1be: {  	_ =	swait.ge [sflag:s0], $0x1200  }
0x1bf: {  	[sflag:s0] =	ssyncset.done $0x0  }
0x1c0: {  	s18 =	simm.s32 $0x0;
	[sflag:s0] =	ssyncadd.s32 $0xFFFFEE00  }
0x1c1: {  	v8 =	vld [tilespmem:s18+$0xE8F0]  }
0x1c2: {  	v9 =	vld [tilespmem:s18+$0xE970]  }
0x1c3: {  	v10 =	vld [tilespmem:s18+$0xE880]  }
0x1c4: {  	v11 =	vld [tilespmem:s18+$0xE900]  }
0x1c5: {  	v12 =	vld [tilespmem:s18+$0xE890]  }
0x1c6: {  	v13 =	vld [tilespmem:s18+$0xE910]  }
0x1c7: {  	v14 =	vld [tilespmem:s18+$0xE8A0]  }
0x1c8: {  	v15 =	vld [tilespmem:s18+$0xE920]  }
0x1c9: {  	v16 =	vld [tilespmem:s18+$0xE8B0]  }
0x1ca: {  	v18 =	vld [tilespmem:s18+$0xE930]  }
0x1cb: {  	v21 =	vld [tilespmem:s18+$0xE8C0]  }
0x1cc: {  	v22 =	vld [tilespmem:s18+$0xE940];
	_ =	sdelay $0x1  }
0x1cd: {  	v8 =	vadd.f32 v9, v8;
	v9 =	vadd.f32 v11, v10  }
0x1ce: {  	v17 =	vld [tilespmem:s18+$0xE8D0];
	v11 =	vadd.f32 v13, v12;
	v13 =	vadd.f32 v18, v16  }
0x1cf: {  	v19 =	vld [tilespmem:s18+$0xE950];
	v12 =	vadd.f32 v15, v14  }
0x1d0: {  	v20 =	vld [tilespmem:s18+$0xE960];
	v21 =	vadd.f32 v22, v21;
	v8 =	vadd.f32 v8, v7  }
0x1d1: {  	s16 =	simm.s32 $0x100;
	v18 =	vld [tilespmem:s18+$0xE8E0];
	v10 =	vadd.f32 v9, v6;
	v11 =	vadd.f32 v11, v4  }
0x1d2: {  	v16 =	vld [tilespmem:s16+$0xE8F0];
	s18 =	simm.s32 $0x800;
	v15 =	vmovc v2;
	v14 =	vmovc v1;
	v9 =	vadd.f32 v12, v5;
	v12 =	vadd.f32 v13, v3;
	v13 =	vmov v0  }
.LBB2_16:
0x1d3: {  	p0 =	sne.s32 s18, $0xC400;
	v22 =	vld [tilespmem:s16+$0xE970]  }
0x1d4: {  	v23 =	vld [tilespmem:s16+$0xE880];
	v15 =	vadd.f32 v21, v15;
	v17 =	vadd.f32 v19, v17  }
0x1d5: {  	v19 =	vld [tilespmem:s16+$0xE900]  }
0x1d6: {  	v21 =	vld [tilespmem:s16+$0xE890];
	v14 =	vadd.f32 v17, v14;
	v17 =	vadd.f32 v20, v18  }
0x1d7: {  	v18 =	vld [tilespmem:s16+$0xE910]  }
0x1d8: {  	v20 =	vld [tilespmem:s16+$0xE8A0];
	v16 =	vadd.f32 v22, v16;
	v13 =	vadd.f32 v17, v13  }
0x1d9: {  	v17 =	vld [tilespmem:s16+$0xE920]  }
0x1da: {  	v19 =	vadd.f32 v19, v23;
	v22 =	vld [tilespmem:s16+$0xE8B0];
	v8 =	vadd.f32 v16, v8  }
0x1db: {  	v16 =	vld [tilespmem:s16+$0xE930]  }
0x1dc: {  	v10 =	vadd.f32 v19, v10;
	v18 =	vadd.f32 v18, v21;
	v21 =	vld [tilespmem:s16+$0xE8C0]  }
0x1dd: {  	v23 =	vld [tilespmem:s16+$0xE940]  }
.Ltmp7:
0x1de: {  	v11 =	vadd.f32 v18, v11;
	v18 =	vadd.f32 v17, v20;
	v17 =	vld [tilespmem:s16+$0xE8D0];
	(pc) =	sbr.rel @p0 .LBB2_16-.Ltmp7, $4  }
0x1df: {  	v19 =	vld [tilespmem:s16+$0xE950]  }
0x1e0: {  	v9 =	vadd.f32 v18, v9;
	v22 =	vadd.f32 v16, v22;
	v18 =	vld [tilespmem:s16+$0xE8E0]  }
0x1e1: {  	v20 =	vld [tilespmem:s16+$0xE960];
	s16 =	sshra.s32 s18, $0x2  }
0x1e2: {  	s18 =	sadd.s32 $0x400, s18;
	v16 =	vld [tilespmem:s16+$0xE8F0];
	v12 =	vadd.f32 v22, v12;
	v21 =	vadd.f32 v23, v21  }
0x1e3: {  	v22 =	vld [tilespmem:s16+$0xE880]  }
0x1e4: {  	v23 =	vld [tilespmem:s16+$0xE900]  }
0x1e5: {  	v24 =	vld [tilespmem:s16+$0xE890]  }
0x1e6: {  	v25 =	vld [tilespmem:s16+$0xE910]  }
0x1e7: {  	v26 =	vld [tilespmem:s16+$0xE8A0]  }
0x1e8: {  	v27 =	vld [tilespmem:s16+$0xE920]  }
0x1e9: {  	v28 =	vld [tilespmem:s16+$0xE8B0]  }
0x1ea: {  	v29 =	vld [tilespmem:s16+$0xE930]  }
0x1eb: {  	v30 =	vld [tilespmem:s16+$0xE8C0]  }
0x1ec: {  	v31 =	vld [tilespmem:s16+$0xE940]  }
0x1ed: {  	v50 =	vld [tilespmem:s16+$0xE8D0];
	v17 =	vadd.f32 v19, v17  }
0x1ee: {  	v51 =	vld [tilespmem:s16+$0xE950];
	v15 =	vadd.f32 v21, v15;
	v18 =	vadd.f32 v20, v18  }
0x1ef: {  	v53 =	vld [tilespmem:s16+$0xE8E0];
	v14 =	vadd.f32 v17, v14;
	v52 =	vadd.f32 v23, v22  }
0x1f0: {  	v55 =	vld [tilespmem:s16+$0xE960];
	v13 =	vadd.f32 v18, v13;
	v54 =	vadd.f32 v25, v24  }
0x1f1: {  	v57 =	vld [tilespmem:s16+$0xE970];
	v56 =	vadd.f32 v27, v26;
	v10 =	vadd.f32 v52, v10  }
0x1f2: {  	v58 =	vadd.f32 v29, v28;
	v11 =	vadd.f32 v54, v11  }
0x1f3: {  	v59 =	vadd.f32 v31, v30;
	v9 =	vadd.f32 v56, v9;
	[tilespmem:$0x7F80] =	vst v10  }
0x1f4: {  	v10 =	vadd.f32 v58, v12;
	v12 =	vadd.f32 v51, v50;
	[tilespmem:$0x7F90] =	vst v11  }
0x1f5: {  	v11 =	vadd.f32 v59, v15;
	v15 =	vadd.f32 v55, v53;
	[tilespmem:$0x7FA0] =	vst v9  }
0x1f6: {  	v9 =	vadd.f32 v57, v16;
	v12 =	vadd.f32 v12, v14;
	[tilespmem:$0x7FB0] =	vst v10  }
0x1f7: {  	v10 =	vadd.f32 v15, v13;
	[tilespmem:$0x7FC0] =	vst v11  }
0x1f8: {  	v8 =	vadd.f32 v9, v8;
	[tilespmem:$0x7FD0] =	vst v12  }
0x1f9: {  	[tilespmem:$0x7FE0] =	vst v10  }
0x1fa: {  	[tilespmem:$0x7FF0] =	vst v8  }
0x1fb: {  	_ =	swait.ge [sflag:s1], $0x2000  }
0x1fc: {  	[sflag:s1] =	ssyncset.done $0x0  }
0x1fd: {  	[sflag:s1] =	ssyncadd.s32 $0xFFFFE000  }
0x1fe: {  	_ =	swait.ge [sflag:s3], $0x1200  }
0x1ff: {  	[sflag:s3] =	ssyncset.done $0x0  }
0x200: {  	s18 =	simm.s32 $0x0;
	[sflag:s3] =	ssyncadd.s32 $0xFFFFEE00  }
0x201: {  	v8 =	vld [tilespmem:s18+$0x11CF0]  }
0x202: {  	v9 =	vld [tilespmem:s18+$0x11D70]  }
0x203: {  	v10 =	vld [tilespmem:s18+$0x11C80]  }
0x204: {  	v11 =	vld [tilespmem:s18+$0x11D00]  }
0x205: {  	v12 =	vld [tilespmem:s18+$0x11C90]  }
0x206: {  	v13 =	vld [tilespmem:s18+$0x11D10]  }
0x207: {  	v14 =	vld [tilespmem:s18+$0x11CA0]  }
0x208: {  	v15 =	vld [tilespmem:s18+$0x11D20]  }
0x209: {  	v60 =	vld [tilespmem:s18+$0x11CB0]  }
0x20a: {  	v61 =	vld [tilespmem:s18+$0x11D30]  }
0x20b: {  	v62 =	vld [tilespmem:s18+$0x11CC0];
	v8 =	vadd.f32 v9, v8  }
0x20c: {  	v63 =	vld [tilespmem:s18+$0x11D40]  }
0x20d: {  	v10 =	vadd.f32 v11, v10;
	v9 =	vld [tilespmem:s18+$0x11CD0];
	v7 =	vadd.f32 v8, v7  }
0x20e: {  	v11 =	vld [tilespmem:s18+$0x11D50];
	v8 =	vadd.f32 v13, v12;
	v12 =	vadd.f32 v15, v14  }
0x20f: {  	v6 =	vadd.f32 v10, v6;
	v13 =	vadd.f32 v61, v60;
	v10 =	vld [tilespmem:s18+$0x11CE0]  }
0x210: {  	s16 =	simm.s32 $0x100;
	v8 =	vadd.f32 v8, v4;
	v4 =	vadd.f32 v12, v5;
	v12 =	vld [tilespmem:s18+$0x11D60]  }
0x211: {  	v5 =	vld [tilespmem:s16+$0x11CF0];
	s18 =	simm.s32 $0x800;
	v3 =	vadd.f32 v13, v3;
	v13 =	vadd.f32 v63, v62  }
.LBB2_18:
0x212: {  	p0 =	sne.s32 s18, $0xC400;
	v14 =	vld [tilespmem:s16+$0x11D70]  }
0x213: {  	v15 =	vld [tilespmem:s16+$0x11C80];
	v2 =	vadd.f32 v13, v2;
	v9 =	vadd.f32 v11, v9  }
0x214: {  	v11 =	vld [tilespmem:s16+$0x11D00]  }
0x215: {  	v13 =	vld [tilespmem:s16+$0x11C90];
	v1 =	vadd.f32 v9, v1;
	v9 =	vadd.f32 v12, v10  }
0x216: {  	v10 =	vld [tilespmem:s16+$0x11D10]  }
0x217: {  	v12 =	vld [tilespmem:s16+$0x11CA0];
	v5 =	vadd.f32 v14, v5;
	v0 =	vadd.f32 v9, v0  }
0x218: {  	v9 =	vld [tilespmem:s16+$0x11D20]  }
0x219: {  	v11 =	vadd.f32 v11, v15;
	v14 =	vld [tilespmem:s16+$0x11CB0];
	v7 =	vadd.f32 v5, v7  }
0x21a: {  	v5 =	vld [tilespmem:s16+$0x11D30]  }
0x21b: {  	v6 =	vadd.f32 v11, v6;
	v10 =	vadd.f32 v10, v13;
	v13 =	vld [tilespmem:s16+$0x11CC0]  }
0x21c: {  	v15 =	vld [tilespmem:s16+$0x11D40]  }
.Ltmp8:
0x21d: {  	v8 =	vadd.f32 v10, v8;
	v10 =	vadd.f32 v9, v12;
	v9 =	vld [tilespmem:s16+$0x11CD0];
	(pc) =	sbr.rel @p0 .LBB2_18-.Ltmp8, $4  }
0x21e: {  	v11 =	vld [tilespmem:s16+$0x11D50]  }
0x21f: {  	v4 =	vadd.f32 v10, v4;
	v14 =	vadd.f32 v5, v14;
	v10 =	vld [tilespmem:s16+$0x11CE0]  }
0x220: {  	v12 =	vld [tilespmem:s16+$0x11D60];
	s16 =	sshra.s32 s18, $0x2  }
0x221: {  	s18 =	sadd.s32 $0x400, s18;
	v5 =	vld [tilespmem:s16+$0x11CF0];
	v3 =	vadd.f32 v14, v3;
	v13 =	vadd.f32 v15, v13  }
0x222: {  	v14 =	vld [tilespmem:s16+$0x11C80]  }
0x223: {  	v15 =	vld [tilespmem:s16+$0x11D00]  }
0x224: {  	v16 =	vld [tilespmem:s16+$0x11C90]  }
0x225: {  	v17 =	vld [tilespmem:s16+$0x11D10]  }
0x226: {  	v18 =	vld [tilespmem:s16+$0x11CA0]  }
0x227: {  	v19 =	vld [tilespmem:s16+$0x11D20]  }
0x228: {  	v20 =	vld [tilespmem:s16+$0x11CB0]  }
0x229: {  	v21 =	vld [tilespmem:s16+$0x11D30]  }
0x22a: {  	v22 =	vld [tilespmem:s16+$0x11CC0]  }
0x22b: {  	v23 =	vld [tilespmem:s16+$0x11D40]  }
0x22c: {  	v50 =	vld [tilespmem:s16+$0x11CD0];
	v9 =	vadd.f32 v11, v9  }
0x22d: {  	v51 =	vld [tilespmem:s16+$0x11D50];
	v2 =	vadd.f32 v13, v2;
	v10 =	vadd.f32 v12, v10  }
0x22e: {  	v53 =	vld [tilespmem:s16+$0x11CE0];
	v1 =	vadd.f32 v9, v1;
	v52 =	vadd.f32 v15, v14  }
0x22f: {  	v55 =	vld [tilespmem:s16+$0x11D60];
	v0 =	vadd.f32 v10, v0;
	v54 =	vadd.f32 v17, v16  }
0x230: {  	v57 =	vld [tilespmem:s16+$0x11D70];
	v56 =	vadd.f32 v19, v18;
	v6 =	vadd.f32 v52, v6  }
0x231: {  	v58 =	vadd.f32 v21, v20;
	v8 =	vadd.f32 v54, v8  }
0x232: {  	v59 =	vadd.f32 v23, v22;
	v4 =	vadd.f32 v56, v4;
	[tilespmem:$0x8000] =	vst v6  }
0x233: {  	v60 =	vadd.f32 v51, v50;
	v3 =	vadd.f32 v58, v3;
	[tilespmem:$0x8010] =	vst v8  }
0x234: {  	v61 =	vadd.f32 v55, v53;
	v2 =	vadd.f32 v59, v2;
	[tilespmem:$0x8020] =	vst v4  }
0x235: {  	v62 =	vadd.f32 v57, v5;
	v1 =	vadd.f32 v60, v1;
	[tilespmem:$0x8030] =	vst v3  }
0x236: {  	v0 =	vadd.f32 v61, v0;
	[tilespmem:$0x8040] =	vst v2  }
0x237: {  	s14 =	sadd.s32 $0x1, s14;
	v63 =	vadd.f32 v62, v7;
	[tilespmem:$0x8050] =	vst v1  }
0x238: {  	p0 =	sne.s32 s14, s7;
	[tilespmem:$0x8060] =	vst v0  }
.Ltmp9:
0x239: {  	[tilespmem:$0x8070] =	vst v63;
	(pc) =	sbr.rel @p0 .LBB2_1-.Ltmp9, $4  }
0x23a: {  	[hbm4b:s6+s4] =	stream.linear.scatter [tilespmem:s9], [sflag:$0x9], $0x4000, $0x38;
	[tilespmem:$0x15080] =	vst v63  }
0x23b: {  	_ =	swait.ge [sflag:s8], $0x4000  }
0x23c: {  	[sflag:s8] =	ssyncset.done $0x0  }
0x23d: {  	[sflag:s8] =	ssyncadd.s32 $0xFFFFC000  }
0x23e: {  	_ =	sfence.sel $0x180000  }
0x23f: {  	[bflag:$0x0] =	sbarrier.arrive $0xFFFF  }
0x240: {  	_ =	strace $0x90000047  }
0x241: {  	s0 =	stileid.u32;
	[bflag:$0x2] =	sbarrier.arrive $0xFFFF  }
0x242: {  	p0 =	sne.s32 s0, $0x0;
	s0 =	rddreg [dreg:$0x4]  }
0x243: {  	s0 =	sadd.s32 @!p0 $0x100000, s0  }
0x244: {  	[sflag:s0] =	ssyncadd.tile.s32 @!p0 $0x1;
	_ =	shalt  }
.Lfunc_end2:
_tile_overlayer_lowered:
.L_overlay_start_2:
0x245: {  	(tag) =	ssettag $0x2  }
0x246: {  	s0 =	rddreg [dreg:$0x0];
	s2 =	stileid.u32  }
0x247: {  	s1 =	rddreg [dreg:$0x1];
	p0 =	sne.s32 s2, $0x0  }
0x248: {  	s3 =	rddreg [dreg:$0x2];
	[bflag:$0x3] =	sbarrier.arrive $0xFFFF;
	s2 =	simm.s32 @!p0 $0x1C09  }
0x249: {  	[timem:s3], [sflag:s2] =	dma.local @!p0 [hbm:s0], s1  }
0x24a: {  	s0 =	simm.s32 @!p0 $0x9  }
0x24b: {  	_ =	swait.ge @!p0 [sflag:s0], s1  }
0x24c: {  	s1 =	ssub.s32 @!p0 $0x0, s1;
	[sflag:s0] =	ssyncset.done @!p0 $0x0  }
0x24d: {  	[sflag:s0] =	ssyncadd.s32 @!p0 s1  }
0x24e: {  	[bflag:$0x3] =	sbarrier.arrive $0xFFFF  }
0x24f: {  	_ =	shalt  }

</sc_bundles>
